<compile_context>
chip_gen: v7x
topology: tpu7x:2x2x1
jax: 0.10.2.dev20260603
libtpu: 0.0.44.dev20260713+nightly
codegen_flags: <defaults>
</compile_context>

<pallas_src>
import functools

import jax
import jax.numpy as jnp
import numpy as np
from jax import lax
from jax.experimental import pallas as pl
from jax.experimental.pallas import tpu as pltpu
from jax.experimental.pallas import tpu_sc as plsc

B, L = 8, 1024
NS, NV = 128, 16
ES, EV = 32, 1
K = 30
N = B * L
E = N * K
NBLK = 128
NBLOCKS = N // NBLK
EBLK = NBLK * K
TD = NS + 3 * NV

_SC_NW = 32
_GCH = 128
_GCW = E // _SC_NW // _GCH


def _mm(a, b):
    return lax.dot_general(a, b, (((1,), (0,)), ((), ())),
                           precision=lax.Precision.DEFAULT,
                           preferred_element_type=jnp.float32)


def _tile(x):
    return jnp.concatenate([x] * K, axis=0)


def _ln(x, g, b):
    mu = jnp.mean(x, axis=-1, keepdims=True)
    var = jnp.mean((x - mu) ** 2, axis=-1, keepdims=True)
    return (x - mu) / jnp.sqrt(var + 1e-5) * g + b


def _vscale(Vp):
    return 1.0 / jnp.sqrt(
        jnp.mean(Vp[0] ** 2 + Vp[1] ** 2 + Vp[2] ** 2, axis=-1, keepdims=True)
        + 1e-8)




def _embed_node_body(ns_ref, nv_ref, cr_ref, wh, ws, bs, wv, wsv, bsv, wc,
                     out_ref):
    Vh = [_mm(nv_ref[:, 3 * c:3 * c + 3], wh[...]) for c in range(3)]
    vn = jnp.sqrt(Vh[0] ** 2 + Vh[1] ** 2 + Vh[2] ** 2 + 1e-8)
    s = _mm(ns_ref[...], ws[0:6]) + _mm(vn, ws[6:22]) + bs[...]
    gate = jax.nn.sigmoid(_mm(s, wsv[...]) + bsv[...])
    Vo = [_mm(v, wv[...]) * gate for v in Vh]
    s = jax.nn.relu(s) + _mm(cr_ref[...], wc[...])
    out_ref[...] = jnp.concatenate([s] + Vo, axis=1)


def _embed_edge_body(es_ref, ev_ref, wh, ws, bs, wv, wsv, bsv,
                     so_ref, vo_ref):
    whv = wh[...]
    Vh = [ev_ref[:, c:c + 1] * whv for c in range(3)]
    vn = jnp.sqrt(Vh[0] ** 2 + Vh[1] ** 2 + Vh[2] ** 2 + 1e-8)
    s = _mm(es_ref[...], ws[0:ES]) + vn * ws[ES:ES + 1] + bs[...]
    gate = jax.nn.sigmoid(_mm(s, wsv[...]) + bsv[...])
    wvv = wv[...]
    so_ref[...] = jax.nn.relu(s)
    vo_ref[...] = jnp.concatenate([v * wvv * gate for v in Vh], axis=1)


_ST = 64


def _layer_body(tab, gath, esf, evf,
                whd1, whs1, whe1, wsd1, wss1, wse1, wsn1, bs1, wv1p, wsv1, bsv1,
                wh2p, wss2, wsn2, bs2, wv2p, wsv2, bsv2,
                wh3p, wss3, wsn3, bs3, wv3p, wsv3, bsv3,
                g1, b1,
                fh1, fws1, fbs1, fwv1, fwsv1, fbsv1,
                fh2, fws2, fbs2, fwv2, fwsv2, fbsv2,
                g2, b2,
                out_ref):
    sblk = tab[:, :NS]
    Vd48 = tab[:, NS:NS + 3 * NV]
    ss = gath[:, :NS]
    Vs48 = gath[:, NS:NS + 3 * NV]
    es = esf[...]
    ev = evf[...]

    Vh = (_tile(_mm(Vd48, whd1[...])) + _mm(Vs48, whs1[...])
          + _mm(ev, whe1[...]))
    h1 = [Vh[:, c * _ST:c * _ST + 33] for c in range(3)]
    vn = jnp.sqrt(h1[0] ** 2 + h1[1] ** 2 + h1[2] ** 2 + 1e-8)
    s1 = (_tile(_mm(sblk, wsd1[...])) + _mm(ss, wss1[...])
          + _mm(es, wse1[...]) + _mm(vn, wsn1[...]) + bs1[...])
    gate = jax.nn.sigmoid(_mm(s1, wsv1[...]) + bsv1[...])
    V1 = _mm(Vh, wv1p[...]) * jnp.concatenate([gate] * 3, axis=1)
    s1 = jax.nn.relu(s1)

    Vh2 = _mm(V1, wh2p[...])
    p2 = [Vh2[:, c * NV:(c + 1) * NV] for c in range(3)]
    vn2 = jnp.sqrt(p2[0] ** 2 + p2[1] ** 2 + p2[2] ** 2 + 1e-8)
    s2 = _mm(s1, wss2[...]) + _mm(vn2, wsn2[...]) + bs2[...]
    gate2 = jax.nn.sigmoid(_mm(s2, wsv2[...]) + bsv2[...])
    V2 = _mm(Vh2, wv2p[...]) * jnp.concatenate([gate2] * 3, axis=1)
    s2 = jax.nn.relu(s2)

    Vh3 = _mm(V2, wh3p[...])
    p3 = [Vh3[:, c * NV:(c + 1) * NV] for c in range(3)]
    vn3 = jnp.sqrt(p3[0] ** 2 + p3[1] ** 2 + p3[2] ** 2 + 1e-8)
    s3 = _mm(s2, wss3[...]) + _mm(vn3, wsn3[...]) + bs3[...]
    gate3 = jax.nn.sigmoid(_mm(s3, wsv3[...]) + bsv3[...])
    V3 = _mm(Vh3, wv3p[...]) * jnp.concatenate([gate3] * 3, axis=1)

    inv_k = np.float32(1.0 / K)
    agg_s = jnp.sum(s3.reshape(K, NBLK, NS), axis=0) * inv_k
    aggV48 = jnp.sum(V3.reshape(K, NBLK, 3 * NV), axis=0) * inv_k

    sN = _ln(sblk + agg_s, g1[...], b1[...])
    Vsum48 = Vd48 + aggV48
    q = [Vsum48[:, c * NV:(c + 1) * NV] for c in range(3)]
    den = _vscale(q)
    Vsum = q
    VN = [v * den for v in Vsum]

    fVh = [_mm(v, fh1[...]) for v in VN]
    fvn = jnp.sqrt(fVh[0] ** 2 + fVh[1] ** 2 + fVh[2] ** 2 + 1e-8)
    fs = _mm(sN, fws1[0:NS]) + _mm(fvn, fws1[NS:]) + fbs1[...]
    fgate = jax.nn.sigmoid(_mm(fs, fwsv1[...]) + fbsv1[...])
    fV1 = [_mm(v, fwv1[...]) * fgate for v in fVh]
    fs = jax.nn.relu(fs)

    fVh2 = [_mm(v, fh2[...]) for v in fV1]
    fvn2 = jnp.sqrt(fVh2[0] ** 2 + fVh2[1] ** 2 + fVh2[2] ** 2 + 1e-8)
    fs2 = _mm(fs, fws2[0:2 * NS]) + _mm(fvn2, fws2[2 * NS:]) + fbs2[...]
    fgate2 = jax.nn.sigmoid(_mm(fs2, fwsv2[...]) + fbsv2[...])
    fV2 = [_mm(v, fwv2[...]) * fgate2 for v in fVh2]

    so = _ln(sN + fs2, g2[...], b2[...])
    Vsum2 = [VN[c] + fV2[c] for c in range(3)]
    den2 = _vscale(Vsum2)
    out_ref[...] = jnp.concatenate([so] + [v * den2 for v in Vsum2], axis=1)


def _full_spec(a):
    nd = a.ndim
    return pl.BlockSpec(a.shape, lambda i, _n=nd: (0,) * _n)


def _embed_node_call(node_s, nv, conf_rbf, p, w_conf):
    weights = (p["wh"], p["ws"], p["bs"].reshape(1, -1), p["wv"],
               p["wsv"], p["bsv"].reshape(1, -1), w_conf)
    return pl.pallas_call(
        _embed_node_body,
        grid=(NBLOCKS,),
        in_specs=[pl.BlockSpec((NBLK, 6), lambda i: (i, 0)),
                  pl.BlockSpec((NBLK, 9), lambda i: (i, 0)),
                  pl.BlockSpec((NBLK, 16), lambda i: (i, 0))]
                 + [_full_spec(w) for w in weights],
        out_specs=pl.BlockSpec((NBLK, TD), lambda i: (i, 0)),
        out_shape=jax.ShapeDtypeStruct((N, TD), jnp.float32),
    )(node_s, nv, conf_rbf, *weights)


def _embed_edge_call(e_s, e_v, p):
    weights = (p["wh"], p["ws"], p["bs"].reshape(1, -1), p["wv"],
               p["wsv"], p["bsv"].reshape(1, -1))
    return pl.pallas_call(
        _embed_edge_body,
        grid=(NBLOCKS,),
        in_specs=[pl.BlockSpec((EBLK, ES), lambda i: (i, 0)),
                  pl.BlockSpec((EBLK, 3), lambda i: (i, 0))]
                 + [_full_spec(w) for w in weights],
        out_specs=[pl.BlockSpec((EBLK, ES), lambda i: (i, 0)),
                   pl.BlockSpec((EBLK, 3), lambda i: (i, 0))],
        out_shape=[jax.ShapeDtypeStruct((E, ES), jnp.float32),
                   jax.ShapeDtypeStruct((E, 3), jnp.float32)],
    )(e_s, e_v, *weights)


def _blockdiag(w, sw_in, sw_out):
    ki, ko = w.shape
    out = jnp.zeros((3 * sw_in, 3 * sw_out), w.dtype)
    for c in range(3):
        out = out.at[c * sw_in:c * sw_in + ki,
                     c * sw_out:c * sw_out + ko].set(w)
    return out


def _layer_weights(lp):
    p1, p2, p3 = lp["msg"]
    out = [_blockdiag(p1["wh"][0:NV], NV, _ST),
           _blockdiag(p1["wh"][NV:2 * NV], NV, _ST),
           _blockdiag(p1["wh"][2 * NV:2 * NV + 1], 1, _ST),
           p1["ws"][0:NS], p1["ws"][NS:2 * NS],
           p1["ws"][2 * NS:2 * NS + ES], p1["ws"][2 * NS + ES:],
           p1["bs"].reshape(1, -1),
           _blockdiag(p1["wv"], _ST, NV),
           p1["wsv"], p1["bsv"].reshape(1, -1)]
    for p in (p2, p3):
        out += [_blockdiag(p["wh"], NV, NV),
                p["ws"][0:NS], p["ws"][NS:],
                p["bs"].reshape(1, -1),
                _blockdiag(p["wv"], NV, NV),
                p["wsv"], p["bsv"].reshape(1, -1)]
    out += [lp["ln1"]["g"].reshape(1, -1), lp["ln1"]["b"].reshape(1, -1)]
    for p in lp["ff"]:
        out += [p["wh"], p["ws"], p["bs"].reshape(1, -1), p["wv"],
                p["wsv"], p["bsv"].reshape(1, -1)]
    out += [lp["ln2"]["g"].reshape(1, -1), lp["ln2"]["b"].reshape(1, -1)]
    return out


def _layer_call(table, gath, esf, evf, weights):
    gw = gath.shape[1]
    return pl.pallas_call(
        _layer_body,
        grid=(NBLOCKS,),
        in_specs=[pl.BlockSpec((NBLK, TD), lambda i: (i, 0)),
                  pl.BlockSpec((EBLK, gw), lambda i: (i, 0)),
                  pl.BlockSpec((EBLK, ES), lambda i: (i, 0)),
                  pl.BlockSpec((EBLK, 3), lambda i: (i, 0))]
                 + [_full_spec(w) for w in weights],
        out_specs=pl.BlockSpec((NBLK, TD), lambda i: (i, 0)),
        out_shape=jax.ShapeDtypeStruct((N, TD), jnp.float32),
    )(table, gath, esf, evf, *weights)




def _sc_gather(table, idx3d):
    W = table.shape[1]
    mesh = plsc.VectorSubcoreMesh(core_axis_name="c", subcore_axis_name="s")

    @functools.partial(
        pl.kernel, mesh=mesh,
        out_type=jax.ShapeDtypeStruct((E, W), jnp.float32),
        compiler_params=pltpu.CompilerParams(use_tc_tiling_on_sc=False),
        scratch_types=[pltpu.VMEM((_GCW, _GCH), jnp.int32),
                       pltpu.VMEM((_GCH, W), jnp.float32),
                       pltpu.SemaphoreType.DMA])
    def gather_k(table_hbm, idx_hbm, out_hbm, idx_v, rows_v, sem):
        nc = mesh.num_cores
        wid = lax.axis_index("s") * nc + lax.axis_index("c")
        base = wid * (_GCW * _GCH)
        pltpu.sync_copy(idx_hbm.at[wid], idx_v)

        def step(j, carry):
            pltpu.async_copy(table_hbm.at[idx_v.at[j]], rows_v, sem).wait()
            pltpu.sync_copy(rows_v, out_hbm.at[pl.ds(base + j * _GCH, _GCH)])
            return carry

        lax.fori_loop(0, _GCW, step, 0)

    return gather_k(table, idx3d)




def _norm(x, axis=-1, keepdims=False, eps=1e-8):
    return jnp.sqrt(jnp.sum(x * x, axis=axis, keepdims=keepdims) + eps)


def _normalize(x, axis=-1):
    return x / _norm(x, axis=axis, keepdims=True)


def _rbf(d, d_min, d_max, d_count):
    mu = jnp.linspace(d_min, d_max, d_count)
    sigma = (d_max - d_min) / d_count
    return jnp.exp(-((d[..., None] - mu) / sigma) ** 2)


def _dihedrals(X):
    b = X.shape[0]
    Xf = X.reshape(b, -1, 3)
    dX = Xf[:, 1:] - Xf[:, :-1]
    U = _normalize(dX)
    u2, u1, u0 = U[:, :-2], U[:, 1:-1], U[:, 2:]
    n2 = _normalize(jnp.cross(u2, u1))
    n1 = _normalize(jnp.cross(u1, u0))
    cosD = jnp.clip(jnp.sum(n2 * n1, -1), -1 + 1e-7, 1 - 1e-7)
    D = jnp.sign(jnp.sum(u2 * n1, -1)) * jnp.arccos(cosD)
    D = jnp.pad(D, ((0, 0), (1, 2)))
    D = D.reshape(b, -1, 3)
    return jnp.concatenate([jnp.cos(D), jnp.sin(D)], -1)


def _orientations(Xca):
    f = _normalize(Xca[:, 1:] - Xca[:, :-1])
    bwd = _normalize(Xca[:, :-1] - Xca[:, 1:])
    f = jnp.pad(f, ((0, 0), (0, 1), (0, 0)))
    bwd = jnp.pad(bwd, ((0, 0), (1, 0), (0, 0)))
    return jnp.stack([f, bwd], axis=-2)


def _sidechains(X):
    n, ca, c = X[:, :, 0], X[:, :, 1], X[:, :, 2]
    c, n = _normalize(c - ca), _normalize(n - ca)
    bis = _normalize(c + n)
    perp = _normalize(jnp.cross(c, n))
    vec = -bis * (1.0 / np.sqrt(3.0)) - perp * np.sqrt(2.0 / 3.0)
    return vec[:, :, None, :]


_KRB = 32


def _knn_body(xq_ref, xbt_ref, pq_ref, pb_ref, out_ref):
    j = pl.program_id(1)
    d = jnp.zeros((_KRB, L), jnp.float32)
    for c in range(3):
        e = xq_ref[:, c:c + 1] - xbt_ref[0, c:c + 1, :]
        d = d + e * e
    candi = jax.lax.broadcasted_iota(jnp.int32, (_KRB, L), 1)
    row = (jax.lax.broadcasted_iota(jnp.int32, (_KRB, 1), 0) + j * _KRB)
    pad = pq_ref[...] | pb_ref[0, 0:1, :]
    d = jnp.where(pad, 1e12, d)
    d = d + jnp.where(candi == row, np.float32(1e12), np.float32(0.0))
    key = (jax.lax.bitcast_convert_type(d, jnp.int32) & jnp.int32(-1024)) | candi
    for t in range(K):
        m = jnp.min(key, axis=1, keepdims=True)
        out_ref[:, t:t + 1] = m & 1023
        key = jnp.where(key == m, jnp.int32(0x7FFFFFFF), key)
    out_ref[:, K:] = jnp.zeros((_KRB, 32 - K), jnp.int32)


def _knn_src(Xca, padding_mask, k):
    b, l = Xca.shape[0], Xca.shape[1]
    xq = Xca.reshape(b * l, 3)
    xbt = jnp.transpose(Xca, (0, 2, 1))
    pq = padding_mask.reshape(b * l, 1)
    pb = padding_mask.reshape(b, 1, l)
    idx = pl.pallas_call(
        _knn_body,
        grid=(b, l // _KRB),
        in_specs=[pl.BlockSpec((_KRB, 3), lambda i, j: (i * (l // _KRB) + j, 0)),
                  pl.BlockSpec((1, 3, l), lambda i, j: (i, 0, 0)),
                  pl.BlockSpec((_KRB, 1), lambda i, j: (i * (l // _KRB) + j, 0)),
                  pl.BlockSpec((1, 1, l), lambda i, j: (i, 0, 0))],
        out_specs=pl.BlockSpec((_KRB, 32), lambda i, j: (i * (l // _KRB) + j, 0)),
        out_shape=jax.ShapeDtypeStruct((b * l, 32), jnp.int32),
    )(xq, xbt, pq, pb)
    off = (jnp.arange(b, dtype=jnp.int32) * l)[:, None]
    return idx[:, :k] + jnp.repeat(off, l, axis=0)


def _pos_embed(d, num=16):
    freq = jnp.exp(jnp.arange(0, num, 2, dtype=jnp.float32)
                   * (-np.log(10000.0) / num))
    ang = d[:, None].astype(jnp.float32) * freq
    return jnp.concatenate([jnp.cos(ang), jnp.sin(ang)], -1)




def kernel(coords, coord_mask, res_idx, padding_mask, confidence, params):
    b, l = coords.shape[0], coords.shape[1]
    Xca = coords[:, :, 1]
    node_s = _dihedrals(coords).reshape(N, 6)
    node_v = jnp.concatenate([_orientations(Xca), _sidechains(coords)],
                             axis=-2).reshape(N, 3, 3)
    cm = coord_mask.reshape(N).astype(jnp.float32)
    node_s = node_s * cm[:, None]
    node_v = node_v * cm[:, None, None]
    nv = jnp.concatenate([node_v[:, :, c] for c in range(3)], axis=1)
    conf_rbf = _rbf(confidence.reshape(N), 0.0, 1.0, 16)

    table = _embed_node_call(node_s, nv, conf_rbf, params["embed_node"],
                             params["w_conf"])

    src = _knn_src(Xca, padding_mask, K)
    src_perm = src.reshape(NBLOCKS, NBLK, K).transpose(0, 2, 1).reshape(E)
    idx3d = src_perm.astype(jnp.int32).reshape(_SC_NW, _GCW, _GCH)

    Xf = Xca.reshape(N, 3)
    rif = res_idx.reshape(N).astype(jnp.float32)
    geo = jnp.concatenate(
        [Xf, rif[:, None], jnp.zeros((N, 12), jnp.float32)], axis=1)
    gath0 = _sc_gather(jnp.concatenate([table, geo], axis=1), idx3d)

    evec = (gath0[:, TD:TD + 3]
            - jnp.broadcast_to(Xf.reshape(NBLOCKS, 1, NBLK, 3),
                               (NBLOCKS, K, NBLK, 3)).reshape(E, 3))
    rd = (gath0[:, TD + 3]
          - jnp.broadcast_to(rif.reshape(NBLOCKS, 1, NBLK),
                             (NBLOCKS, K, NBLK)).reshape(E))
    e_s = jnp.concatenate([_rbf(_norm(evec), 0.0, 20.0, 16),
                           _pos_embed(rd, 16)], -1)
    e_v = _normalize(evec)
    esf, evf = _embed_edge_call(e_s, e_v, params["embed_edge"])

    gath = gath0
    for lp in params["layers"]:
        table = _layer_call(table, gath, esf, evf, _layer_weights(lp))
        if lp is not params["layers"][-1]:
            gath = _sc_gather(table, idx3d)

    s = table[:, :NS].reshape(b, l, NS)
    V = jnp.stack([table[:, NS + c * NV:NS + (c + 1) * NV]
                   for c in range(3)], axis=-1).reshape(b, l, NV, 3)
    return s, V

# --- scband reference (transcript-rebuilt; emitter-appended) ---
"""Pipeline reference for scband-gvpencoder-33535104647909 (READ-ONLY COPY).

The authoritative reference and input builder live on the scoring server;
editing this copy changes nothing except your own understanding.
"""

import jax, jax.numpy as jnp
import numpy as np

B, L = 8, 1024
NS, NV = 128, 16
ES, EV = 32, 1
K = 30
NUM_LAYERS = 3

def _norm(x, axis=-1, keepdims=False, eps=1e-8):
    return jnp.sqrt(jnp.sum(x * x, axis=axis, keepdims=keepdims) + eps)

def _normalize(x, axis=-1):
    return x / _norm(x, axis=axis, keepdims=True)

def _rbf(d, d_min, d_max, d_count):
    mu = jnp.linspace(d_min, d_max, d_count)
    sigma = (d_max - d_min) / d_count
    return jnp.exp(-((d[..., None] - mu) / sigma) ** 2)

def _gvp_params(key, si, vi, so, vo, scale=0.1):
    h = max(vi, vo)
    k0, k1, k2, k3 = jax.random.split(key, 4)
    return {"wh": jax.random.normal(k0, (vi, h)) * scale,
            "ws": jax.random.normal(k1, (si + h, so)) * scale,
            "bs": jnp.zeros((so,)),
            "wv": jax.random.normal(k2, (h, vo)) * scale,
            "wsv": jax.random.normal(k3, (so, vo)) * scale,
            "bsv": jnp.zeros((vo,))}

def _gvp(p, s, V, activate=True):
    Vh = jnp.einsum('...vc,vh->...hc', V, p["wh"])
    vn = _norm(Vh, axis=-1)
    s_out = jnp.concatenate([s, vn], axis=-1) @ p["ws"] + p["bs"]
    Vu = jnp.einsum('...hc,hk->...kc', Vh, p["wv"])
    gate = jax.nn.sigmoid(s_out @ p["wsv"] + p["bsv"])
    V_out = Vu * gate[..., None]
    if activate:
        s_out = jax.nn.relu(s_out)
    return s_out, V_out

def _ln_params(dim):
    return {"g": jnp.ones((dim,)), "b": jnp.zeros((dim,))}

def _ln_s(p, s):
    mu = s.mean(-1, keepdims=True)
    var = ((s - mu) ** 2).mean(-1, keepdims=True)
    return (s - mu) / jnp.sqrt(var + 1e-5) * p["g"] + p["b"]

def _ln_v(V):
    vn = jnp.sqrt(jnp.mean(jnp.sum(V * V, -1), -1, keepdims=True) + 1e-8)
    return V / vn[..., None]

def _dihedrals(X):
    b = X.shape[0]
    Xf = X.reshape(b, -1, 3)
    dX = Xf[:, 1:] - Xf[:, :-1]
    U = _normalize(dX)
    u2, u1, u0 = U[:, :-2], U[:, 1:-1], U[:, 2:]
    n2 = _normalize(jnp.cross(u2, u1))
    n1 = _normalize(jnp.cross(u1, u0))
    cosD = jnp.clip(jnp.sum(n2 * n1, -1), -1 + 1e-7, 1 - 1e-7)
    D = jnp.sign(jnp.sum(u2 * n1, -1)) * jnp.arccos(cosD)
    D = jnp.pad(D, ((0, 0), (1, 2)))
    D = D.reshape(b, -1, 3)
    return jnp.concatenate([jnp.cos(D), jnp.sin(D)], -1)

def _orientations(Xca):
    f = _normalize(Xca[:, 1:] - Xca[:, :-1])
    bwd = _normalize(Xca[:, :-1] - Xca[:, 1:])
    f = jnp.pad(f, ((0, 0), (0, 1), (0, 0)))
    bwd = jnp.pad(bwd, ((0, 0), (1, 0), (0, 0)))
    return jnp.stack([f, bwd], axis=-2)

def _sidechains(X):
    n, ca, c = X[:, :, 0], X[:, :, 1], X[:, :, 2]
    c, n = _normalize(c - ca), _normalize(n - ca)
    bis = _normalize(c + n)
    perp = _normalize(jnp.cross(c, n))
    vec = -bis * (1.0 / np.sqrt(3.0)) - perp * np.sqrt(2.0 / 3.0)
    return vec[:, :, None, :]

def _knn_edges(Xca, padding_mask, k):
    b, l = Xca.shape[0], Xca.shape[1]
    d = jnp.sum((Xca[:, :, None] - Xca[:, None, :]) ** 2, -1)
    m2 = padding_mask[:, None, :] | padding_mask[:, :, None]
    d = jnp.where(m2, 1e12, d)
    d = d + jnp.eye(l) * 1e12
    _, idx = jax.lax.top_k(-d, k)
    off = (jnp.arange(b) * l)[:, None, None]
    src = (idx + off).reshape(-1)
    dst = (jnp.broadcast_to(jnp.arange(l)[None, :, None], (b, l, k)) + off).reshape(-1)
    return jnp.stack([src, dst], 0)

def _pos_embed(d, num=16):
    freq = jnp.exp(jnp.arange(0, num, 2, dtype=jnp.float32) * (-np.log(10000.0) / num))
    ang = d[:, None].astype(jnp.float32) * freq
    return jnp.concatenate([jnp.cos(ang), jnp.sin(ang)], -1)

def _forward(coords, coord_mask, res_idx, padding_mask, confidence, params):
    b, l = coords.shape[0], coords.shape[1]
    Xca = coords[:, :, 1]
    node_s = _dihedrals(coords).reshape(b * l, 6)
    node_v = jnp.concatenate([_orientations(Xca), _sidechains(coords)], axis=-2).reshape(b * l, 3, 3)
    cm = coord_mask.reshape(b * l).astype(jnp.float32)
    node_s = node_s * cm[:, None]
    node_v = node_v * cm[:, None, None]
    s, V = _gvp(params["embed_node"], node_s, node_v)
    s = s + _rbf(confidence.reshape(b * l), 0.0, 1.0, 16) @ params["w_conf"]
    edge_index = _knn_edges(Xca, padding_mask, K)
    src, dst = edge_index[0], edge_index[1]
    Xf = Xca.reshape(b * l, 3)
    evec = Xf[src] - Xf[dst]
    ri = res_idx.reshape(b * l)
    e_s = jnp.concatenate([_rbf(_norm(evec), 0.0, 20.0, 16), _pos_embed(ri[src] - ri[dst], 16)], -1)
    e_V = _normalize(evec)[:, None, :]
    es_feat, eV_feat = _gvp(params["embed_edge"], e_s, e_V)
    n_nodes = b * l
    for lp in params["layers"]:
        ms = jnp.concatenate([s[dst], s[src], es_feat], -1)
        mV = jnp.concatenate([V[dst], V[src], eV_feat], -2)
        for i, p in enumerate(lp["msg"]):
            ms, mV = _gvp(p, ms, mV, activate=(i < len(lp["msg"]) - 1))
        agg_s = jax.ops.segment_sum(ms, dst, num_segments=n_nodes)
        agg_V = jax.ops.segment_sum(mV, dst, num_segments=n_nodes)
        cnt = jnp.maximum(jax.ops.segment_sum(jnp.ones_like(dst, dtype=jnp.float32), dst, num_segments=n_nodes), 1.0)
        s = _ln_s(lp["ln1"], s + agg_s / cnt[:, None])
        V = _ln_v(V + agg_V / cnt[:, None, None])
        fs, fV = s, V
        for i, p in enumerate(lp["ff"]):
            fs, fV = _gvp(p, fs, fV, activate=(i < len(lp["ff"]) - 1))
        s = _ln_s(lp["ln2"], s + fs)
        V = _ln_v(V + fV)
    return s.reshape(b, l, NS), V.reshape(b, l, NV, 3)

def _make_params(key):
    keys = jax.random.split(key, 3 + NUM_LAYERS)
    params = {"embed_node": _gvp_params(keys[0], 6, 3, NS, NV),
              "embed_edge": _gvp_params(keys[1], 32, 1, ES, EV),
              "w_conf": jax.random.normal(keys[2], (16, NS)) * 0.1,
              "layers": []}
    for i in range(NUM_LAYERS):
        lk = jax.random.split(keys[3 + i] if 3 + i < len(keys) else jax.random.fold_in(key, i), 5)
        layer = {"msg": [_gvp_params(lk[0], 2 * NS + ES, 2 * NV + EV, NS, NV),
                         _gvp_params(lk[1], NS, NV, NS, NV),
                         _gvp_params(lk[2], NS, NV, NS, NV)],
                 "ln1": _ln_params(NS),
                 "ff": [_gvp_params(lk[3], NS, NV, 2 * NS, NV),
                        _gvp_params(lk[4], 2 * NS, NV, NS, NV)],
                 "ln2": _ln_params(NS)}
        params["layers"].append(layer)
    return params

def setup_inputs(seed: int = 0):
    key = jax.random.key(seed)
    k1, k2, k3 = jax.random.split(key, 3)
    coords = jax.random.normal(k1, (B, L, 3, 3), dtype=jnp.float32) * 3.0
    coord_mask = jnp.ones((B, L), dtype=bool)
    res_idx = jnp.arange(B * L, dtype=jnp.int32).reshape(B, L)
    padding_mask = jnp.zeros((B, L), dtype=bool)
    confidence = jax.random.uniform(k2, (B, L), dtype=jnp.float32)
    params = _make_params(k3)
    return {"coords": coords, "coord_mask": coord_mask, "res_idx": res_idx,
            "padding_mask": padding_mask, "confidence": confidence, "params": params}

def reference(coords, coord_mask, res_idx, padding_mask, confidence, params):
    return _forward(coords, coord_mask, res_idx, padding_mask, confidence, params)

if __name__ == "__main__":
    import jax
    _d = setup_inputs()
    print(jax.jit(kernel)(*tuple(_d.values())))

</pallas_src>

<mosaic_0001>
#map = affine_map<(d0, d1) -> (0, 0)>
#map1 = affine_map<(d0, d1) -> (0, 0, 0)>
module attributes {stable_mosaic.version = 14 : i64} {
  func.func @gather_k(%arg0: i32, %arg1: i32, %arg2: memref<8192x192xf32, #tpu.memory_space<hbm>>, %arg3: memref<32x60x128xi32, #tpu.memory_space<hbm>>, %arg4: memref<245760x192xf32, #tpu.memory_space<hbm>>, %arg5: memref<60x128xi32, #tpu.memory_space<vmem>>, %arg6: memref<128x192xf32, #tpu.memory_space<vmem>>, %arg7: memref<!tpu.dma_semaphore, #tpu.memory_space<semaphore_mem>>) attributes {dimension_semantics = [#tpu.dimension_semantics<core_parallel>, #tpu.dimension_semantics<subcore_parallel>], iteration_bounds = array<i64: 2, 16>, scalar_prefetch = 0 : i64, scratch_operands = 3 : i64, tpu.core_type = #tpu.core_type<sc_vector_subcore>, window_params = [{transform_indices = #map}, {transform_indices = #map1}, {transform_indices = #map}]} {
    %mul3A = arith.constant 2 : i32
    %mul3A_0 = arith.muli %arg1, %mul3A : i32
    %add3A = arith.addi %mul3A_0, %arg0 : i32
    %mul3A_1 = arith.constant 7680 : i32
    %mul3A_2 = arith.muli %add3A, %mul3A_1 : i32
    "tpu.region"() ({
      %run_scoped3A = tpu.sem_alloc : memref<!tpu.dma_semaphore, #tpu.memory_space<semaphore_mem>>
      %dma_start3A = arith.constant 0 : i32
      %dma_start3A_8 = arith.constant 0 : i32
      %dma_start3A_9 = tpu.memref_slice %arg3[%add3A, %dma_start3A, %dma_start3A_8] : memref<32x60x128xi32, #tpu.memory_space<hbm>> -> memref<1x60x128xi32, #tpu.memory_space<hbm>>
      %dma_start3A_10 = tpu.memref_squeeze %dma_start3A_9 : memref<1x60x128xi32, #tpu.memory_space<hbm>> -> memref<60x128xi32, #tpu.memory_space<hbm>>
      %dma_start3A_11 = arith.constant 0 : i32
      %dma_start3A_12 = arith.constant 0 : i32
      %dma_start3A_13 = tpu.memref_slice %arg3[%add3A, %dma_start3A_11, %dma_start3A_12] : memref<32x60x128xi32, #tpu.memory_space<hbm>> -> memref<1x60x128xi32, #tpu.memory_space<hbm>>
      %dma_start3A_14 = tpu.memref_squeeze %dma_start3A_13 : memref<1x60x128xi32, #tpu.memory_space<hbm>> -> memref<60x128xi32, #tpu.memory_space<hbm>>
      tpu.enqueue_dma source(%dma_start3A_14 : memref<60x128xi32, #tpu.memory_space<hbm>>) target(%arg5 : memref<60x128xi32, #tpu.memory_space<vmem>>) target_semaphore(%run_scoped3A : memref<!tpu.dma_semaphore, #tpu.memory_space<semaphore_mem>>)
      %dma_wait3A = arith.constant 0 : i32
      %dma_wait3A_15 = arith.constant 0 : i32
      %dma_wait3A_16 = tpu.memref_slice %arg3[%add3A, %dma_wait3A, %dma_wait3A_15] : memref<32x60x128xi32, #tpu.memory_space<hbm>> -> memref<1x60x128xi32, #tpu.memory_space<hbm>>
      %dma_wait3A_17 = tpu.memref_squeeze %dma_wait3A_16 : memref<1x60x128xi32, #tpu.memory_space<hbm>> -> memref<60x128xi32, #tpu.memory_space<hbm>>
      %dma_wait3A_18 = arith.constant 0 : i32
      %dma_wait3A_19 = arith.constant 0 : i32
      %dma_wait3A_20 = tpu.memref_slice %arg3[%add3A, %dma_wait3A_18, %dma_wait3A_19] : memref<32x60x128xi32, #tpu.memory_space<hbm>> -> memref<1x60x128xi32, #tpu.memory_space<hbm>>
      %dma_wait3A_21 = tpu.memref_squeeze %dma_wait3A_20 : memref<1x60x128xi32, #tpu.memory_space<hbm>> -> memref<60x128xi32, #tpu.memory_space<hbm>>
      tpu.wait_dma2 semaphore(%run_scoped3A : memref<!tpu.dma_semaphore, #tpu.memory_space<semaphore_mem>>) src(%dma_wait3A_21 : memref<60x128xi32, #tpu.memory_space<hbm>>) dst(%arg5 : memref<60x128xi32, #tpu.memory_space<vmem>>)
      tpu.yield
    }) : () -> ()
    %scan3A = arith.constant 0 : i32
    %scan3A_3 = arith.constant 0 : i32
    %scan3A_4 = arith.constant 60 : i32
    %scan3A_5 = arith.addi %scan3A_3, %scan3A_4 : i32
    %scan3A_6 = arith.constant 1 : i32
    scf.for %scan3A_8 = %scan3A_3 to %scan3A_5 step %scan3A_6  : i32 {
      %dma_start3A = arith.constant 0 : i32
      %dma_start3A_9 = tpu.memref_slice %arg5[%scan3A_8, %dma_start3A] : memref<60x128xi32, #tpu.memory_space<vmem>> -> memref<1x128xi32, #tpu.memory_space<vmem>>
      %dma_start3A_10 = tpu.memref_squeeze %dma_start3A_9 : memref<1x128xi32, #tpu.memory_space<vmem>> -> memref<128xi32, #tpu.memory_space<vmem>>
      %dma_start3A_11 = arith.constant 0 : i32
      %dma_start3A_12 = arith.constant 0 : i32
      %dma_start3A_13 = tpu.memref_slice %arg2[%dma_start3A_11, %dma_start3A_12] : memref<8192x192xf32, #tpu.memory_space<hbm>> -> memref<8192x192xf32, #tpu.memory_space<hbm>>
      tpu.enqueue_indirect_dma source(%dma_start3A_13 : memref<8192x192xf32, #tpu.memory_space<hbm>>) target(%arg6 : memref<128x192xf32, #tpu.memory_space<vmem>>) offsets(%dma_start3A_10 : memref<128xi32, #tpu.memory_space<vmem>>) semaphore(%arg7 : memref<!tpu.dma_semaphore, #tpu.memory_space<semaphore_mem>>)
      %dma_wait3A = arith.constant 0 : i32
      %dma_wait3A_14 = tpu.memref_slice %arg5[%scan3A_8, %dma_wait3A] : memref<60x128xi32, #tpu.memory_space<vmem>> -> memref<1x128xi32, #tpu.memory_space<vmem>>
      %dma_wait3A_15 = tpu.memref_squeeze %dma_wait3A_14 : memref<1x128xi32, #tpu.memory_space<vmem>> -> memref<128xi32, #tpu.memory_space<vmem>>
      %dma_wait3A_16 = arith.constant 0 : i32
      %dma_wait3A_17 = arith.constant 0 : i32
      %dma_wait3A_18 = tpu.memref_slice %arg2[%dma_wait3A_16, %dma_wait3A_17] : memref<8192x192xf32, #tpu.memory_space<hbm>> -> memref<8192x192xf32, #tpu.memory_space<hbm>>
      tpu.wait_indirect_dma semaphore(%arg7 : memref<!tpu.dma_semaphore, #tpu.memory_space<semaphore_mem>>) src(%dma_wait3A_18 : memref<8192x192xf32, #tpu.memory_space<hbm>>) dst(%arg6 : memref<128x192xf32, #tpu.memory_space<vmem>>)
      %mul3A_19 = arith.constant 128 : i32
      %mul3A_20 = arith.muli %scan3A_8, %mul3A_19 : i32
      %add3A_21 = arith.addi %mul3A_2, %mul3A_20 : i32
      "tpu.region"() ({
        %run_scoped3A = tpu.sem_alloc : memref<!tpu.dma_semaphore, #tpu.memory_space<semaphore_mem>>
        %dma_start3A_22 = arith.constant 0 : i32
        %dma_start3A_23 = tpu.memref_slice %arg4[%add3A_21, %dma_start3A_22] : memref<245760x192xf32, #tpu.memory_space<hbm>> -> memref<128x192xf32, #tpu.memory_space<hbm>>
        %dma_start3A_24 = arith.constant 0 : i32
        %dma_start3A_25 = tpu.memref_slice %arg4[%add3A_21, %dma_start3A_24] : memref<245760x192xf32, #tpu.memory_space<hbm>> -> memref<128x192xf32, #tpu.memory_space<hbm>>
        tpu.enqueue_dma source(%arg6 : memref<128x192xf32, #tpu.memory_space<vmem>>) target(%dma_start3A_25 : memref<128x192xf32, #tpu.memory_space<hbm>>) target_semaphore(%run_scoped3A : memref<!tpu.dma_semaphore, #tpu.memory_space<semaphore_mem>>)
        %dma_wait3A_26 = arith.constant 0 : i32
        %dma_wait3A_27 = tpu.memref_slice %arg4[%add3A_21, %dma_wait3A_26] : memref<245760x192xf32, #tpu.memory_space<hbm>> -> memref<128x192xf32, #tpu.memory_space<hbm>>
        %dma_wait3A_28 = arith.constant 0 : i32
        %dma_wait3A_29 = tpu.memref_slice %arg4[%add3A_21, %dma_wait3A_28] : memref<245760x192xf32, #tpu.memory_space<hbm>> -> memref<128x192xf32, #tpu.memory_space<hbm>>
        tpu.wait_dma2 semaphore(%run_scoped3A : memref<!tpu.dma_semaphore, #tpu.memory_space<semaphore_mem>>) src(%arg6 : memref<128x192xf32, #tpu.memory_space<vmem>>) dst(%dma_wait3A_29 : memref<128x192xf32, #tpu.memory_space<hbm>>)
        tpu.yield
      }) : () -> ()
    }
    %scan3A_7 = arith.constant 60 : i32
    return
  }
}

#map = affine_map<(d0, d1) -> (0, 0)>
#map1 = affine_map<(d0, d1) -> (0, 0, 0)>
module attributes {stable_mosaic.version = 14 : i64} {
  func.func @gather_k(%arg0: i32, %arg1: i32, %arg2: memref<8192x176xf32, #tpu.memory_space<hbm>>, %arg3: memref<32x60x128xi32, #tpu.memory_space<hbm>>, %arg4: memref<245760x176xf32, #tpu.memory_space<hbm>>, %arg5: memref<60x128xi32, #tpu.memory_space<vmem>>, %arg6: memref<128x176xf32, #tpu.memory_space<vmem>>, %arg7: memref<!tpu.dma_semaphore, #tpu.memory_space<semaphore_mem>>) attributes {dimension_semantics = [#tpu.dimension_semantics<core_parallel>, #tpu.dimension_semantics<subcore_parallel>], iteration_bounds = array<i64: 2, 16>, scalar_prefetch = 0 : i64, scratch_operands = 3 : i64, tpu.core_type = #tpu.core_type<sc_vector_subcore>, window_params = [{transform_indices = #map}, {transform_indices = #map1}, {transform_indices = #map}]} {
    %mul3A = arith.constant 2 : i32
    %mul3A_0 = arith.muli %arg1, %mul3A : i32
    %add3A = arith.addi %mul3A_0, %arg0 : i32
    %mul3A_1 = arith.constant 7680 : i32
    %mul3A_2 = arith.muli %add3A, %mul3A_1 : i32
    "tpu.region"() ({
      %run_scoped3A = tpu.sem_alloc : memref<!tpu.dma_semaphore, #tpu.memory_space<semaphore_mem>>
      %dma_start3A = arith.constant 0 : i32
      %dma_start3A_8 = arith.constant 0 : i32
      %dma_start3A_9 = tpu.memref_slice %arg3[%add3A, %dma_start3A, %dma_start3A_8] : memref<32x60x128xi32, #tpu.memory_space<hbm>> -> memref<1x60x128xi32, #tpu.memory_space<hbm>>
      %dma_start3A_10 = tpu.memref_squeeze %dma_start3A_9 : memref<1x60x128xi32, #tpu.memory_space<hbm>> -> memref<60x128xi32, #tpu.memory_space<hbm>>
      %dma_start3A_11 = arith.constant 0 : i32
      %dma_start3A_12 = arith.constant 0 : i32
      %dma_start3A_13 = tpu.memref_slice %arg3[%add3A, %dma_start3A_11, %dma_start3A_12] : memref<32x60x128xi32, #tpu.memory_space<hbm>> -> memref<1x60x128xi32, #tpu.memory_space<hbm>>
      %dma_start3A_14 = tpu.memref_squeeze %dma_start3A_13 : memref<1x60x128xi32, #tpu.memory_space<hbm>> -> memref<60x128xi32, #tpu.memory_space<hbm>>
      tpu.enqueue_dma source(%dma_start3A_14 : memref<60x128xi32, #tpu.memory_space<hbm>>) target(%arg5 : memref<60x128xi32, #tpu.memory_space<vmem>>) target_semaphore(%run_scoped3A : memref<!tpu.dma_semaphore, #tpu.memory_space<semaphore_mem>>)
      %dma_wait3A = arith.constant 0 : i32
      %dma_wait3A_15 = arith.constant 0 : i32
      %dma_wait3A_16 = tpu.memref_slice %arg3[%add3A, %dma_wait3A, %dma_wait3A_15] : memref<32x60x128xi32, #tpu.memory_space<hbm>> -> memref<1x60x128xi32, #tpu.memory_space<hbm>>
      %dma_wait3A_17 = tpu.memref_squeeze %dma_wait3A_16 : memref<1x60x128xi32, #tpu.memory_space<hbm>> -> memref<60x128xi32, #tpu.memory_space<hbm>>
      %dma_wait3A_18 = arith.constant 0 : i32
      %dma_wait3A_19 = arith.constant 0 : i32
      %dma_wait3A_20 = tpu.memref_slice %arg3[%add3A, %dma_wait3A_18, %dma_wait3A_19] : memref<32x60x128xi32, #tpu.memory_space<hbm>> -> memref<1x60x128xi32, #tpu.memory_space<hbm>>
      %dma_wait3A_21 = tpu.memref_squeeze %dma_wait3A_20 : memref<1x60x128xi32, #tpu.memory_space<hbm>> -> memref<60x128xi32, #tpu.memory_space<hbm>>
      tpu.wait_dma2 semaphore(%run_scoped3A : memref<!tpu.dma_semaphore, #tpu.memory_space<semaphore_mem>>) src(%dma_wait3A_21 : memref<60x128xi32, #tpu.memory_space<hbm>>) dst(%arg5 : memref<60x128xi32, #tpu.memory_space<vmem>>)
      tpu.yield
    }) : () -> ()
    %scan3A = arith.constant 0 : i32
    %scan3A_3 = arith.constant 0 : i32
    %scan3A_4 = arith.constant 60 : i32
    %scan3A_5 = arith.addi %scan3A_3, %scan3A_4 : i32
    %scan3A_6 = arith.constant 1 : i32
    scf.for %scan3A_8 = %scan3A_3 to %scan3A_5 step %scan3A_6  : i32 {
      %dma_start3A = arith.constant 0 : i32
      %dma_start3A_9 = tpu.memref_slice %arg5[%scan3A_8, %dma_start3A] : memref<60x128xi32, #tpu.memory_space<vmem>> -> memref<1x128xi32, #tpu.memory_space<vmem>>
      %dma_start3A_10 = tpu.memref_squeeze %dma_start3A_9 : memref<1x128xi32, #tpu.memory_space<vmem>> -> memref<128xi32, #tpu.memory_space<vmem>>
      %dma_start3A_11 = arith.constant 0 : i32
      %dma_start3A_12 = arith.constant 0 : i32
      %dma_start3A_13 = tpu.memref_slice %arg2[%dma_start3A_11, %dma_start3A_12] : memref<8192x176xf32, #tpu.memory_space<hbm>> -> memref<8192x176xf32, #tpu.memory_space<hbm>>
      tpu.enqueue_indirect_dma source(%dma_start3A_13 : memref<8192x176xf32, #tpu.memory_space<hbm>>) target(%arg6 : memref<128x176xf32, #tpu.memory_space<vmem>>) offsets(%dma_start3A_10 : memref<128xi32, #tpu.memory_space<vmem>>) semaphore(%arg7 : memref<!tpu.dma_semaphore, #tpu.memory_space<semaphore_mem>>)
      %dma_wait3A = arith.constant 0 : i32
      %dma_wait3A_14 = tpu.memref_slice %arg5[%scan3A_8, %dma_wait3A] : memref<60x128xi32, #tpu.memory_space<vmem>> -> memref<1x128xi32, #tpu.memory_space<vmem>>
      %dma_wait3A_15 = tpu.memref_squeeze %dma_wait3A_14 : memref<1x128xi32, #tpu.memory_space<vmem>> -> memref<128xi32, #tpu.memory_space<vmem>>
      %dma_wait3A_16 = arith.constant 0 : i32
      %dma_wait3A_17 = arith.constant 0 : i32
      %dma_wait3A_18 = tpu.memref_slice %arg2[%dma_wait3A_16, %dma_wait3A_17] : memref<8192x176xf32, #tpu.memory_space<hbm>> -> memref<8192x176xf32, #tpu.memory_space<hbm>>
      tpu.wait_indirect_dma semaphore(%arg7 : memref<!tpu.dma_semaphore, #tpu.memory_space<semaphore_mem>>) src(%dma_wait3A_18 : memref<8192x176xf32, #tpu.memory_space<hbm>>) dst(%arg6 : memref<128x176xf32, #tpu.memory_space<vmem>>)
      %mul3A_19 = arith.constant 128 : i32
      %mul3A_20 = arith.muli %scan3A_8, %mul3A_19 : i32
      %add3A_21 = arith.addi %mul3A_2, %mul3A_20 : i32
      "tpu.region"() ({
        %run_scoped3A = tpu.sem_alloc : memref<!tpu.dma_semaphore, #tpu.memory_space<semaphore_mem>>
        %dma_start3A_22 = arith.constant 0 : i32
        %dma_start3A_23 = tpu.memref_slice %arg4[%add3A_21, %dma_start3A_22] : memref<245760x176xf32, #tpu.memory_space<hbm>> -> memref<128x176xf32, #tpu.memory_space<hbm>>
        %dma_start3A_24 = arith.constant 0 : i32
        %dma_start3A_25 = tpu.memref_slice %arg4[%add3A_21, %dma_start3A_24] : memref<245760x176xf32, #tpu.memory_space<hbm>> -> memref<128x176xf32, #tpu.memory_space<hbm>>
        tpu.enqueue_dma source(%arg6 : memref<128x176xf32, #tpu.memory_space<vmem>>) target(%dma_start3A_25 : memref<128x176xf32, #tpu.memory_space<hbm>>) target_semaphore(%run_scoped3A : memref<!tpu.dma_semaphore, #tpu.memory_space<semaphore_mem>>)
        %dma_wait3A_26 = arith.constant 0 : i32
        %dma_wait3A_27 = tpu.memref_slice %arg4[%add3A_21, %dma_wait3A_26] : memref<245760x176xf32, #tpu.memory_space<hbm>> -> memref<128x176xf32, #tpu.memory_space<hbm>>
        %dma_wait3A_28 = arith.constant 0 : i32
        %dma_wait3A_29 = tpu.memref_slice %arg4[%add3A_21, %dma_wait3A_28] : memref<245760x176xf32, #tpu.memory_space<hbm>> -> memref<128x176xf32, #tpu.memory_space<hbm>>
        tpu.wait_dma2 semaphore(%run_scoped3A : memref<!tpu.dma_semaphore, #tpu.memory_space<semaphore_mem>>) src(%arg6 : memref<128x176xf32, #tpu.memory_space<vmem>>) dst(%dma_wait3A_29 : memref<128x176xf32, #tpu.memory_space<hbm>>)
        tpu.yield
      }) : () -> ()
    }
    %scan3A_7 = arith.constant 60 : i32
    return
  }
}

#map = affine_map<(d0, d1) -> (0, 0)>
#map1 = affine_map<(d0, d1) -> (0, 0, 0)>
module attributes {stable_mosaic.version = 14 : i64} {
  func.func @gather_k(%arg0: i32, %arg1: i32, %arg2: memref<8192x176xf32, #tpu.memory_space<hbm>>, %arg3: memref<32x60x128xi32, #tpu.memory_space<hbm>>, %arg4: memref<245760x176xf32, #tpu.memory_space<hbm>>, %arg5: memref<60x128xi32, #tpu.memory_space<vmem>>, %arg6: memref<128x176xf32, #tpu.memory_space<vmem>>, %arg7: memref<!tpu.dma_semaphore, #tpu.memory_space<semaphore_mem>>) attributes {dimension_semantics = [#tpu.dimension_semantics<core_parallel>, #tpu.dimension_semantics<subcore_parallel>], iteration_bounds = array<i64: 2, 16>, scalar_prefetch = 0 : i64, scratch_operands = 3 : i64, tpu.core_type = #tpu.core_type<sc_vector_subcore>, window_params = [{transform_indices = #map}, {transform_indices = #map1}, {transform_indices = #map}]} {
    %mul3A = arith.constant 2 : i32
    %mul3A_0 = arith.muli %arg1, %mul3A : i32
    %add3A = arith.addi %mul3A_0, %arg0 : i32
    %mul3A_1 = arith.constant 7680 : i32
    %mul3A_2 = arith.muli %add3A, %mul3A_1 : i32
    "tpu.region"() ({
      %run_scoped3A = tpu.sem_alloc : memref<!tpu.dma_semaphore, #tpu.memory_space<semaphore_mem>>
      %dma_start3A = arith.constant 0 : i32
      %dma_start3A_8 = arith.constant 0 : i32
      %dma_start3A_9 = tpu.memref_slice %arg3[%add3A, %dma_start3A, %dma_start3A_8] : memref<32x60x128xi32, #tpu.memory_space<hbm>> -> memref<1x60x128xi32, #tpu.memory_space<hbm>>
      %dma_start3A_10 = tpu.memref_squeeze %dma_start3A_9 : memref<1x60x128xi32, #tpu.memory_space<hbm>> -> memref<60x128xi32, #tpu.memory_space<hbm>>
      %dma_start3A_11 = arith.constant 0 : i32
      %dma_start3A_12 = arith.constant 0 : i32
      %dma_start3A_13 = tpu.memref_slice %arg3[%add3A, %dma_start3A_11, %dma_start3A_12] : memref<32x60x128xi32, #tpu.memory_space<hbm>> -> memref<1x60x128xi32, #tpu.memory_space<hbm>>
      %dma_start3A_14 = tpu.memref_squeeze %dma_start3A_13 : memref<1x60x128xi32, #tpu.memory_space<hbm>> -> memref<60x128xi32, #tpu.memory_space<hbm>>
      tpu.enqueue_dma source(%dma_start3A_14 : memref<60x128xi32, #tpu.memory_space<hbm>>) target(%arg5 : memref<60x128xi32, #tpu.memory_space<vmem>>) target_semaphore(%run_scoped3A : memref<!tpu.dma_semaphore, #tpu.memory_space<semaphore_mem>>)
      %dma_wait3A = arith.constant 0 : i32
      %dma_wait3A_15 = arith.constant 0 : i32
      %dma_wait3A_16 = tpu.memref_slice %arg3[%add3A, %dma_wait3A, %dma_wait3A_15] : memref<32x60x128xi32, #tpu.memory_space<hbm>> -> memref<1x60x128xi32, #tpu.memory_space<hbm>>
      %dma_wait3A_17 = tpu.memref_squeeze %dma_wait3A_16 : memref<1x60x128xi32, #tpu.memory_space<hbm>> -> memref<60x128xi32, #tpu.memory_space<hbm>>
      %dma_wait3A_18 = arith.constant 0 : i32
      %dma_wait3A_19 = arith.constant 0 : i32
      %dma_wait3A_20 = tpu.memref_slice %arg3[%add3A, %dma_wait3A_18, %dma_wait3A_19] : memref<32x60x128xi32, #tpu.memory_space<hbm>> -> memref<1x60x128xi32, #tpu.memory_space<hbm>>
      %dma_wait3A_21 = tpu.memref_squeeze %dma_wait3A_20 : memref<1x60x128xi32, #tpu.memory_space<hbm>> -> memref<60x128xi32, #tpu.memory_space<hbm>>
      tpu.wait_dma2 semaphore(%run_scoped3A : memref<!tpu.dma_semaphore, #tpu.memory_space<semaphore_mem>>) src(%dma_wait3A_21 : memref<60x128xi32, #tpu.memory_space<hbm>>) dst(%arg5 : memref<60x128xi32, #tpu.memory_space<vmem>>)
      tpu.yield
    }) : () -> ()
    %scan3A = arith.constant 0 : i32
    %scan3A_3 = arith.constant 0 : i32
    %scan3A_4 = arith.constant 60 : i32
    %scan3A_5 = arith.addi %scan3A_3, %scan3A_4 : i32
    %scan3A_6 = arith.constant 1 : i32
    scf.for %scan3A_8 = %scan3A_3 to %scan3A_5 step %scan3A_6  : i32 {
      %dma_start3A = arith.constant 0 : i32
      %dma_start3A_9 = tpu.memref_slice %arg5[%scan3A_8, %dma_start3A] : memref<60x128xi32, #tpu.memory_space<vmem>> -> memref<1x128xi32, #tpu.memory_space<vmem>>
      %dma_start3A_10 = tpu.memref_squeeze %dma_start3A_9 : memref<1x128xi32, #tpu.memory_space<vmem>> -> memref<128xi32, #tpu.memory_space<vmem>>
      %dma_start3A_11 = arith.constant 0 : i32
      %dma_start3A_12 = arith.constant 0 : i32
      %dma_start3A_13 = tpu.memref_slice %arg2[%dma_start3A_11, %dma_start3A_12] : memref<8192x176xf32, #tpu.memory_space<hbm>> -> memref<8192x176xf32, #tpu.memory_space<hbm>>
      tpu.enqueue_indirect_dma source(%dma_start3A_13 : memref<8192x176xf32, #tpu.memory_space<hbm>>) target(%arg6 : memref<128x176xf32, #tpu.memory_space<vmem>>) offsets(%dma_start3A_10 : memref<128xi32, #tpu.memory_space<vmem>>) semaphore(%arg7 : memref<!tpu.dma_semaphore, #tpu.memory_space<semaphore_mem>>)
      %dma_wait3A = arith.constant 0 : i32
      %dma_wait3A_14 = tpu.memref_slice %arg5[%scan3A_8, %dma_wait3A] : memref<60x128xi32, #tpu.memory_space<vmem>> -> memref<1x128xi32, #tpu.memory_space<vmem>>
      %dma_wait3A_15 = tpu.memref_squeeze %dma_wait3A_14 : memref<1x128xi32, #tpu.memory_space<vmem>> -> memref<128xi32, #tpu.memory_space<vmem>>
      %dma_wait3A_16 = arith.constant 0 : i32
      %dma_wait3A_17 = arith.constant 0 : i32
      %dma_wait3A_18 = tpu.memref_slice %arg2[%dma_wait3A_16, %dma_wait3A_17] : memref<8192x176xf32, #tpu.memory_space<hbm>> -> memref<8192x176xf32, #tpu.memory_space<hbm>>
      tpu.wait_indirect_dma semaphore(%arg7 : memref<!tpu.dma_semaphore, #tpu.memory_space<semaphore_mem>>) src(%dma_wait3A_18 : memref<8192x176xf32, #tpu.memory_space<hbm>>) dst(%arg6 : memref<128x176xf32, #tpu.memory_space<vmem>>)
      %mul3A_19 = arith.constant 128 : i32
      %mul3A_20 = arith.muli %scan3A_8, %mul3A_19 : i32
      %add3A_21 = arith.addi %mul3A_2, %mul3A_20 : i32
      "tpu.region"() ({
        %run_scoped3A = tpu.sem_alloc : memref<!tpu.dma_semaphore, #tpu.memory_space<semaphore_mem>>
        %dma_start3A_22 = arith.constant 0 : i32
        %dma_start3A_23 = tpu.memref_slice %arg4[%add3A_21, %dma_start3A_22] : memref<245760x176xf32, #tpu.memory_space<hbm>> -> memref<128x176xf32, #tpu.memory_space<hbm>>
        %dma_start3A_24 = arith.constant 0 : i32
        %dma_start3A_25 = tpu.memref_slice %arg4[%add3A_21, %dma_start3A_24] : memref<245760x176xf32, #tpu.memory_space<hbm>> -> memref<128x176xf32, #tpu.memory_space<hbm>>
        tpu.enqueue_dma source(%arg6 : memref<128x176xf32, #tpu.memory_space<vmem>>) target(%dma_start3A_25 : memref<128x176xf32, #tpu.memory_space<hbm>>) target_semaphore(%run_scoped3A : memref<!tpu.dma_semaphore, #tpu.memory_space<semaphore_mem>>)
        %dma_wait3A_26 = arith.constant 0 : i32
        %dma_wait3A_27 = tpu.memref_slice %arg4[%add3A_21, %dma_wait3A_26] : memref<245760x176xf32, #tpu.memory_space<hbm>> -> memref<128x176xf32, #tpu.memory_space<hbm>>
        %dma_wait3A_28 = arith.constant 0 : i32
        %dma_wait3A_29 = tpu.memref_slice %arg4[%add3A_21, %dma_wait3A_28] : memref<245760x176xf32, #tpu.memory_space<hbm>> -> memref<128x176xf32, #tpu.memory_space<hbm>>
        tpu.wait_dma2 semaphore(%run_scoped3A : memref<!tpu.dma_semaphore, #tpu.memory_space<semaphore_mem>>) src(%arg6 : memref<128x176xf32, #tpu.memory_space<vmem>>) dst(%dma_wait3A_29 : memref<128x176xf32, #tpu.memory_space<hbm>>)
        tpu.yield
      }) : () -> ()
    }
    %scan3A_7 = arith.constant 60 : i32
    return
  }
}

module attributes {stable_mosaic.version = 14 : i64} {
  func.func @_embed_node_body(%arg0: i32, %arg1: memref<128x6xf32, #tpu.memory_space<vmem>>, %arg2: memref<128x9xf32, #tpu.memory_space<vmem>>, %arg3: memref<128x16xf32, #tpu.memory_space<vmem>>, %arg4: memref<3x16xf32, #tpu.memory_space<vmem>>, %arg5: memref<22x128xf32, #tpu.memory_space<vmem>>, %arg6: memref<1x128xf32, #tpu.memory_space<vmem>>, %arg7: memref<16x16xf32, #tpu.memory_space<vmem>>, %arg8: memref<128x16xf32, #tpu.memory_space<vmem>>, %arg9: memref<1x16xf32, #tpu.memory_space<vmem>>, %arg10: memref<16x128xf32, #tpu.memory_space<vmem>>, %arg11: memref<128x176xf32, #tpu.memory_space<vmem>>) attributes {dimension_semantics = [#tpu.dimension_semantics<arbitrary>], iteration_bounds = array<i64: 64>, scalar_prefetch = 0 : i64, scratch_operands = 0 : i64, tpu.core_type = #tpu.core_type<tc>, window_params = [{transform_indices = @transform_0, window_bounds = array<i64: 128, 6>}, {transform_indices = @transform_1, window_bounds = array<i64: 128, 9>}, {transform_indices = @transform_2, window_bounds = array<i64: 128, 16>}, {pipeline_mode = #tpu.pipeline_mode<synchronous>, transform_indices = @transform_3, window_bounds = array<i64: 3, 16>}, {pipeline_mode = #tpu.pipeline_mode<synchronous>, transform_indices = @transform_4, window_bounds = array<i64: 22, 128>}, {pipeline_mode = #tpu.pipeline_mode<synchronous>, transform_indices = @transform_5, window_bounds = array<i64: 1, 128>}, {pipeline_mode = #tpu.pipeline_mode<synchronous>, transform_indices = @transform_6, window_bounds = array<i64: 16, 16>}, {pipeline_mode = #tpu.pipeline_mode<synchronous>, transform_indices = @transform_7, window_bounds = array<i64: 128, 16>}, {pipeline_mode = #tpu.pipeline_mode<synchronous>, transform_indices = @transform_8, window_bounds = array<i64: 1, 16>}, {pipeline_mode = #tpu.pipeline_mode<synchronous>, transform_indices = @transform_9, window_bounds = array<i64: 16, 128>}, {transform_indices = @transform_10, window_bounds = array<i64: 128, 176>}]} {
    %get3A = arith.constant 0 : index
    %get3A_0 = arith.constant 0 : index
    %get3A_1 = vector.load %arg2[%get3A, %get3A_0] : memref<128x9xf32, #tpu.memory_space<vmem>>, vector<128x3xf32>
    %get3A_2 = arith.constant 0 : index
    %get3A_3 = arith.constant 0 : index
    %get3A_4 = vector.load %arg4[%get3A_2, %get3A_3] : memref<3x16xf32, #tpu.memory_space<vmem>>, vector<3x16xf32>
    %dot_general3A = arith.constant dense<0.000000e+00> : vector<128x16xf32>
    %dot_general3A_5 = tpu.matmul %get3A_1, %get3A_4, %dot_general3A {dimension_numbers = #tpu.dot_dimension_numbers<[1], [0], [0], [1], [0, 0, 1, 1], [], []>, transpose_lhs_hint = false} : vector<128x3xf32>, vector<3x16xf32>, vector<128x16xf32> -> vector<128x16xf32>
    %get3A_6 = arith.constant 0 : index
    %get3A_7 = arith.constant 3 : index
    %get3A_8 = vector.load %arg2[%get3A_6, %get3A_7] : memref<128x9xf32, #tpu.memory_space<vmem>>, vector<128x3xf32>
    %get3A_9 = arith.constant 0 : index
    %get3A_10 = arith.constant 0 : index
    %get3A_11 = vector.load %arg4[%get3A_9, %get3A_10] : memref<3x16xf32, #tpu.memory_space<vmem>>, vector<3x16xf32>
    %dot_general3A_12 = arith.constant dense<0.000000e+00> : vector<128x16xf32>
    %dot_general3A_13 = tpu.matmul %get3A_8, %get3A_11, %dot_general3A_12 {dimension_numbers = #tpu.dot_dimension_numbers<[1], [0], [0], [1], [0, 0, 1, 1], [], []>, transpose_lhs_hint = false} : vector<128x3xf32>, vector<3x16xf32>, vector<128x16xf32> -> vector<128x16xf32>
    %get3A_14 = arith.constant 0 : index
    %get3A_15 = arith.constant 6 : index
    %get3A_16 = vector.load %arg2[%get3A_14, %get3A_15] : memref<128x9xf32, #tpu.memory_space<vmem>>, vector<128x3xf32>
    %get3A_17 = arith.constant 0 : index
    %get3A_18 = arith.constant 0 : index
    %get3A_19 = vector.load %arg4[%get3A_17, %get3A_18] : memref<3x16xf32, #tpu.memory_space<vmem>>, vector<3x16xf32>
    %dot_general3A_20 = arith.constant dense<0.000000e+00> : vector<128x16xf32>
    %dot_general3A_21 = tpu.matmul %get3A_16, %get3A_19, %dot_general3A_20 {dimension_numbers = #tpu.dot_dimension_numbers<[1], [0], [0], [1], [0, 0, 1, 1], [], []>, transpose_lhs_hint = false} : vector<128x3xf32>, vector<3x16xf32>, vector<128x16xf32> -> vector<128x16xf32>
    %integer_pow3A = arith.mulf %dot_general3A_5, %dot_general3A_5 : vector<128x16xf32>
    %integer_pow3A_22 = arith.mulf %dot_general3A_13, %dot_general3A_13 : vector<128x16xf32>
    %add3A = arith.addf %integer_pow3A, %integer_pow3A_22 : vector<128x16xf32>
    %integer_pow3A_23 = arith.mulf %dot_general3A_21, %dot_general3A_21 : vector<128x16xf32>
    %add3A_24 = arith.addf %add3A, %integer_pow3A_23 : vector<128x16xf32>
    %add3A_25 = arith.constant 9.99999993E-9 : f32
    %add3A_26 = vector.broadcast %add3A_25 : f32 to vector<128x16xf32>
    %add3A_27 = arith.addf %add3A_24, %add3A_26 : vector<128x16xf32>
    %sqrt3A = math.sqrt %add3A_27 : vector<128x16xf32>
    %get3A_28 = arith.constant 0 : index
    %get3A_29 = arith.constant 0 : index
    %get3A_30 = vector.load %arg1[%get3A_28, %get3A_29] : memref<128x6xf32, #tpu.memory_space<vmem>>, vector<128x6xf32>
    %get3A_31 = arith.constant 0 : index
    %get3A_32 = arith.constant 0 : index
    %get3A_33 = vector.load %arg5[%get3A_31, %get3A_32] : memref<22x128xf32, #tpu.memory_space<vmem>>, vector<6x128xf32>
    %dot_general3A_34 = arith.constant dense<0.000000e+00> : vector<128x128xf32>
    %dot_general3A_35 = tpu.matmul %get3A_30, %get3A_33, %dot_general3A_34 {dimension_numbers = #tpu.dot_dimension_numbers<[1], [0], [0], [1], [0, 0, 1, 1], [], []>, transpose_lhs_hint = false} : vector<128x6xf32>, vector<6x128xf32>, vector<128x128xf32> -> vector<128x128xf32>
    %get3A_36 = arith.constant 6 : index
    %get3A_37 = arith.constant 0 : index
    %get3A_38 = vector.load %arg5[%get3A_36, %get3A_37] : memref<22x128xf32, #tpu.memory_space<vmem>>, vector<16x128xf32>
    %dot_general3A_39 = arith.constant dense<0.000000e+00> : vector<128x128xf32>
    %dot_general3A_40 = tpu.matmul %sqrt3A, %get3A_38, %dot_general3A_39 {dimension_numbers = #tpu.dot_dimension_numbers<[1], [0], [0], [1], [0, 0, 1, 1], [], []>, transpose_lhs_hint = false} : vector<128x16xf32>, vector<16x128xf32>, vector<128x128xf32> -> vector<128x128xf32>
    %add3A_41 = arith.addf %dot_general3A_35, %dot_general3A_40 : vector<128x128xf32>
    %get3A_42 = arith.constant 0 : index
    %get3A_43 = arith.constant 0 : index
    %get3A_44 = vector.load %arg6[%get3A_42, %get3A_43] : memref<1x128xf32, #tpu.memory_space<vmem>>, vector<1x128xf32>
    %add3A_45 = vector.broadcast %get3A_44 : vector<1x128xf32> to vector<128x128xf32>
    %add3A_46 = arith.addf %add3A_41, %add3A_45 : vector<128x128xf32>
    %get3A_47 = arith.constant 0 : index
    %get3A_48 = arith.constant 0 : index
    %get3A_49 = vector.load %arg8[%get3A_47, %get3A_48] : memref<128x16xf32, #tpu.memory_space<vmem>>, vector<128x16xf32>
    %dot_general3A_50 = arith.constant dense<0.000000e+00> : vector<128x16xf32>
    %dot_general3A_51 = tpu.matmul %add3A_46, %get3A_49, %dot_general3A_50 {dimension_numbers = #tpu.dot_dimension_numbers<[1], [0], [0], [1], [0, 0, 1, 1], [], []>, transpose_lhs_hint = false} : vector<128x128xf32>, vector<128x16xf32>, vector<128x16xf32> -> vector<128x16xf32>
    %get3A_52 = arith.constant 0 : index
    %get3A_53 = arith.constant 0 : index
    %get3A_54 = vector.load %arg9[%get3A_52, %get3A_53] : memref<1x16xf32, #tpu.memory_space<vmem>>, vector<1x16xf32>
    %add3A_55 = vector.broadcast %get3A_54 : vector<1x16xf32> to vector<128x16xf32>
    %add3A_56 = arith.addf %dot_general3A_51, %add3A_55 : vector<128x16xf32>
    %logistic3A = arith.negf %add3A_56 : vector<128x16xf32>
    %logistic3A_57 = math.exp %logistic3A : vector<128x16xf32>
    %logistic3A_58 = arith.constant 1.000000e+00 : f32
    %logistic3A_59 = vector.broadcast %logistic3A_58 : f32 to vector<128x16xf32>
    %logistic3A_60 = arith.addf %logistic3A_59, %logistic3A_57 : vector<128x16xf32>
    %logistic3A_61 = arith.divf %logistic3A_59, %logistic3A_60 : vector<128x16xf32>
    %get3A_62 = arith.constant 0 : index
    %get3A_63 = arith.constant 0 : index
    %get3A_64 = vector.load %arg7[%get3A_62, %get3A_63] : memref<16x16xf32, #tpu.memory_space<vmem>>, vector<16x16xf32>
    %dot_general3A_65 = arith.constant dense<0.000000e+00> : vector<128x16xf32>
    %dot_general3A_66 = tpu.matmul %dot_general3A_5, %get3A_64, %dot_general3A_65 {dimension_numbers = #tpu.dot_dimension_numbers<[1], [0], [0], [1], [0, 0, 1, 1], [], []>, transpose_lhs_hint = false} : vector<128x16xf32>, vector<16x16xf32>, vector<128x16xf32> -> vector<128x16xf32>
    %mul3A = arith.mulf %dot_general3A_66, %logistic3A_61 : vector<128x16xf32>
    %get3A_67 = arith.constant 0 : index
    %get3A_68 = arith.constant 0 : index
    %get3A_69 = vector.load %arg7[%get3A_67, %get3A_68] : memref<16x16xf32, #tpu.memory_space<vmem>>, vector<16x16xf32>
    %dot_general3A_70 = arith.constant dense<0.000000e+00> : vector<128x16xf32>
    %dot_general3A_71 = tpu.matmul %dot_general3A_13, %get3A_69, %dot_general3A_70 {dimension_numbers = #tpu.dot_dimension_numbers<[1], [0], [0], [1], [0, 0, 1, 1], [], []>, transpose_lhs_hint = false} : vector<128x16xf32>, vector<16x16xf32>, vector<128x16xf32> -> vector<128x16xf32>
    %mul3A_72 = arith.mulf %dot_general3A_71, %logistic3A_61 : vector<128x16xf32>
    %get3A_73 = arith.constant 0 : index
    %get3A_74 = arith.constant 0 : index
    %get3A_75 = vector.load %arg7[%get3A_73, %get3A_74] : memref<16x16xf32, #tpu.memory_space<vmem>>, vector<16x16xf32>
    %dot_general3A_76 = arith.constant dense<0.000000e+00> : vector<128x16xf32>
    %dot_general3A_77 = tpu.matmul %dot_general3A_21, %get3A_75, %dot_general3A_76 {dimension_numbers = #tpu.dot_dimension_numbers<[1], [0], [0], [1], [0, 0, 1, 1], [], []>, transpose_lhs_hint = false} : vector<128x16xf32>, vector<16x16xf32>, vector<128x16xf32> -> vector<128x16xf32>
    %mul3A_78 = arith.mulf %dot_general3A_77, %logistic3A_61 : vector<128x16xf32>
    %max3A = arith.constant 0.000000e+00 : f32
    %max3A_79 = vector.broadcast %max3A : f32 to vector<128x128xf32>
    %max3A_80 = arith.maximumf %add3A_46, %max3A_79 : vector<128x128xf32>
    %get3A_81 = arith.constant 0 : index
    %get3A_82 = arith.constant 0 : index
    %get3A_83 = vector.load %arg3[%get3A_81, %get3A_82] : memref<128x16xf32, #tpu.memory_space<vmem>>, vector<128x16xf32>
    %get3A_84 = arith.constant 0 : index
    %get3A_85 = arith.constant 0 : index
    %get3A_86 = vector.load %arg10[%get3A_84, %get3A_85] : memref<16x128xf32, #tpu.memory_space<vmem>>, vector<16x128xf32>
    %dot_general3A_87 = arith.constant dense<0.000000e+00> : vector<128x128xf32>
    %dot_general3A_88 = tpu.matmul %get3A_83, %get3A_86, %dot_general3A_87 {dimension_numbers = #tpu.dot_dimension_numbers<[1], [0], [0], [1], [0, 0, 1, 1], [], []>, transpose_lhs_hint = false} : vector<128x16xf32>, vector<16x128xf32>, vector<128x128xf32> -> vector<128x128xf32>
    %add3A_89 = arith.addf %max3A_80, %dot_general3A_88 : vector<128x128xf32>
    %concatenate3A = tpu.concatenate %add3A_89, %mul3A, %mul3A_72, %mul3A_78 in 1 : vector<128x128xf32>, vector<128x16xf32>, vector<128x16xf32>, vector<128x16xf32> -> vector<128x176xf32>
    %swap3A = arith.constant 0 : index
    %swap3A_90 = arith.constant 0 : index
    %swap3A_91 = vector.load %arg11[%swap3A, %swap3A_90] : memref<128x176xf32, #tpu.memory_space<vmem>>, vector<128x176xf32>
    tpu.vector_store %arg11[%swap3A, %swap3A_90], %concatenate3A {strides = array<i32>} : memref<128x176xf32, #tpu.memory_space<vmem>>, vector<128x176xf32>,
    return
  }
  func.func @transform_0(%arg0: i32) -> (i32, i32) {
    %c0_i32 = arith.constant 0 : i32
    %c0_i32_0 = arith.constant 0 : i32
    return %arg0, %c0_i32 : i32, i32
  }
  func.func @transform_1(%arg0: i32) -> (i32, i32) {
    %c0_i32 = arith.constant 0 : i32
    %c0_i32_0 = arith.constant 0 : i32
    return %arg0, %c0_i32 : i32, i32
  }
  func.func @transform_2(%arg0: i32) -> (i32, i32) {
    %c0_i32 = arith.constant 0 : i32
    %c0_i32_0 = arith.constant 0 : i32
    return %arg0, %c0_i32 : i32, i32
  }
  func.func @transform_3(%arg0: i32) -> (i32, i32) {
    %c0_i32 = arith.constant 0 : i32
    %c0_i32_0 = arith.constant 0 : i32
    %c0_i32_1 = arith.constant 0 : i32
    return %c0_i32, %c0_i32_0 : i32, i32
  }
  func.func @transform_4(%arg0: i32) -> (i32, i32) {
    %c0_i32 = arith.constant 0 : i32
    %c0_i32_0 = arith.constant 0 : i32
    %c0_i32_1 = arith.constant 0 : i32
    return %c0_i32, %c0_i32_0 : i32, i32
  }
  func.func @transform_5(%arg0: i32) -> (i32, i32) {
    %c0_i32 = arith.constant 0 : i32
    %c0_i32_0 = arith.constant 0 : i32
    %c0_i32_1 = arith.constant 0 : i32
    return %c0_i32, %c0_i32_0 : i32, i32
  }
  func.func @transform_6(%arg0: i32) -> (i32, i32) {
    %c0_i32 = arith.constant 0 : i32
    %c0_i32_0 = arith.constant 0 : i32
    %c0_i32_1 = arith.constant 0 : i32
    return %c0_i32, %c0_i32_0 : i32, i32
  }
  func.func @transform_7(%arg0: i32) -> (i32, i32) {
    %c0_i32 = arith.constant 0 : i32
    %c0_i32_0 = arith.constant 0 : i32
    %c0_i32_1 = arith.constant 0 : i32
    return %c0_i32, %c0_i32_0 : i32, i32
  }
  func.func @transform_8(%arg0: i32) -> (i32, i32) {
    %c0_i32 = arith.constant 0 : i32
    %c0_i32_0 = arith.constant 0 : i32
    %c0_i32_1 = arith.constant 0 : i32
    return %c0_i32, %c0_i32_0 : i32, i32
  }
  func.func @transform_9(%arg0: i32) -> (i32, i32) {
    %c0_i32 = arith.constant 0 : i32
    %c0_i32_0 = arith.constant 0 : i32
    %c0_i32_1 = arith.constant 0 : i32
    return %c0_i32, %c0_i32_0 : i32, i32
  }
  func.func @transform_10(%arg0: i32) -> (i32, i32) {
    %c0_i32 = arith.constant 0 : i32
    %c0_i32_0 = arith.constant 0 : i32
    return %arg0, %c0_i32 : i32, i32
  }
}

module attributes {stable_mosaic.version = 14 : i64} {
  func.func @_knn_body(%arg0: i32, %arg1: i32, %arg2: memref<32x3xf32, #tpu.memory_space<vmem>>, %arg3: memref<1x3x1024xf32, #tpu.memory_space<vmem>>, %arg4: memref<32x1xi32, #tpu.memory_space<vmem>>, %arg5: memref<1x1x1024xi32, #tpu.memory_space<vmem>>, %arg6: memref<32x32xi32, #tpu.memory_space<vmem>>) attributes {dimension_semantics = [#tpu.dimension_semantics<arbitrary>, #tpu.dimension_semantics<arbitrary>], iteration_bounds = array<i64: 8, 32>, scalar_prefetch = 0 : i64, scratch_operands = 0 : i64, tpu.core_type = #tpu.core_type<tc>, window_params = [{transform_indices = @transform_0, window_bounds = array<i64: 32, 3>}, {transform_indices = @transform_1, window_bounds = array<i64: 1, 3, 1024>}, {transform_indices = @transform_2, window_bounds = array<i64: 32, 1>}, {transform_indices = @transform_3, window_bounds = array<i64: 1, 1, 1024>}, {transform_indices = @transform_4, window_bounds = array<i64: 32, 32>}]} {
    %broadcast_in_dim3A = arith.constant 0.000000e+00 : f32
    %broadcast_in_dim3A_0 = vector.broadcast %broadcast_in_dim3A : f32 to vector<32x1024xf32>
    %get3A = arith.constant 0 : index
    %get3A_1 = arith.constant 0 : index
    %get3A_2 = vector.load %arg2[%get3A, %get3A_1] : memref<32x3xf32, #tpu.memory_space<vmem>>, vector<32x1xf32>
    %get3A_3 = arith.constant 0 : index
    %get3A_4 = arith.constant 0 : index
    %get3A_5 = arith.constant 0 : index
    %get3A_6 = vector.load %arg3[%get3A_3, %get3A_4, %get3A_5] : memref<1x3x1024xf32, #tpu.memory_space<vmem>>, vector<1x1x1024xf32>
    %get3A_7 = vector.shape_cast %get3A_6 : vector<1x1x1024xf32> to vector<1x1024xf32>
    %sub3A = vector.broadcast %get3A_2 : vector<32x1xf32> to vector<32x1024xf32>
    %sub3A_8 = vector.broadcast %get3A_7 : vector<1x1024xf32> to vector<32x1024xf32>
    %sub3A_9 = arith.subf %sub3A, %sub3A_8 : vector<32x1024xf32>
    %mul3A = arith.mulf %sub3A_9, %sub3A_9 : vector<32x1024xf32>
    %add3A = arith.addf %broadcast_in_dim3A_0, %mul3A : vector<32x1024xf32>
    %get3A_10 = arith.constant 0 : index
    %get3A_11 = arith.constant 1 : index
    %get3A_12 = vector.load %arg2[%get3A_10, %get3A_11] : memref<32x3xf32, #tpu.memory_space<vmem>>, vector<32x1xf32>
    %get3A_13 = arith.constant 0 : index
    %get3A_14 = arith.constant 1 : index
    %get3A_15 = arith.constant 0 : index
    %get3A_16 = vector.load %arg3[%get3A_13, %get3A_14, %get3A_15] : memref<1x3x1024xf32, #tpu.memory_space<vmem>>, vector<1x1x1024xf32>
    %get3A_17 = vector.shape_cast %get3A_16 : vector<1x1x1024xf32> to vector<1x1024xf32>
    %sub3A_18 = vector.broadcast %get3A_12 : vector<32x1xf32> to vector<32x1024xf32>
    %sub3A_19 = vector.broadcast %get3A_17 : vector<1x1024xf32> to vector<32x1024xf32>
    %sub3A_20 = arith.subf %sub3A_18, %sub3A_19 : vector<32x1024xf32>
    %mul3A_21 = arith.mulf %sub3A_20, %sub3A_20 : vector<32x1024xf32>
    %add3A_22 = arith.addf %add3A, %mul3A_21 : vector<32x1024xf32>
    %get3A_23 = arith.constant 0 : index
    %get3A_24 = arith.constant 2 : index
    %get3A_25 = vector.load %arg2[%get3A_23, %get3A_24] : memref<32x3xf32, #tpu.memory_space<vmem>>, vector<32x1xf32>
    %get3A_26 = arith.constant 0 : index
    %get3A_27 = arith.constant 2 : index
    %get3A_28 = arith.constant 0 : index
    %get3A_29 = vector.load %arg3[%get3A_26, %get3A_27, %get3A_28] : memref<1x3x1024xf32, #tpu.memory_space<vmem>>, vector<1x1x1024xf32>
    %get3A_30 = vector.shape_cast %get3A_29 : vector<1x1x1024xf32> to vector<1x1024xf32>
    %sub3A_31 = vector.broadcast %get3A_25 : vector<32x1xf32> to vector<32x1024xf32>
    %sub3A_32 = vector.broadcast %get3A_30 : vector<1x1024xf32> to vector<32x1024xf32>
    %sub3A_33 = arith.subf %sub3A_31, %sub3A_32 : vector<32x1024xf32>
    %mul3A_34 = arith.mulf %sub3A_33, %sub3A_33 : vector<32x1024xf32>
    %add3A_35 = arith.addf %add3A_22, %mul3A_34 : vector<32x1024xf32>
    %iota3A = tpu.iota {dimensions = array<i32: 1>} : vector<32x1024xi32>
    %iota3A_36 = tpu.iota {dimensions = array<i32: 0>} : vector<32x1xi32>
    %mul3A_37 = arith.constant 32 : i32
    %mul3A_38 = arith.muli %arg1, %mul3A_37 : i32
    %add3A_39 = vector.broadcast %mul3A_38 : i32 to vector<32x1xi32>
    %add3A_40 = arith.addi %iota3A_36, %add3A_39 : vector<32x1xi32>
    %get3A_41 = arith.constant 0 : index
    %get3A_42 = arith.constant 0 : index
    %get3A_43 = vector.load %arg4[%get3A_41, %get3A_42] : memref<32x1xi32, #tpu.memory_space<vmem>>, vector<32x1xi32>
    %get3A_44 = arith.constant dense<0> : vector<32x1xi32>
    %get3A_45 = arith.cmpi ne, %get3A_43, %get3A_44 : vector<32x1xi32>
    %get3A_46 = arith.constant 0 : index
    %get3A_47 = arith.constant 0 : index
    %get3A_48 = arith.constant 0 : index
    %get3A_49 = vector.load %arg5[%get3A_46, %get3A_47, %get3A_48] : memref<1x1x1024xi32, #tpu.memory_space<vmem>>, vector<1x1x1024xi32>
    %get3A_50 = vector.shape_cast %get3A_49 : vector<1x1x1024xi32> to vector<1x1024xi32>
    %get3A_51 = arith.constant dense<0> : vector<1x1024xi32>
    %get3A_52 = arith.cmpi ne, %get3A_50, %get3A_51 : vector<1x1024xi32>
    %or3A = vector.broadcast %get3A_45 : vector<32x1xi1> to vector<32x1024xi1>
    %or3A_53 = vector.broadcast %get3A_52 : vector<1x1024xi1> to vector<32x1024xi1>
    %or3A_54 = arith.ori %or3A, %or3A_53 : vector<32x1024xi1>
    %jit3A = arith.constant 9.99999995E+11 : f32
    %broadcast_in_dim3A_55 = vector.broadcast %jit3A : f32 to vector<32x1024xf32>
    %select_n3A = arith.select %or3A_54, %broadcast_in_dim3A_55, %add3A_35 : vector<32x1024xi1>, vector<32x1024xf32>
    %eq3A = vector.broadcast %add3A_40 : vector<32x1xi32> to vector<32x1024xi32>
    %eq3A_56 = arith.cmpi eq, %iota3A, %eq3A : vector<32x1024xi32>
    %jit3A_57 = arith.constant 9.99999995E+11 : f32
    %jit3A_58 = arith.constant 0.000000e+00 : f32
    %broadcast_in_dim3A_59 = vector.broadcast %jit3A_57 : f32 to vector<32x1024xf32>
    %broadcast_in_dim3A_60 = vector.broadcast %jit3A_58 : f32 to vector<32x1024xf32>
    %select_n3A_61 = arith.select %eq3A_56, %broadcast_in_dim3A_59, %broadcast_in_dim3A_60 : vector<32x1024xi1>, vector<32x1024xf32>
    %add3A_62 = arith.addf %select_n3A, %select_n3A_61 : vector<32x1024xf32>
    %bitcast_convert_type3A = tpu.bitcast %add3A_62 : vector<32x1024xf32> -> vector<32x1024xi32>
    %and3A = arith.constant -1024 : i32
    %and3A_63 = vector.broadcast %and3A : i32 to vector<32x1024xi32>
    %and3A_64 = arith.andi %bitcast_convert_type3A, %and3A_63 : vector<32x1024xi32>
    %or3A_65 = arith.ori %and3A_64, %iota3A : vector<32x1024xi32>
    %reduce_min3A = arith.constant dense<2147483647> : vector<32xi32>
    %reduce_min3A_66 = vector.multi_reduction <minsi>, %or3A_65, %reduce_min3A [1] : vector<32x1024xi32> to vector<32xi32>
    %broadcast_in_dim3A_67 = vector.shape_cast %reduce_min3A_66 : vector<32xi32> to vector<32x1xi32>
    %and3A_68 = arith.constant 1023 : i32
    %and3A_69 = vector.broadcast %and3A_68 : i32 to vector<32x1xi32>
    %and3A_70 = arith.andi %broadcast_in_dim3A_67, %and3A_69 : vector<32x1xi32>
    %swap3A = arith.constant 0 : index
    %swap3A_71 = arith.constant 0 : index
    %swap3A_72 = vector.load %arg6[%swap3A, %swap3A_71] : memref<32x32xi32, #tpu.memory_space<vmem>>, vector<32x1xi32>
    tpu.vector_store %arg6[%swap3A, %swap3A_71], %and3A_70 {strides = array<i32>} : memref<32x32xi32, #tpu.memory_space<vmem>>, vector<32x1xi32>,
    %eq3A_73 = vector.broadcast %broadcast_in_dim3A_67 : vector<32x1xi32> to vector<32x1024xi32>
    %eq3A_74 = arith.cmpi eq, %or3A_65, %eq3A_73 : vector<32x1024xi32>
    %jit3A_75 = arith.constant 2147483647 : i32
    %broadcast_in_dim3A_76 = vector.broadcast %jit3A_75 : i32 to vector<32x1024xi32>
    %select_n3A_77 = arith.select %eq3A_74, %broadcast_in_dim3A_76, %or3A_65 : vector<32x1024xi1>, vector<32x1024xi32>
    %reduce_min3A_78 = arith.constant dense<2147483647> : vector<32xi32>
    %reduce_min3A_79 = vector.multi_reduction <minsi>, %select_n3A_77, %reduce_min3A_78 [1] : vector<32x1024xi32> to vector<32xi32>
    %broadcast_in_dim3A_80 = vector.shape_cast %reduce_min3A_79 : vector<32xi32> to vector<32x1xi32>
    %and3A_81 = arith.constant 1023 : i32
    %and3A_82 = vector.broadcast %and3A_81 : i32 to vector<32x1xi32>
    %and3A_83 = arith.andi %broadcast_in_dim3A_80, %and3A_82 : vector<32x1xi32>
    %swap3A_84 = arith.constant 0 : index
    %swap3A_85 = arith.constant 1 : index
    %swap3A_86 = vector.load %arg6[%swap3A_84, %swap3A_85] : memref<32x32xi32, #tpu.memory_space<vmem>>, vector<32x1xi32>
    tpu.vector_store %arg6[%swap3A_84, %swap3A_85], %and3A_83 {strides = array<i32>} : memref<32x32xi32, #tpu.memory_space<vmem>>, vector<32x1xi32>,
    %eq3A_87 = vector.broadcast %broadcast_in_dim3A_80 : vector<32x1xi32> to vector<32x1024xi32>
    %eq3A_88 = arith.cmpi eq, %select_n3A_77, %eq3A_87 : vector<32x1024xi32>
    %jit3A_89 = arith.constant 2147483647 : i32
    %broadcast_in_dim3A_90 = vector.broadcast %jit3A_89 : i32 to vector<32x1024xi32>
    %select_n3A_91 = arith.select %eq3A_88, %broadcast_in_dim3A_90, %select_n3A_77 : vector<32x1024xi1>, vector<32x1024xi32>
    %reduce_min3A_92 = arith.constant dense<2147483647> : vector<32xi32>
    %reduce_min3A_93 = vector.multi_reduction <minsi>, %select_n3A_91, %reduce_min3A_92 [1] : vector<32x1024xi32> to vector<32xi32>
    %broadcast_in_dim3A_94 = vector.shape_cast %reduce_min3A_93 : vector<32xi32> to vector<32x1xi32>
    %and3A_95 = arith.constant 1023 : i32
    %and3A_96 = vector.broadcast %and3A_95 : i32 to vector<32x1xi32>
    %and3A_97 = arith.andi %broadcast_in_dim3A_94, %and3A_96 : vector<32x1xi32>
    %swap3A_98 = arith.constant 0 : index
    %swap3A_99 = arith.constant 2 : index
    %swap3A_100 = vector.load %arg6[%swap3A_98, %swap3A_99] : memref<32x32xi32, #tpu.memory_space<vmem>>, vector<32x1xi32>
    tpu.vector_store %arg6[%swap3A_98, %swap3A_99], %and3A_97 {strides = array<i32>} : memref<32x32xi32, #tpu.memory_space<vmem>>, vector<32x1xi32>,
    %eq3A_101 = vector.broadcast %broadcast_in_dim3A_94 : vector<32x1xi32> to vector<32x1024xi32>
    %eq3A_102 = arith.cmpi eq, %select_n3A_91, %eq3A_101 : vector<32x1024xi32>
    %jit3A_103 = arith.constant 2147483647 : i32
    %broadcast_in_dim3A_104 = vector.broadcast %jit3A_103 : i32 to vector<32x1024xi32>
    %select_n3A_105 = arith.select %eq3A_102, %broadcast_in_dim3A_104, %select_n3A_91 : vector<32x1024xi1>, vector<32x1024xi32>
    %reduce_min3A_106 = arith.constant dense<2147483647> : vector<32xi32>
    %reduce_min3A_107 = vector.multi_reduction <minsi>, %select_n3A_105, %reduce_min3A_106 [1] : vector<32x1024xi32> to vector<32xi32>
    %broadcast_in_dim3A_108 = vector.shape_cast %reduce_min3A_107 : vector<32xi32> to vector<32x1xi32>
    %and3A_109 = arith.constant 1023 : i32
    %and3A_110 = vector.broadcast %and3A_109 : i32 to vector<32x1xi32>
    %and3A_111 = arith.andi %broadcast_in_dim3A_108, %and3A_110 : vector<32x1xi32>
    %swap3A_112 = arith.constant 0 : index
    %swap3A_113 = arith.constant 3 : index
    %swap3A_114 = vector.load %arg6[%swap3A_112, %swap3A_113] : memref<32x32xi32, #tpu.memory_space<vmem>>, vector<32x1xi32>
    tpu.vector_store %arg6[%swap3A_112, %swap3A_113], %and3A_111 {strides = array<i32>} : memref<32x32xi32, #tpu.memory_space<vmem>>, vector<32x1xi32>,
    %eq3A_115 = vector.broadcast %broadcast_in_dim3A_108 : vector<32x1xi32> to vector<32x1024xi32>
    %eq3A_116 = arith.cmpi eq, %select_n3A_105, %eq3A_115 : vector<32x1024xi32>
    %jit3A_117 = arith.constant 2147483647 : i32
    %broadcast_in_dim3A_118 = vector.broadcast %jit3A_117 : i32 to vector<32x1024xi32>
    %select_n3A_119 = arith.select %eq3A_116, %broadcast_in_dim3A_118, %select_n3A_105 : vector<32x1024xi1>, vector<32x1024xi32>
    %reduce_min3A_120 = arith.constant dense<2147483647> : vector<32xi32>
    %reduce_min3A_121 = vector.multi_reduction <minsi>, %select_n3A_119, %reduce_min3A_120 [1] : vector<32x1024xi32> to vector<32xi32>
    %broadcast_in_dim3A_122 = vector.shape_cast %reduce_min3A_121 : vector<32xi32> to vector<32x1xi32>
    %and3A_123 = arith.constant 1023 : i32
    %and3A_124 = vector.broadcast %and3A_123 : i32 to vector<32x1xi32>
    %and3A_125 = arith.andi %broadcast_in_dim3A_122, %and3A_124 : vector<32x1xi32>
    %swap3A_126 = arith.constant 0 : index
    %swap3A_127 = arith.constant 4 : index
    %swap3A_128 = vector.load %arg6[%swap3A_126, %swap3A_127] : memref<32x32xi32, #tpu.memory_space<vmem>>, vector<32x1xi32>
    tpu.vector_store %arg6[%swap3A_126, %swap3A_127], %and3A_125 {strides = array<i32>} : memref<32x32xi32, #tpu.memory_space<vmem>>, vector<32x1xi32>,
    %eq3A_129 = vector.broadcast %broadcast_in_dim3A_122 : vector<32x1xi32> to vector<32x1024xi32>
    %eq3A_130 = arith.cmpi eq, %select_n3A_119, %eq3A_129 : vector<32x1024xi32>
    %jit3A_131 = arith.constant 2147483647 : i32
    %broadcast_in_dim3A_132 = vector.broadcast %jit3A_131 : i32 to vector<32x1024xi32>
    %select_n3A_133 = arith.select %eq3A_130, %broadcast_in_dim3A_132, %select_n3A_119 : vector<32x1024xi1>, vector<32x1024xi32>
    %reduce_min3A_134 = arith.constant dense<2147483647> : vector<32xi32>
    %reduce_min3A_135 = vector.multi_reduction <minsi>, %select_n3A_133, %reduce_min3A_134 [1] : vector<32x1024xi32> to vector<32xi32>
    %broadcast_in_dim3A_136 = vector.shape_cast %reduce_min3A_135 : vector<32xi32> to vector<32x1xi32>
    %and3A_137 = arith.constant 1023 : i32
    %and3A_138 = vector.broadcast %and3A_137 : i32 to vector<32x1xi32>
    %and3A_139 = arith.andi %broadcast_in_dim3A_136, %and3A_138 : vector<32x1xi32>
    %swap3A_140 = arith.constant 0 : index
    %swap3A_141 = arith.constant 5 : index
    %swap3A_142 = vector.load %arg6[%swap3A_140, %swap3A_141] : memref<32x32xi32, #tpu.memory_space<vmem>>, vector<32x1xi32>
    tpu.vector_store %arg6[%swap3A_140, %swap3A_141], %and3A_139 {strides = array<i32>} : memref<32x32xi32, #tpu.memory_space<vmem>>, vector<32x1xi32>,
    %eq3A_143 = vector.broadcast %broadcast_in_dim3A_136 : vector<32x1xi32> to vector<32x1024xi32>
    %eq3A_144 = arith.cmpi eq, %select_n3A_133, %eq3A_143 : vector<32x1024xi32>
    %jit3A_145 = arith.constant 2147483647 : i32
    %broadcast_in_dim3A_146 = vector.broadcast %jit3A_145 : i32 to vector<32x1024xi32>
    %select_n3A_147 = arith.select %eq3A_144, %broadcast_in_dim3A_146, %select_n3A_133 : vector<32x1024xi1>, vector<32x1024xi32>
    %reduce_min3A_148 = arith.constant dense<2147483647> : vector<32xi32>
    %reduce_min3A_149 = vector.multi_reduction <minsi>, %select_n3A_147, %reduce_min3A_148 [1] : vector<32x1024xi32> to vector<32xi32>
    %broadcast_in_dim3A_150 = vector.shape_cast %reduce_min3A_149 : vector<32xi32> to vector<32x1xi32>
    %and3A_151 = arith.constant 1023 : i32
    %and3A_152 = vector.broadcast %and3A_151 : i32 to vector<32x1xi32>
    %and3A_153 = arith.andi %broadcast_in_dim3A_150, %and3A_152 : vector<32x1xi32>
    %swap3A_154 = arith.constant 0 : index
    %swap3A_155 = arith.constant 6 : index
    %swap3A_156 = vector.load %arg6[%swap3A_154, %swap3A_155] : memref<32x32xi32, #tpu.memory_space<vmem>>, vector<32x1xi32>
    tpu.vector_store %arg6[%swap3A_154, %swap3A_155], %and3A_153 {strides = array<i32>} : memref<32x32xi32, #tpu.memory_space<vmem>>, vector<32x1xi32>,
    %eq3A_157 = vector.broadcast %broadcast_in_dim3A_150 : vector<32x1xi32> to vector<32x1024xi32>
    %eq3A_158 = arith.cmpi eq, %select_n3A_147, %eq3A_157 : vector<32x1024xi32>
    %jit3A_159 = arith.constant 2147483647 : i32
    %broadcast_in_dim3A_160 = vector.broadcast %jit3A_159 : i32 to vector<32x1024xi32>
    %select_n3A_161 = arith.select %eq3A_158, %broadcast_in_dim3A_160, %select_n3A_147 : vector<32x1024xi1>, vector<32x1024xi32>
    %reduce_min3A_162 = arith.constant dense<2147483647> : vector<32xi32>
    %reduce_min3A_163 = vector.multi_reduction <minsi>, %select_n3A_161, %reduce_min3A_162 [1] : vector<32x1024xi32> to vector<32xi32>
    %broadcast_in_dim3A_164 = vector.shape_cast %reduce_min3A_163 : vector<32xi32> to vector<32x1xi32>
    %and3A_165 = arith.constant 1023 : i32
    %and3A_166 = vector.broadcast %and3A_165 : i32 to vector<32x1xi32>
    %and3A_167 = arith.andi %broadcast_in_dim3A_164, %and3A_166 : vector<32x1xi32>
    %swap3A_168 = arith.constant 0 : index
    %swap3A_169 = arith.constant 7 : index
    %swap3A_170 = vector.load %arg6[%swap3A_168, %swap3A_169] : memref<32x32xi32, #tpu.memory_space<vmem>>, vector<32x1xi32>
    tpu.vector_store %arg6[%swap3A_168, %swap3A_169], %and3A_167 {strides = array<i32>} : memref<32x32xi32, #tpu.memory_space<vmem>>, vector<32x1xi32>,
    %eq3A_171 = vector.broadcast %broadcast_in_dim3A_164 : vector<32x1xi32> to vector<32x1024xi32>
    %eq3A_172 = arith.cmpi eq, %select_n3A_161, %eq3A_171 : vector<32x1024xi32>
    %jit3A_173 = arith.constant 2147483647 : i32
    %broadcast_in_dim3A_174 = vector.broadcast %jit3A_173 : i32 to vector<32x1024xi32>
    %select_n3A_175 = arith.select %eq3A_172, %broadcast_in_dim3A_174, %select_n3A_161 : vector<32x1024xi1>, vector<32x1024xi32>
    %reduce_min3A_176 = arith.constant dense<2147483647> : vector<32xi32>
    %reduce_min3A_177 = vector.multi_reduction <minsi>, %select_n3A_175, %reduce_min3A_176 [1] : vector<32x1024xi32> to vector<32xi32>
    %broadcast_in_dim3A_178 = vector.shape_cast %reduce_min3A_177 : vector<32xi32> to vector<32x1xi32>
    %and3A_179 = arith.constant 1023 : i32
    %and3A_180 = vector.broadcast %and3A_179 : i32 to vector<32x1xi32>
    %and3A_181 = arith.andi %broadcast_in_dim3A_178, %and3A_180 : vector<32x1xi32>
    %swap3A_182 = arith.constant 0 : index
    %swap3A_183 = arith.constant 8 : index
    %swap3A_184 = vector.load %arg6[%swap3A_182, %swap3A_183] : memref<32x32xi32, #tpu.memory_space<vmem>>, vector<32x1xi32>
    tpu.vector_store %arg6[%swap3A_182, %swap3A_183], %and3A_181 {strides = array<i32>} : memref<32x32xi32, #tpu.memory_space<vmem>>, vector<32x1xi32>,
    %eq3A_185 = vector.broadcast %broadcast_in_dim3A_178 : vector<32x1xi32> to vector<32x1024xi32>
    %eq3A_186 = arith.cmpi eq, %select_n3A_175, %eq3A_185 : vector<32x1024xi32>
    %jit3A_187 = arith.constant 2147483647 : i32
    %broadcast_in_dim3A_188 = vector.broadcast %jit3A_187 : i32 to vector<32x1024xi32>
    %select_n3A_189 = arith.select %eq3A_186, %broadcast_in_dim3A_188, %select_n3A_175 : vector<32x1024xi1>, vector<32x1024xi32>
    %reduce_min3A_190 = arith.constant dense<2147483647> : vector<32xi32>
    %reduce_min3A_191 = vector.multi_reduction <minsi>, %select_n3A_189, %reduce_min3A_190 [1] : vector<32x1024xi32> to vector<32xi32>
    %broadcast_in_dim3A_192 = vector.shape_cast %reduce_min3A_191 : vector<32xi32> to vector<32x1xi32>
    %and3A_193 = arith.constant 1023 : i32
    %and3A_194 = vector.broadcast %and3A_193 : i32 to vector<32x1xi32>
    %and3A_195 = arith.andi %broadcast_in_dim3A_192, %and3A_194 : vector<32x1xi32>
    %swap3A_196 = arith.constant 0 : index
    %swap3A_197 = arith.constant 9 : index
    %swap3A_198 = vector.load %arg6[%swap3A_196, %swap3A_197] : memref<32x32xi32, #tpu.memory_space<vmem>>, vector<32x1xi32>
    tpu.vector_store %arg6[%swap3A_196, %swap3A_197], %and3A_195 {strides = array<i32>} : memref<32x32xi32, #tpu.memory_space<vmem>>, vector<32x1xi32>,
    %eq3A_199 = vector.broadcast %broadcast_in_dim3A_192 : vector<32x1xi32> to vector<32x1024xi32>
    %eq3A_200 = arith.cmpi eq, %select_n3A_189, %eq3A_199 : vector<32x1024xi32>
    %jit3A_201 = arith.constant 2147483647 : i32
    %broadcast_in_dim3A_202 = vector.broadcast %jit3A_201 : i32 to vector<32x1024xi32>
    %select_n3A_203 = arith.select %eq3A_200, %broadcast_in_dim3A_202, %select_n3A_189 : vector<32x1024xi1>, vector<32x1024xi32>
    %reduce_min3A_204 = arith.constant dense<2147483647> : vector<32xi32>
    %reduce_min3A_205 = vector.multi_reduction <minsi>, %select_n3A_203, %reduce_min3A_204 [1] : vector<32x1024xi32> to vector<32xi32>
    %broadcast_in_dim3A_206 = vector.shape_cast %reduce_min3A_205 : vector<32xi32> to vector<32x1xi32>
    %and3A_207 = arith.constant 1023 : i32
    %and3A_208 = vector.broadcast %and3A_207 : i32 to vector<32x1xi32>
    %and3A_209 = arith.andi %broadcast_in_dim3A_206, %and3A_208 : vector<32x1xi32>
    %swap3A_210 = arith.constant 0 : index
    %swap3A_211 = arith.constant 10 : index
    %swap3A_212 = vector.load %arg6[%swap3A_210, %swap3A_211] : memref<32x32xi32, #tpu.memory_space<vmem>>, vector<32x1xi32>
    tpu.vector_store %arg6[%swap3A_210, %swap3A_211], %and3A_209 {strides = array<i32>} : memref<32x32xi32, #tpu.memory_space<vmem>>, vector<32x1xi32>,
    %eq3A_213 = vector.broadcast %broadcast_in_dim3A_206 : vector<32x1xi32> to vector<32x1024xi32>
    %eq3A_214 = arith.cmpi eq, %select_n3A_203, %eq3A_213 : vector<32x1024xi32>
    %jit3A_215 = arith.constant 2147483647 : i32
    %broadcast_in_dim3A_216 = vector.broadcast %jit3A_215 : i32 to vector<32x1024xi32>
    %select_n3A_217 = arith.select %eq3A_214, %broadcast_in_dim3A_216, %select_n3A_203 : vector<32x1024xi1>, vector<32x1024xi32>
    %reduce_min3A_218 = arith.constant dense<2147483647> : vector<32xi32>
    %reduce_min3A_219 = vector.multi_reduction <minsi>, %select_n3A_217, %reduce_min3A_218 [1] : vector<32x1024xi32> to vector<32xi32>
    %broadcast_in_dim3A_220 = vector.shape_cast %reduce_min3A_219 : vector<32xi32> to vector<32x1xi32>
    %and3A_221 = arith.constant 1023 : i32
    %and3A_222 = vector.broadcast %and3A_221 : i32 to vector<32x1xi32>
    %and3A_223 = arith.andi %broadcast_in_dim3A_220, %and3A_222 : vector<32x1xi32>
    %swap3A_224 = arith.constant 0 : index
    %swap3A_225 = arith.constant 11 : index
    %swap3A_226 = vector.load %arg6[%swap3A_224, %swap3A_225] : memref<32x32xi32, #tpu.memory_space<vmem>>, vector<32x1xi32>
    tpu.vector_store %arg6[%swap3A_224, %swap3A_225], %and3A_223 {strides = array<i32>} : memref<32x32xi32, #tpu.memory_space<vmem>>, vector<32x1xi32>,
    %eq3A_227 = vector.broadcast %broadcast_in_dim3A_220 : vector<32x1xi32> to vector<32x1024xi32>
    %eq3A_228 = arith.cmpi eq, %select_n3A_217, %eq3A_227 : vector<32x1024xi32>
    %jit3A_229 = arith.constant 2147483647 : i32
    %broadcast_in_dim3A_230 = vector.broadcast %jit3A_229 : i32 to vector<32x1024xi32>
    %select_n3A_231 = arith.select %eq3A_228, %broadcast_in_dim3A_230, %select_n3A_217 : vector<32x1024xi1>, vector<32x1024xi32>
    %reduce_min3A_232 = arith.constant dense<2147483647> : vector<32xi32>
    %reduce_min3A_233 = vector.multi_reduction <minsi>, %select_n3A_231, %reduce_min3A_232 [1] : vector<32x1024xi32> to vector<32xi32>
    %broadcast_in_dim3A_234 = vector.shape_cast %reduce_min3A_233 : vector<32xi32> to vector<32x1xi32>
    %and3A_235 = arith.constant 1023 : i32
    %and3A_236 = vector.broadcast %and3A_235 : i32 to vector<32x1xi32>
    %and3A_237 = arith.andi %broadcast_in_dim3A_234, %and3A_236 : vector<32x1xi32>
    %swap3A_238 = arith.constant 0 : index
    %swap3A_239 = arith.constant 12 : index
    %swap3A_240 = vector.load %arg6[%swap3A_238, %swap3A_239] : memref<32x32xi32, #tpu.memory_space<vmem>>, vector<32x1xi32>
    tpu.vector_store %arg6[%swap3A_238, %swap3A_239], %and3A_237 {strides = array<i32>} : memref<32x32xi32, #tpu.memory_space<vmem>>, vector<32x1xi32>,
    %eq3A_241 = vector.broadcast %broadcast_in_dim3A_234 : vector<32x1xi32> to vector<32x1024xi32>
    %eq3A_242 = arith.cmpi eq, %select_n3A_231, %eq3A_241 : vector<32x1024xi32>
    %jit3A_243 = arith.constant 2147483647 : i32
    %broadcast_in_dim3A_244 = vector.broadcast %jit3A_243 : i32 to vector<32x1024xi32>
    %select_n3A_245 = arith.select %eq3A_242, %broadcast_in_dim3A_244, %select_n3A_231 : vector<32x1024xi1>, vector<32x1024xi32>
    %reduce_min3A_246 = arith.constant dense<2147483647> : vector<32xi32>
    %reduce_min3A_247 = vector.multi_reduction <minsi>, %select_n3A_245, %reduce_min3A_246 [1] : vector<32x1024xi32> to vector<32xi32>
    %broadcast_in_dim3A_248 = vector.shape_cast %reduce_min3A_247 : vector<32xi32> to vector<32x1xi32>
    %and3A_249 = arith.constant 1023 : i32
    %and3A_250 = vector.broadcast %and3A_249 : i32 to vector<32x1xi32>
    %and3A_251 = arith.andi %broadcast_in_dim3A_248, %and3A_250 : vector<32x1xi32>
    %swap3A_252 = arith.constant 0 : index
    %swap3A_253 = arith.constant 13 : index
    %swap3A_254 = vector.load %arg6[%swap3A_252, %swap3A_253] : memref<32x32xi32, #tpu.memory_space<vmem>>, vector<32x1xi32>
    tpu.vector_store %arg6[%swap3A_252, %swap3A_253], %and3A_251 {strides = array<i32>} : memref<32x32xi32, #tpu.memory_space<vmem>>, vector<32x1xi32>,
    %eq3A_255 = vector.broadcast %broadcast_in_dim3A_248 : vector<32x1xi32> to vector<32x1024xi32>
    %eq3A_256 = arith.cmpi eq, %select_n3A_245, %eq3A_255 : vector<32x1024xi32>
    %jit3A_257 = arith.constant 2147483647 : i32
    %broadcast_in_dim3A_258 = vector.broadcast %jit3A_257 : i32 to vector<32x1024xi32>
    %select_n3A_259 = arith.select %eq3A_256, %broadcast_in_dim3A_258, %select_n3A_245 : vector<32x1024xi1>, vector<32x1024xi32>
    %reduce_min3A_260 = arith.constant dense<2147483647> : vector<32xi32>
    %reduce_min3A_261 = vector.multi_reduction <minsi>, %select_n3A_259, %reduce_min3A_260 [1] : vector<32x1024xi32> to vector<32xi32>
    %broadcast_in_dim3A_262 = vector.shape_cast %reduce_min3A_261 : vector<32xi32> to vector<32x1xi32>
    %and3A_263 = arith.constant 1023 : i32
    %and3A_264 = vector.broadcast %and3A_263 : i32 to vector<32x1xi32>
    %and3A_265 = arith.andi %broadcast_in_dim3A_262, %and3A_264 : vector<32x1xi32>
    %swap3A_266 = arith.constant 0 : index
    %swap3A_267 = arith.constant 14 : index
    %swap3A_268 = vector.load %arg6[%swap3A_266, %swap3A_267] : memref<32x32xi32, #tpu.memory_space<vmem>>, vector<32x1xi32>
    tpu.vector_store %arg6[%swap3A_266, %swap3A_267], %and3A_265 {strides = array<i32>} : memref<32x32xi32, #tpu.memory_space<vmem>>, vector<32x1xi32>,
    %eq3A_269 = vector.broadcast %broadcast_in_dim3A_262 : vector<32x1xi32> to vector<32x1024xi32>
    %eq3A_270 = arith.cmpi eq, %select_n3A_259, %eq3A_269 : vector<32x1024xi32>
    %jit3A_271 = arith.constant 2147483647 : i32
    %broadcast_in_dim3A_272 = vector.broadcast %jit3A_271 : i32 to vector<32x1024xi32>
    %select_n3A_273 = arith.select %eq3A_270, %broadcast_in_dim3A_272, %select_n3A_259 : vector<32x1024xi1>, vector<32x1024xi32>
    %reduce_min3A_274 = arith.constant dense<2147483647> : vector<32xi32>
    %reduce_min3A_275 = vector.multi_reduction <minsi>, %select_n3A_273, %reduce_min3A_274 [1] : vector<32x1024xi32> to vector<32xi32>
    %broadcast_in_dim3A_276 = vector.shape_cast %reduce_min3A_275 : vector<32xi32> to vector<32x1xi32>
    %and3A_277 = arith.constant 1023 : i32
    %and3A_278 = vector.broadcast %and3A_277 : i32 to vector<32x1xi32>
    %and3A_279 = arith.andi %broadcast_in_dim3A_276, %and3A_278 : vector<32x1xi32>
    %swap3A_280 = arith.constant 0 : index
    %swap3A_281 = arith.constant 15 : index
    %swap3A_282 = vector.load %arg6[%swap3A_280, %swap3A_281] : memref<32x32xi32, #tpu.memory_space<vmem>>, vector<32x1xi32>
    tpu.vector_store %arg6[%swap3A_280, %swap3A_281], %and3A_279 {strides = array<i32>} : memref<32x32xi32, #tpu.memory_space<vmem>>, vector<32x1xi32>,
    %eq3A_283 = vector.broadcast %broadcast_in_dim3A_276 : vector<32x1xi32> to vector<32x1024xi32>
    %eq3A_284 = arith.cmpi eq, %select_n3A_273, %eq3A_283 : vector<32x1024xi32>
    %jit3A_285 = arith.constant 2147483647 : i32
    %broadcast_in_dim3A_286 = vector.broadcast %jit3A_285 : i32 to vector<32x1024xi32>
    %select_n3A_287 = arith.select %eq3A_284, %broadcast_in_dim3A_286, %select_n3A_273 : vector<32x1024xi1>, vector<32x1024xi32>
    %reduce_min3A_288 = arith.constant dense<2147483647> : vector<32xi32>
    %reduce_min3A_289 = vector.multi_reduction <minsi>, %select_n3A_287, %reduce_min3A_288 [1] : vector<32x1024xi32> to vector<32xi32>
    %broadcast_in_dim3A_290 = vector.shape_cast %reduce_min3A_289 : vector<32xi32> to vector<32x1xi32>
    %and3A_291 = arith.constant 1023 : i32
    %and3A_292 = vector.broadcast %and3A_291 : i32 to vector<32x1xi32>
    %and3A_293 = arith.andi %broadcast_in_dim3A_290, %and3A_292 : vector<32x1xi32>
    %swap3A_294 = arith.constant 0 : index
    %swap3A_295 = arith.constant 16 : index
    %swap3A_296 = vector.load %arg6[%swap3A_294, %swap3A_295] : memref<32x32xi32, #tpu.memory_space<vmem>>, vector<32x1xi32>
    tpu.vector_store %arg6[%swap3A_294, %swap3A_295], %and3A_293 {strides = array<i32>} : memref<32x32xi32, #tpu.memory_space<vmem>>, vector<32x1xi32>,
    %eq3A_297 = vector.broadcast %broadcast_in_dim3A_290 : vector<32x1xi32> to vector<32x1024xi32>
    %eq3A_298 = arith.cmpi eq, %select_n3A_287, %eq3A_297 : vector<32x1024xi32>
    %jit3A_299 = arith.constant 2147483647 : i32
    %broadcast_in_dim3A_300 = vector.broadcast %jit3A_299 : i32 to vector<32x1024xi32>
    %select_n3A_301 = arith.select %eq3A_298, %broadcast_in_dim3A_300, %select_n3A_287 : vector<32x1024xi1>, vector<32x1024xi32>
    %reduce_min3A_302 = arith.constant dense<2147483647> : vector<32xi32>
    %reduce_min3A_303 = vector.multi_reduction <minsi>, %select_n3A_301, %reduce_min3A_302 [1] : vector<32x1024xi32> to vector<32xi32>
    %broadcast_in_dim3A_304 = vector.shape_cast %reduce_min3A_303 : vector<32xi32> to vector<32x1xi32>
    %and3A_305 = arith.constant 1023 : i32
    %and3A_306 = vector.broadcast %and3A_305 : i32 to vector<32x1xi32>
    %and3A_307 = arith.andi %broadcast_in_dim3A_304, %and3A_306 : vector<32x1xi32>
    %swap3A_308 = arith.constant 0 : index
    %swap3A_309 = arith.constant 17 : index
    %swap3A_310 = vector.load %arg6[%swap3A_308, %swap3A_309] : memref<32x32xi32, #tpu.memory_space<vmem>>, vector<32x1xi32>
    tpu.vector_store %arg6[%swap3A_308, %swap3A_309], %and3A_307 {strides = array<i32>} : memref<32x32xi32, #tpu.memory_space<vmem>>, vector<32x1xi32>,
    %eq3A_311 = vector.broadcast %broadcast_in_dim3A_304 : vector<32x1xi32> to vector<32x1024xi32>
    %eq3A_312 = arith.cmpi eq, %select_n3A_301, %eq3A_311 : vector<32x1024xi32>
    %jit3A_313 = arith.constant 2147483647 : i32
    %broadcast_in_dim3A_314 = vector.broadcast %jit3A_313 : i32 to vector<32x1024xi32>
    %select_n3A_315 = arith.select %eq3A_312, %broadcast_in_dim3A_314, %select_n3A_301 : vector<32x1024xi1>, vector<32x1024xi32>
    %reduce_min3A_316 = arith.constant dense<2147483647> : vector<32xi32>
    %reduce_min3A_317 = vector.multi_reduction <minsi>, %select_n3A_315, %reduce_min3A_316 [1] : vector<32x1024xi32> to vector<32xi32>
    %broadcast_in_dim3A_318 = vector.shape_cast %reduce_min3A_317 : vector<32xi32> to vector<32x1xi32>
    %and3A_319 = arith.constant 1023 : i32
    %and3A_320 = vector.broadcast %and3A_319 : i32 to vector<32x1xi32>
    %and3A_321 = arith.andi %broadcast_in_dim3A_318, %and3A_320 : vector<32x1xi32>
    %swap3A_322 = arith.constant 0 : index
    %swap3A_323 = arith.constant 18 : index
    %swap3A_324 = vector.load %arg6[%swap3A_322, %swap3A_323] : memref<32x32xi32, #tpu.memory_space<vmem>>, vector<32x1xi32>
    tpu.vector_store %arg6[%swap3A_322, %swap3A_323], %and3A_321 {strides = array<i32>} : memref<32x32xi32, #tpu.memory_space<vmem>>, vector<32x1xi32>,
    %eq3A_325 = vector.broadcast %broadcast_in_dim3A_318 : vector<32x1xi32> to vector<32x1024xi32>
    %eq3A_326 = arith.cmpi eq, %select_n3A_315, %eq3A_325 : vector<32x1024xi32>
    %jit3A_327 = arith.constant 2147483647 : i32
    %broadcast_in_dim3A_328 = vector.broadcast %jit3A_327 : i32 to vector<32x1024xi32>
    %select_n3A_329 = arith.select %eq3A_326, %broadcast_in_dim3A_328, %select_n3A_315 : vector<32x1024xi1>, vector<32x1024xi32>
    %reduce_min3A_330 = arith.constant dense<2147483647> : vector<32xi32>
    %reduce_min3A_331 = vector.multi_reduction <minsi>, %select_n3A_329, %reduce_min3A_330 [1] : vector<32x1024xi32> to vector<32xi32>
    %broadcast_in_dim3A_332 = vector.shape_cast %reduce_min3A_331 : vector<32xi32> to vector<32x1xi32>
    %and3A_333 = arith.constant 1023 : i32
    %and3A_334 = vector.broadcast %and3A_333 : i32 to vector<32x1xi32>
    %and3A_335 = arith.andi %broadcast_in_dim3A_332, %and3A_334 : vector<32x1xi32>
    %swap3A_336 = arith.constant 0 : index
    %swap3A_337 = arith.constant 19 : index
    %swap3A_338 = vector.load %arg6[%swap3A_336, %swap3A_337] : memref<32x32xi32, #tpu.memory_space<vmem>>, vector<32x1xi32>
    tpu.vector_store %arg6[%swap3A_336, %swap3A_337], %and3A_335 {strides = array<i32>} : memref<32x32xi32, #tpu.memory_space<vmem>>, vector<32x1xi32>,
    %eq3A_339 = vector.broadcast %broadcast_in_dim3A_332 : vector<32x1xi32> to vector<32x1024xi32>
    %eq3A_340 = arith.cmpi eq, %select_n3A_329, %eq3A_339 : vector<32x1024xi32>
    %jit3A_341 = arith.constant 2147483647 : i32
    %broadcast_in_dim3A_342 = vector.broadcast %jit3A_341 : i32 to vector<32x1024xi32>
    %select_n3A_343 = arith.select %eq3A_340, %broadcast_in_dim3A_342, %select_n3A_329 : vector<32x1024xi1>, vector<32x1024xi32>
    %reduce_min3A_344 = arith.constant dense<2147483647> : vector<32xi32>
    %reduce_min3A_345 = vector.multi_reduction <minsi>, %select_n3A_343, %reduce_min3A_344 [1] : vector<32x1024xi32> to vector<32xi32>
    %broadcast_in_dim3A_346 = vector.shape_cast %reduce_min3A_345 : vector<32xi32> to vector<32x1xi32>
    %and3A_347 = arith.constant 1023 : i32
    %and3A_348 = vector.broadcast %and3A_347 : i32 to vector<32x1xi32>
    %and3A_349 = arith.andi %broadcast_in_dim3A_346, %and3A_348 : vector<32x1xi32>
    %swap3A_350 = arith.constant 0 : index
    %swap3A_351 = arith.constant 20 : index
    %swap3A_352 = vector.load %arg6[%swap3A_350, %swap3A_351] : memref<32x32xi32, #tpu.memory_space<vmem>>, vector<32x1xi32>
    tpu.vector_store %arg6[%swap3A_350, %swap3A_351], %and3A_349 {strides = array<i32>} : memref<32x32xi32, #tpu.memory_space<vmem>>, vector<32x1xi32>,
    %eq3A_353 = vector.broadcast %broadcast_in_dim3A_346 : vector<32x1xi32> to vector<32x1024xi32>
    %eq3A_354 = arith.cmpi eq, %select_n3A_343, %eq3A_353 : vector<32x1024xi32>
    %jit3A_355 = arith.constant 2147483647 : i32
    %broadcast_in_dim3A_356 = vector.broadcast %jit3A_355 : i32 to vector<32x1024xi32>
    %select_n3A_357 = arith.select %eq3A_354, %broadcast_in_dim3A_356, %select_n3A_343 : vector<32x1024xi1>, vector<32x1024xi32>
    %reduce_min3A_358 = arith.constant dense<2147483647> : vector<32xi32>
    %reduce_min3A_359 = vector.multi_reduction <minsi>, %select_n3A_357, %reduce_min3A_358 [1] : vector<32x1024xi32> to vector<32xi32>
    %broadcast_in_dim3A_360 = vector.shape_cast %reduce_min3A_359 : vector<32xi32> to vector<32x1xi32>
    %and3A_361 = arith.constant 1023 : i32
    %and3A_362 = vector.broadcast %and3A_361 : i32 to vector<32x1xi32>
    %and3A_363 = arith.andi %broadcast_in_dim3A_360, %and3A_362 : vector<32x1xi32>
    %swap3A_364 = arith.constant 0 : index
    %swap3A_365 = arith.constant 21 : index
    %swap3A_366 = vector.load %arg6[%swap3A_364, %swap3A_365] : memref<32x32xi32, #tpu.memory_space<vmem>>, vector<32x1xi32>
    tpu.vector_store %arg6[%swap3A_364, %swap3A_365], %and3A_363 {strides = array<i32>} : memref<32x32xi32, #tpu.memory_space<vmem>>, vector<32x1xi32>,
    %eq3A_367 = vector.broadcast %broadcast_in_dim3A_360 : vector<32x1xi32> to vector<32x1024xi32>
    %eq3A_368 = arith.cmpi eq, %select_n3A_357, %eq3A_367 : vector<32x1024xi32>
    %jit3A_369 = arith.constant 2147483647 : i32
    %broadcast_in_dim3A_370 = vector.broadcast %jit3A_369 : i32 to vector<32x1024xi32>
    %select_n3A_371 = arith.select %eq3A_368, %broadcast_in_dim3A_370, %select_n3A_357 : vector<32x1024xi1>, vector<32x1024xi32>
    %reduce_min3A_372 = arith.constant dense<2147483647> : vector<32xi32>
    %reduce_min3A_373 = vector.multi_reduction <minsi>, %select_n3A_371, %reduce_min3A_372 [1] : vector<32x1024xi32> to vector<32xi32>
    %broadcast_in_dim3A_374 = vector.shape_cast %reduce_min3A_373 : vector<32xi32> to vector<32x1xi32>
    %and3A_375 = arith.constant 1023 : i32
    %and3A_376 = vector.broadcast %and3A_375 : i32 to vector<32x1xi32>
    %and3A_377 = arith.andi %broadcast_in_dim3A_374, %and3A_376 : vector<32x1xi32>
    %swap3A_378 = arith.constant 0 : index
    %swap3A_379 = arith.constant 22 : index
    %swap3A_380 = vector.load %arg6[%swap3A_378, %swap3A_379] : memref<32x32xi32, #tpu.memory_space<vmem>>, vector<32x1xi32>
    tpu.vector_store %arg6[%swap3A_378, %swap3A_379], %and3A_377 {strides = array<i32>} : memref<32x32xi32, #tpu.memory_space<vmem>>, vector<32x1xi32>,
    %eq3A_381 = vector.broadcast %broadcast_in_dim3A_374 : vector<32x1xi32> to vector<32x1024xi32>
    %eq3A_382 = arith.cmpi eq, %select_n3A_371, %eq3A_381 : vector<32x1024xi32>
    %jit3A_383 = arith.constant 2147483647 : i32
    %broadcast_in_dim3A_384 = vector.broadcast %jit3A_383 : i32 to vector<32x1024xi32>
    %select_n3A_385 = arith.select %eq3A_382, %broadcast_in_dim3A_384, %select_n3A_371 : vector<32x1024xi1>, vector<32x1024xi32>
    %reduce_min3A_386 = arith.constant dense<2147483647> : vector<32xi32>
    %reduce_min3A_387 = vector.multi_reduction <minsi>, %select_n3A_385, %reduce_min3A_386 [1] : vector<32x1024xi32> to vector<32xi32>
    %broadcast_in_dim3A_388 = vector.shape_cast %reduce_min3A_387 : vector<32xi32> to vector<32x1xi32>
    %and3A_389 = arith.constant 1023 : i32
    %and3A_390 = vector.broadcast %and3A_389 : i32 to vector<32x1xi32>
    %and3A_391 = arith.andi %broadcast_in_dim3A_388, %and3A_390 : vector<32x1xi32>
    %swap3A_392 = arith.constant 0 : index
    %swap3A_393 = arith.constant 23 : index
    %swap3A_394 = vector.load %arg6[%swap3A_392, %swap3A_393] : memref<32x32xi32, #tpu.memory_space<vmem>>, vector<32x1xi32>
    tpu.vector_store %arg6[%swap3A_392, %swap3A_393], %and3A_391 {strides = array<i32>} : memref<32x32xi32, #tpu.memory_space<vmem>>, vector<32x1xi32>,
    %eq3A_395 = vector.broadcast %broadcast_in_dim3A_388 : vector<32x1xi32> to vector<32x1024xi32>
    %eq3A_396 = arith.cmpi eq, %select_n3A_385, %eq3A_395 : vector<32x1024xi32>
    %jit3A_397 = arith.constant 2147483647 : i32
    %broadcast_in_dim3A_398 = vector.broadcast %jit3A_397 : i32 to vector<32x1024xi32>
    %select_n3A_399 = arith.select %eq3A_396, %broadcast_in_dim3A_398, %select_n3A_385 : vector<32x1024xi1>, vector<32x1024xi32>
    %reduce_min3A_400 = arith.constant dense<2147483647> : vector<32xi32>
    %reduce_min3A_401 = vector.multi_reduction <minsi>, %select_n3A_399, %reduce_min3A_400 [1] : vector<32x1024xi32> to vector<32xi32>
    %broadcast_in_dim3A_402 = vector.shape_cast %reduce_min3A_401 : vector<32xi32> to vector<32x1xi32>
    %and3A_403 = arith.constant 1023 : i32
    %and3A_404 = vector.broadcast %and3A_403 : i32 to vector<32x1xi32>
    %and3A_405 = arith.andi %broadcast_in_dim3A_402, %and3A_404 : vector<32x1xi32>
    %swap3A_406 = arith.constant 0 : index
    %swap3A_407 = arith.constant 24 : index
    %swap3A_408 = vector.load %arg6[%swap3A_406, %swap3A_407] : memref<32x32xi32, #tpu.memory_space<vmem>>, vector<32x1xi32>
    tpu.vector_store %arg6[%swap3A_406, %swap3A_407], %and3A_405 {strides = array<i32>} : memref<32x32xi32, #tpu.memory_space<vmem>>, vector<32x1xi32>,
    %eq3A_409 = vector.broadcast %broadcast_in_dim3A_402 : vector<32x1xi32> to vector<32x1024xi32>
    %eq3A_410 = arith.cmpi eq, %select_n3A_399, %eq3A_409 : vector<32x1024xi32>
    %jit3A_411 = arith.constant 2147483647 : i32
    %broadcast_in_dim3A_412 = vector.broadcast %jit3A_411 : i32 to vector<32x1024xi32>
    %select_n3A_413 = arith.select %eq3A_410, %broadcast_in_dim3A_412, %select_n3A_399 : vector<32x1024xi1>, vector<32x1024xi32>
    %reduce_min3A_414 = arith.constant dense<2147483647> : vector<32xi32>
    %reduce_min3A_415 = vector.multi_reduction <minsi>, %select_n3A_413, %reduce_min3A_414 [1] : vector<32x1024xi32> to vector<32xi32>
    %broadcast_in_dim3A_416 = vector.shape_cast %reduce_min3A_415 : vector<32xi32> to vector<32x1xi32>
    %and3A_417 = arith.constant 1023 : i32
    %and3A_418 = vector.broadcast %and3A_417 : i32 to vector<32x1xi32>
    %and3A_419 = arith.andi %broadcast_in_dim3A_416, %and3A_418 : vector<32x1xi32>
    %swap3A_420 = arith.constant 0 : index
    %swap3A_421 = arith.constant 25 : index
    %swap3A_422 = vector.load %arg6[%swap3A_420, %swap3A_421] : memref<32x32xi32, #tpu.memory_space<vmem>>, vector<32x1xi32>
    tpu.vector_store %arg6[%swap3A_420, %swap3A_421], %and3A_419 {strides = array<i32>} : memref<32x32xi32, #tpu.memory_space<vmem>>, vector<32x1xi32>,
    %eq3A_423 = vector.broadcast %broadcast_in_dim3A_416 : vector<32x1xi32> to vector<32x1024xi32>
    %eq3A_424 = arith.cmpi eq, %select_n3A_413, %eq3A_423 : vector<32x1024xi32>
    %jit3A_425 = arith.constant 2147483647 : i32
    %broadcast_in_dim3A_426 = vector.broadcast %jit3A_425 : i32 to vector<32x1024xi32>
    %select_n3A_427 = arith.select %eq3A_424, %broadcast_in_dim3A_426, %select_n3A_413 : vector<32x1024xi1>, vector<32x1024xi32>
    %reduce_min3A_428 = arith.constant dense<2147483647> : vector<32xi32>
    %reduce_min3A_429 = vector.multi_reduction <minsi>, %select_n3A_427, %reduce_min3A_428 [1] : vector<32x1024xi32> to vector<32xi32>
    %broadcast_in_dim3A_430 = vector.shape_cast %reduce_min3A_429 : vector<32xi32> to vector<32x1xi32>
    %and3A_431 = arith.constant 1023 : i32
    %and3A_432 = vector.broadcast %and3A_431 : i32 to vector<32x1xi32>
    %and3A_433 = arith.andi %broadcast_in_dim3A_430, %and3A_432 : vector<32x1xi32>
    %swap3A_434 = arith.constant 0 : index
    %swap3A_435 = arith.constant 26 : index
    %swap3A_436 = vector.load %arg6[%swap3A_434, %swap3A_435] : memref<32x32xi32, #tpu.memory_space<vmem>>, vector<32x1xi32>
    tpu.vector_store %arg6[%swap3A_434, %swap3A_435], %and3A_433 {strides = array<i32>} : memref<32x32xi32, #tpu.memory_space<vmem>>, vector<32x1xi32>,
    %eq3A_437 = vector.broadcast %broadcast_in_dim3A_430 : vector<32x1xi32> to vector<32x1024xi32>
    %eq3A_438 = arith.cmpi eq, %select_n3A_427, %eq3A_437 : vector<32x1024xi32>
    %jit3A_439 = arith.constant 2147483647 : i32
    %broadcast_in_dim3A_440 = vector.broadcast %jit3A_439 : i32 to vector<32x1024xi32>
    %select_n3A_441 = arith.select %eq3A_438, %broadcast_in_dim3A_440, %select_n3A_427 : vector<32x1024xi1>, vector<32x1024xi32>
    %reduce_min3A_442 = arith.constant dense<2147483647> : vector<32xi32>
    %reduce_min3A_443 = vector.multi_reduction <minsi>, %select_n3A_441, %reduce_min3A_442 [1] : vector<32x1024xi32> to vector<32xi32>
    %broadcast_in_dim3A_444 = vector.shape_cast %reduce_min3A_443 : vector<32xi32> to vector<32x1xi32>
    %and3A_445 = arith.constant 1023 : i32
    %and3A_446 = vector.broadcast %and3A_445 : i32 to vector<32x1xi32>
    %and3A_447 = arith.andi %broadcast_in_dim3A_444, %and3A_446 : vector<32x1xi32>
    %swap3A_448 = arith.constant 0 : index
    %swap3A_449 = arith.constant 27 : index
    %swap3A_450 = vector.load %arg6[%swap3A_448, %swap3A_449] : memref<32x32xi32, #tpu.memory_space<vmem>>, vector<32x1xi32>
    tpu.vector_store %arg6[%swap3A_448, %swap3A_449], %and3A_447 {strides = array<i32>} : memref<32x32xi32, #tpu.memory_space<vmem>>, vector<32x1xi32>,
    %eq3A_451 = vector.broadcast %broadcast_in_dim3A_444 : vector<32x1xi32> to vector<32x1024xi32>
    %eq3A_452 = arith.cmpi eq, %select_n3A_441, %eq3A_451 : vector<32x1024xi32>
    %jit3A_453 = arith.constant 2147483647 : i32
    %broadcast_in_dim3A_454 = vector.broadcast %jit3A_453 : i32 to vector<32x1024xi32>
    %select_n3A_455 = arith.select %eq3A_452, %broadcast_in_dim3A_454, %select_n3A_441 : vector<32x1024xi1>, vector<32x1024xi32>
    %reduce_min3A_456 = arith.constant dense<2147483647> : vector<32xi32>
    %reduce_min3A_457 = vector.multi_reduction <minsi>, %select_n3A_455, %reduce_min3A_456 [1] : vector<32x1024xi32> to vector<32xi32>
    %broadcast_in_dim3A_458 = vector.shape_cast %reduce_min3A_457 : vector<32xi32> to vector<32x1xi32>
    %and3A_459 = arith.constant 1023 : i32
    %and3A_460 = vector.broadcast %and3A_459 : i32 to vector<32x1xi32>
    %and3A_461 = arith.andi %broadcast_in_dim3A_458, %and3A_460 : vector<32x1xi32>
    %swap3A_462 = arith.constant 0 : index
    %swap3A_463 = arith.constant 28 : index
    %swap3A_464 = vector.load %arg6[%swap3A_462, %swap3A_463] : memref<32x32xi32, #tpu.memory_space<vmem>>, vector<32x1xi32>
    tpu.vector_store %arg6[%swap3A_462, %swap3A_463], %and3A_461 {strides = array<i32>} : memref<32x32xi32, #tpu.memory_space<vmem>>, vector<32x1xi32>,
    %eq3A_465 = vector.broadcast %broadcast_in_dim3A_458 : vector<32x1xi32> to vector<32x1024xi32>
    %eq3A_466 = arith.cmpi eq, %select_n3A_455, %eq3A_465 : vector<32x1024xi32>
    %jit3A_467 = arith.constant 2147483647 : i32
    %broadcast_in_dim3A_468 = vector.broadcast %jit3A_467 : i32 to vector<32x1024xi32>
    %select_n3A_469 = arith.select %eq3A_466, %broadcast_in_dim3A_468, %select_n3A_455 : vector<32x1024xi1>, vector<32x1024xi32>
    %reduce_min3A_470 = arith.constant dense<2147483647> : vector<32xi32>
    %reduce_min3A_471 = vector.multi_reduction <minsi>, %select_n3A_469, %reduce_min3A_470 [1] : vector<32x1024xi32> to vector<32xi32>
    %broadcast_in_dim3A_472 = vector.shape_cast %reduce_min3A_471 : vector<32xi32> to vector<32x1xi32>
    %and3A_473 = arith.constant 1023 : i32
    %and3A_474 = vector.broadcast %and3A_473 : i32 to vector<32x1xi32>
    %and3A_475 = arith.andi %broadcast_in_dim3A_472, %and3A_474 : vector<32x1xi32>
    %swap3A_476 = arith.constant 0 : index
    %swap3A_477 = arith.constant 29 : index
    %swap3A_478 = vector.load %arg6[%swap3A_476, %swap3A_477] : memref<32x32xi32, #tpu.memory_space<vmem>>, vector<32x1xi32>
    tpu.vector_store %arg6[%swap3A_476, %swap3A_477], %and3A_475 {strides = array<i32>} : memref<32x32xi32, #tpu.memory_space<vmem>>, vector<32x1xi32>,
    %broadcast_in_dim3A_479 = arith.constant 0 : i32
    %broadcast_in_dim3A_480 = vector.broadcast %broadcast_in_dim3A_479 : i32 to vector<32x2xi32>
    %swap3A_481 = arith.constant 0 : index
    %swap3A_482 = arith.constant 30 : index
    %swap3A_483 = vector.load %arg6[%swap3A_481, %swap3A_482] : memref<32x32xi32, #tpu.memory_space<vmem>>, vector<32x2xi32>
    tpu.vector_store %arg6[%swap3A_481, %swap3A_482], %broadcast_in_dim3A_480 {strides = array<i32>} : memref<32x32xi32, #tpu.memory_space<vmem>>, vector<32x2xi32>,
    return
  }
  func.func @transform_0(%arg0: i32, %arg1: i32) -> (i32, i32) {
    %mul3A = arith.constant 32 : i32
    %mul3A_0 = arith.muli %arg0, %mul3A : i32
    %add3A = arith.addi %mul3A_0, %arg1 : i32
    %c0_i32 = arith.constant 0 : i32
    %c0_i32_1 = arith.constant 0 : i32
    return %add3A, %c0_i32 : i32, i32
  }
  func.func @transform_1(%arg0: i32, %arg1: i32) -> (i32, i32, i32) {
    %c0_i32 = arith.constant 0 : i32
    %c0_i32_0 = arith.constant 0 : i32
    %c0_i32_1 = arith.constant 0 : i32
    return %arg0, %c0_i32, %c0_i32_0 : i32, i32, i32
  }
  func.func @transform_2(%arg0: i32, %arg1: i32) -> (i32, i32) {
    %mul3A = arith.constant 32 : i32
    %mul3A_0 = arith.muli %arg0, %mul3A : i32
    %add3A = arith.addi %mul3A_0, %arg1 : i32
    %c0_i32 = arith.constant 0 : i32
    %c0_i32_1 = arith.constant 0 : i32
    return %add3A, %c0_i32 : i32, i32
  }
  func.func @transform_3(%arg0: i32, %arg1: i32) -> (i32, i32, i32) {
    %c0_i32 = arith.constant 0 : i32
    %c0_i32_0 = arith.constant 0 : i32
    %c0_i32_1 = arith.constant 0 : i32
    return %arg0, %c0_i32, %c0_i32_0 : i32, i32, i32
  }
  func.func @transform_4(%arg0: i32, %arg1: i32) -> (i32, i32) {
    %mul3A = arith.constant 32 : i32
    %mul3A_0 = arith.muli %arg0, %mul3A : i32
    %add3A = arith.addi %mul3A_0, %arg1 : i32
    %c0_i32 = arith.constant 0 : i32
    %c0_i32_1 = arith.constant 0 : i32
    return %add3A, %c0_i32 : i32, i32
  }
}

module attributes {stable_mosaic.version = 14 : i64} {
  func.func @_embed_edge_body(%arg0: i32, %arg1: memref<3840x32xf32, #tpu.memory_space<vmem>>, %arg2: memref<3840x3xf32, #tpu.memory_space<vmem>>, %arg3: memref<1x1xf32, #tpu.memory_space<vmem>>, %arg4: memref<33x32xf32, #tpu.memory_space<vmem>>, %arg5: memref<1x32xf32, #tpu.memory_space<vmem>>, %arg6: memref<1x1xf32, #tpu.memory_space<vmem>>, %arg7: memref<32x1xf32, #tpu.memory_space<vmem>>, %arg8: memref<1x1xf32, #tpu.memory_space<vmem>>, %arg9: memref<3840x32xf32, #tpu.memory_space<vmem>>, %arg10: memref<3840x3xf32, #tpu.memory_space<vmem>>) attributes {dimension_semantics = [#tpu.dimension_semantics<arbitrary>], iteration_bounds = array<i64: 64>, scalar_prefetch = 0 : i64, scratch_operands = 0 : i64, tpu.core_type = #tpu.core_type<tc>, window_params = [{transform_indices = @transform_0, window_bounds = array<i64: 3840, 32>}, {transform_indices = @transform_1, window_bounds = array<i64: 3840, 3>}, {pipeline_mode = #tpu.pipeline_mode<synchronous>, transform_indices = @transform_2, window_bounds = array<i64: 1, 1>}, {pipeline_mode = #tpu.pipeline_mode<synchronous>, transform_indices = @transform_3, window_bounds = array<i64: 33, 32>}, {pipeline_mode = #tpu.pipeline_mode<synchronous>, transform_indices = @transform_4, window_bounds = array<i64: 1, 32>}, {pipeline_mode = #tpu.pipeline_mode<synchronous>, transform_indices = @transform_5, window_bounds = array<i64: 1, 1>}, {pipeline_mode = #tpu.pipeline_mode<synchronous>, transform_indices = @transform_6, window_bounds = array<i64: 32, 1>}, {pipeline_mode = #tpu.pipeline_mode<synchronous>, transform_indices = @transform_7, window_bounds = array<i64: 1, 1>}, {transform_indices = @transform_8, window_bounds = array<i64: 3840, 32>}, {transform_indices = @transform_9, window_bounds = array<i64: 3840, 3>}]} {
    %get3A = arith.constant 0 : index
    %get3A_0 = arith.constant 0 : index
    %get3A_1 = vector.load %arg3[%get3A, %get3A_0] : memref<1x1xf32, #tpu.memory_space<vmem>>, vector<1x1xf32>
    %get3A_2 = arith.constant 0 : index
    %get3A_3 = arith.constant 0 : index
    %get3A_4 = vector.load %arg2[%get3A_2, %get3A_3] : memref<3840x3xf32, #tpu.memory_space<vmem>>, vector<3840x1xf32>
    %mul3A = vector.broadcast %get3A_1 : vector<1x1xf32> to vector<3840x1xf32>
    %mul3A_5 = arith.mulf %get3A_4, %mul3A : vector<3840x1xf32>
    %get3A_6 = arith.constant 0 : index
    %get3A_7 = arith.constant 1 : index
    %get3A_8 = vector.load %arg2[%get3A_6, %get3A_7] : memref<3840x3xf32, #tpu.memory_space<vmem>>, vector<3840x1xf32>
    %mul3A_9 = vector.broadcast %get3A_1 : vector<1x1xf32> to vector<3840x1xf32>
    %mul3A_10 = arith.mulf %get3A_8, %mul3A_9 : vector<3840x1xf32>
    %get3A_11 = arith.constant 0 : index
    %get3A_12 = arith.constant 2 : index
    %get3A_13 = vector.load %arg2[%get3A_11, %get3A_12] : memref<3840x3xf32, #tpu.memory_space<vmem>>, vector<3840x1xf32>
    %mul3A_14 = vector.broadcast %get3A_1 : vector<1x1xf32> to vector<3840x1xf32>
    %mul3A_15 = arith.mulf %get3A_13, %mul3A_14 : vector<3840x1xf32>
    %integer_pow3A = arith.mulf %mul3A_5, %mul3A_5 : vector<3840x1xf32>
    %integer_pow3A_16 = arith.mulf %mul3A_10, %mul3A_10 : vector<3840x1xf32>
    %add3A = arith.addf %integer_pow3A, %integer_pow3A_16 : vector<3840x1xf32>
    %integer_pow3A_17 = arith.mulf %mul3A_15, %mul3A_15 : vector<3840x1xf32>
    %add3A_18 = arith.addf %add3A, %integer_pow3A_17 : vector<3840x1xf32>
    %add3A_19 = arith.constant 9.99999993E-9 : f32
    %add3A_20 = vector.broadcast %add3A_19 : f32 to vector<3840x1xf32>
    %add3A_21 = arith.addf %add3A_18, %add3A_20 : vector<3840x1xf32>
    %sqrt3A = math.sqrt %add3A_21 : vector<3840x1xf32>
    %get3A_22 = arith.constant 0 : index
    %get3A_23 = arith.constant 0 : index
    %get3A_24 = vector.load %arg1[%get3A_22, %get3A_23] : memref<3840x32xf32, #tpu.memory_space<vmem>>, vector<3840x32xf32>
    %get3A_25 = arith.constant 0 : index
    %get3A_26 = arith.constant 0 : index
    %get3A_27 = vector.load %arg4[%get3A_25, %get3A_26] : memref<33x32xf32, #tpu.memory_space<vmem>>, vector<32x32xf32>
    %dot_general3A = arith.constant dense<0.000000e+00> : vector<3840x32xf32>
    %dot_general3A_28 = tpu.matmul %get3A_24, %get3A_27, %dot_general3A {dimension_numbers = #tpu.dot_dimension_numbers<[1], [0], [0], [1], [0, 0, 1, 1], [], []>, transpose_lhs_hint = false} : vector<3840x32xf32>, vector<32x32xf32>, vector<3840x32xf32> -> vector<3840x32xf32>
    %get3A_29 = arith.constant 32 : index
    %get3A_30 = arith.constant 0 : index
    %get3A_31 = vector.load %arg4[%get3A_29, %get3A_30] : memref<33x32xf32, #tpu.memory_space<vmem>>, vector<1x32xf32>
    %mul3A_32 = vector.broadcast %sqrt3A : vector<3840x1xf32> to vector<3840x32xf32>
    %mul3A_33 = vector.broadcast %get3A_31 : vector<1x32xf32> to vector<3840x32xf32>
    %mul3A_34 = arith.mulf %mul3A_32, %mul3A_33 : vector<3840x32xf32>
    %add3A_35 = arith.addf %dot_general3A_28, %mul3A_34 : vector<3840x32xf32>
    %get3A_36 = arith.constant 0 : index
    %get3A_37 = arith.constant 0 : index
    %get3A_38 = vector.load %arg5[%get3A_36, %get3A_37] : memref<1x32xf32, #tpu.memory_space<vmem>>, vector<1x32xf32>
    %add3A_39 = vector.broadcast %get3A_38 : vector<1x32xf32> to vector<3840x32xf32>
    %add3A_40 = arith.addf %add3A_35, %add3A_39 : vector<3840x32xf32>
    %get3A_41 = arith.constant 0 : index
    %get3A_42 = arith.constant 0 : index
    %get3A_43 = vector.load %arg7[%get3A_41, %get3A_42] : memref<32x1xf32, #tpu.memory_space<vmem>>, vector<32x1xf32>
    %dot_general3A_44 = arith.constant dense<0.000000e+00> : vector<3840x1xf32>
    %dot_general3A_45 = tpu.matmul %add3A_40, %get3A_43, %dot_general3A_44 {dimension_numbers = #tpu.dot_dimension_numbers<[1], [0], [0], [1], [0, 0, 1, 1], [], []>, transpose_lhs_hint = false} : vector<3840x32xf32>, vector<32x1xf32>, vector<3840x1xf32> -> vector<3840x1xf32>
    %get3A_46 = arith.constant 0 : index
    %get3A_47 = arith.constant 0 : index
    %get3A_48 = vector.load %arg8[%get3A_46, %get3A_47] : memref<1x1xf32, #tpu.memory_space<vmem>>, vector<1x1xf32>
    %add3A_49 = vector.broadcast %get3A_48 : vector<1x1xf32> to vector<3840x1xf32>
    %add3A_50 = arith.addf %dot_general3A_45, %add3A_49 : vector<3840x1xf32>
    %logistic3A = arith.negf %add3A_50 : vector<3840x1xf32>
    %logistic3A_51 = math.exp %logistic3A : vector<3840x1xf32>
    %logistic3A_52 = arith.constant 1.000000e+00 : f32
    %logistic3A_53 = vector.broadcast %logistic3A_52 : f32 to vector<3840x1xf32>
    %logistic3A_54 = arith.addf %logistic3A_53, %logistic3A_51 : vector<3840x1xf32>
    %logistic3A_55 = arith.divf %logistic3A_53, %logistic3A_54 : vector<3840x1xf32>
    %get3A_56 = arith.constant 0 : index
    %get3A_57 = arith.constant 0 : index
    %get3A_58 = vector.load %arg6[%get3A_56, %get3A_57] : memref<1x1xf32, #tpu.memory_space<vmem>>, vector<1x1xf32>
    %max3A = arith.constant 0.000000e+00 : f32
    %max3A_59 = vector.broadcast %max3A : f32 to vector<3840x32xf32>
    %max3A_60 = arith.maximumf %add3A_40, %max3A_59 : vector<3840x32xf32>
    %swap3A = arith.constant 0 : index
    %swap3A_61 = arith.constant 0 : index
    %swap3A_62 = vector.load %arg9[%swap3A, %swap3A_61] : memref<3840x32xf32, #tpu.memory_space<vmem>>, vector<3840x32xf32>
    tpu.vector_store %arg9[%swap3A, %swap3A_61], %max3A_60 {strides = array<i32>} : memref<3840x32xf32, #tpu.memory_space<vmem>>, vector<3840x32xf32>,
    %mul3A_63 = vector.broadcast %get3A_58 : vector<1x1xf32> to vector<3840x1xf32>
    %mul3A_64 = arith.mulf %mul3A_5, %mul3A_63 : vector<3840x1xf32>
    %mul3A_65 = arith.mulf %mul3A_64, %logistic3A_55 : vector<3840x1xf32>
    %mul3A_66 = vector.broadcast %get3A_58 : vector<1x1xf32> to vector<3840x1xf32>
    %mul3A_67 = arith.mulf %mul3A_10, %mul3A_66 : vector<3840x1xf32>
    %mul3A_68 = arith.mulf %mul3A_67, %logistic3A_55 : vector<3840x1xf32>
    %mul3A_69 = vector.broadcast %get3A_58 : vector<1x1xf32> to vector<3840x1xf32>
    %mul3A_70 = arith.mulf %mul3A_15, %mul3A_69 : vector<3840x1xf32>
    %mul3A_71 = arith.mulf %mul3A_70, %logistic3A_55 : vector<3840x1xf32>
    %concatenate3A = tpu.concatenate %mul3A_65, %mul3A_68, %mul3A_71 in 1 : vector<3840x1xf32>, vector<3840x1xf32>, vector<3840x1xf32> -> vector<3840x3xf32>
    %swap3A_72 = arith.constant 0 : index
    %swap3A_73 = arith.constant 0 : index
    %swap3A_74 = vector.load %arg10[%swap3A_72, %swap3A_73] : memref<3840x3xf32, #tpu.memory_space<vmem>>, vector<3840x3xf32>
    tpu.vector_store %arg10[%swap3A_72, %swap3A_73], %concatenate3A {strides = array<i32>} : memref<3840x3xf32, #tpu.memory_space<vmem>>, vector<3840x3xf32>,
    return
  }
  func.func @transform_0(%arg0: i32) -> (i32, i32) {
    %c0_i32 = arith.constant 0 : i32
    %c0_i32_0 = arith.constant 0 : i32
    return %arg0, %c0_i32 : i32, i32
  }
  func.func @transform_1(%arg0: i32) -> (i32, i32) {
    %c0_i32 = arith.constant 0 : i32
    %c0_i32_0 = arith.constant 0 : i32
    return %arg0, %c0_i32 : i32, i32
  }
  func.func @transform_2(%arg0: i32) -> (i32, i32) {
    %c0_i32 = arith.constant 0 : i32
    %c0_i32_0 = arith.constant 0 : i32
    %c0_i32_1 = arith.constant 0 : i32
    return %c0_i32, %c0_i32_0 : i32, i32
  }
  func.func @transform_3(%arg0: i32) -> (i32, i32) {
    %c0_i32 = arith.constant 0 : i32
    %c0_i32_0 = arith.constant 0 : i32
    %c0_i32_1 = arith.constant 0 : i32
    return %c0_i32, %c0_i32_0 : i32, i32
  }
  func.func @transform_4(%arg0: i32) -> (i32, i32) {
    %c0_i32 = arith.constant 0 : i32
    %c0_i32_0 = arith.constant 0 : i32
    %c0_i32_1 = arith.constant 0 : i32
    return %c0_i32, %c0_i32_0 : i32, i32
  }
  func.func @transform_5(%arg0: i32) -> (i32, i32) {
    %c0_i32 = arith.constant 0 : i32
    %c0_i32_0 = arith.constant 0 : i32
    %c0_i32_1 = arith.constant 0 : i32
    return %c0_i32, %c0_i32_0 : i32, i32
  }
  func.func @transform_6(%arg0: i32) -> (i32, i32) {
    %c0_i32 = arith.constant 0 : i32
    %c0_i32_0 = arith.constant 0 : i32
    %c0_i32_1 = arith.constant 0 : i32
    return %c0_i32, %c0_i32_0 : i32, i32
  }
  func.func @transform_7(%arg0: i32) -> (i32, i32) {
    %c0_i32 = arith.constant 0 : i32
    %c0_i32_0 = arith.constant 0 : i32
    %c0_i32_1 = arith.constant 0 : i32
    return %c0_i32, %c0_i32_0 : i32, i32
  }
  func.func @transform_8(%arg0: i32) -> (i32, i32) {
    %c0_i32 = arith.constant 0 : i32
    %c0_i32_0 = arith.constant 0 : i32
    return %arg0, %c0_i32 : i32, i32
  }
  func.func @transform_9(%arg0: i32) -> (i32, i32) {
    %c0_i32 = arith.constant 0 : i32
    %c0_i32_0 = arith.constant 0 : i32
    return %arg0, %c0_i32 : i32, i32
  }
}

module attributes {stable_mosaic.version = 14 : i64} {
  func.func @_layer_body(%arg0: i32, %arg1: memref<128x176xf32, #tpu.memory_space<vmem>>, %arg2: memref<3840x192xf32, #tpu.memory_space<vmem>>, %arg3: memref<3840x32xf32, #tpu.memory_space<vmem>>, %arg4: memref<3840x3xf32, #tpu.memory_space<vmem>>, %arg5: memref<48x192xf32, #tpu.memory_space<vmem>>, %arg6: memref<48x192xf32, #tpu.memory_space<vmem>>, %arg7: memref<3x192xf32, #tpu.memory_space<vmem>>, %arg8: memref<128x128xf32, #tpu.memory_space<vmem>>, %arg9: memref<128x128xf32, #tpu.memory_space<vmem>>, %arg10: memref<32x128xf32, #tpu.memory_space<vmem>>, %arg11: memref<33x128xf32, #tpu.memory_space<vmem>>, %arg12: memref<1x128xf32, #tpu.memory_space<vmem>>, %arg13: memref<192x48xf32, #tpu.memory_space<vmem>>, %arg14: memref<128x16xf32, #tpu.memory_space<vmem>>, %arg15: memref<1x16xf32, #tpu.memory_space<vmem>>, %arg16: memref<48x48xf32, #tpu.memory_space<vmem>>, %arg17: memref<128x128xf32, #tpu.memory_space<vmem>>, %arg18: memref<16x128xf32, #tpu.memory_space<vmem>>, %arg19: memref<1x128xf32, #tpu.memory_space<vmem>>, %arg20: memref<48x48xf32, #tpu.memory_space<vmem>>, %arg21: memref<128x16xf32, #tpu.memory_space<vmem>>, %arg22: memref<1x16xf32, #tpu.memory_space<vmem>>, %arg23: memref<48x48xf32, #tpu.memory_space<vmem>>, %arg24: memref<128x128xf32, #tpu.memory_space<vmem>>, %arg25: memref<16x128xf32, #tpu.memory_space<vmem>>, %arg26: memref<1x128xf32, #tpu.memory_space<vmem>>, %arg27: memref<48x48xf32, #tpu.memory_space<vmem>>, %arg28: memref<128x16xf32, #tpu.memory_space<vmem>>, %arg29: memref<1x16xf32, #tpu.memory_space<vmem>>, %arg30: memref<1x128xf32, #tpu.memory_space<vmem>>, %arg31: memref<1x128xf32, #tpu.memory_space<vmem>>, %arg32: memref<16x16xf32, #tpu.memory_space<vmem>>, %arg33: memref<144x256xf32, #tpu.memory_space<vmem>>, %arg34: memref<1x256xf32, #tpu.memory_space<vmem>>, %arg35: memref<16x16xf32, #tpu.memory_space<vmem>>, %arg36: memref<256x16xf32, #tpu.memory_space<vmem>>, %arg37: memref<1x16xf32, #tpu.memory_space<vmem>>, %arg38: memref<16x16xf32, #tpu.memory_space<vmem>>, %arg39: memref<272x128xf32, #tpu.memory_space<vmem>>, %arg40: memref<1x128xf32, #tpu.memory_space<vmem>>, %arg41: memref<16x16xf32, #tpu.memory_space<vmem>>, %arg42: memref<128x16xf32, #tpu.memory_space<vmem>>, %arg43: memref<1x16xf32, #tpu.memory_space<vmem>>, %arg44: memref<1x128xf32, #tpu.memory_space<vmem>>, %arg45: memref<1x128xf32, #tpu.memory_space<vmem>>, %arg46: memref<128x176xf32, #tpu.memory_space<vmem>>) attributes {dimension_semantics = [#tpu.dimension_semantics<arbitrary>], iteration_bounds = array<i64: 64>, scalar_prefetch = 0 : i64, scratch_operands = 0 : i64, tpu.core_type = #tpu.core_type<tc>, window_params = [{transform_indices = @transform_0, window_bounds = array<i64: 128, 176>}, {transform_indices = @transform_1, window_bounds = array<i64: 3840, 192>}, {transform_indices = @transform_2, window_bounds = array<i64: 3840, 32>}, {transform_indices = @transform_3, window_bounds = array<i64: 3840, 3>}, {pipeline_mode = #tpu.pipeline_mode<synchronous>, transform_indices = @transform_4, window_bounds = array<i64: 48, 192>}, {pipeline_mode = #tpu.pipeline_mode<synchronous>, transform_indices = @transform_5, window_bounds = array<i64: 48, 192>}, {pipeline_mode = #tpu.pipeline_mode<synchronous>, transform_indices = @transform_6, window_bounds = array<i64: 3, 192>}, {pipeline_mode = #tpu.pipeline_mode<synchronous>, transform_indices = @transform_7, window_bounds = array<i64: 128, 128>}, {pipeline_mode = #tpu.pipeline_mode<synchronous>, transform_indices = @transform_8, window_bounds = array<i64: 128, 128>}, {pipeline_mode = #tpu.pipeline_mode<synchronous>, transform_indices = @transform_9, window_bounds = array<i64: 32, 128>}, {pipeline_mode = #tpu.pipeline_mode<synchronous>, transform_indices = @transform_10, window_bounds = array<i64: 33, 128>}, {pipeline_mode = #tpu.pipeline_mode<synchronous>, transform_indices = @transform_11, window_bounds = array<i64: 1, 128>}, {pipeline_mode = #tpu.pipeline_mode<synchronous>, transform_indices = @transform_12, window_bounds = array<i64: 192, 48>}, {pipeline_mode = #tpu.pipeline_mode<synchronous>, transform_indices = @transform_13, window_bounds = array<i64: 128, 16>}, {pipeline_mode = #tpu.pipeline_mode<synchronous>, transform_indices = @transform_14, window_bounds = array<i64: 1, 16>}, {pipeline_mode = #tpu.pipeline_mode<synchronous>, transform_indices = @transform_15, window_bounds = array<i64: 48, 48>}, {pipeline_mode = #tpu.pipeline_mode<synchronous>, transform_indices = @transform_16, window_bounds = array<i64: 128, 128>}, {pipeline_mode = #tpu.pipeline_mode<synchronous>, transform_indices = @transform_17, window_bounds = array<i64: 16, 128>}, {pipeline_mode = #tpu.pipeline_mode<synchronous>, transform_indices = @transform_18, window_bounds = array<i64: 1, 128>}, {pipeline_mode = #tpu.pipeline_mode<synchronous>, transform_indices = @transform_19, window_bounds = array<i64: 48, 48>}, {pipeline_mode = #tpu.pipeline_mode<synchronous>, transform_indices = @transform_20, window_bounds = array<i64: 128, 16>}, {pipeline_mode = #tpu.pipeline_mode<synchronous>, transform_indices = @transform_21, window_bounds = array<i64: 1, 16>}, {pipeline_mode = #tpu.pipeline_mode<synchronous>, transform_indices = @transform_22, window_bounds = array<i64: 48, 48>}, {pipeline_mode = #tpu.pipeline_mode<synchronous>, transform_indices = @transform_23, window_bounds = array<i64: 128, 128>}, {pipeline_mode = #tpu.pipeline_mode<synchronous>, transform_indices = @transform_24, window_bounds = array<i64: 16, 128>}, {pipeline_mode = #tpu.pipeline_mode<synchronous>, transform_indices = @transform_25, window_bounds = array<i64: 1, 128>}, {pipeline_mode = #tpu.pipeline_mode<synchronous>, transform_indices = @transform_26, window_bounds = array<i64: 48, 48>}, {pipeline_mode = #tpu.pipeline_mode<synchronous>, transform_indices = @transform_27, window_bounds = array<i64: 128, 16>}, {pipeline_mode = #tpu.pipeline_mode<synchronous>, transform_indices = @transform_28, window_bounds = array<i64: 1, 16>}, {pipeline_mode = #tpu.pipeline_mode<synchronous>, transform_indices = @transform_29, window_bounds = array<i64: 1, 128>}, {pipeline_mode = #tpu.pipeline_mode<synchronous>, transform_indices = @transform_30, window_bounds = array<i64: 1, 128>}, {pipeline_mode = #tpu.pipeline_mode<synchronous>, transform_indices = @transform_31, window_bounds = array<i64: 16, 16>}, {pipeline_mode = #tpu.pipeline_mode<synchronous>, transform_indices = @transform_32, window_bounds = array<i64: 144, 256>}, {pipeline_mode = #tpu.pipeline_mode<synchronous>, transform_indices = @transform_33, window_bounds = array<i64: 1, 256>}, {pipeline_mode = #tpu.pipeline_mode<synchronous>, transform_indices = @transform_34, window_bounds = array<i64: 16, 16>}, {pipeline_mode = #tpu.pipeline_mode<synchronous>, transform_indices = @transform_35, window_bounds = array<i64: 256, 16>}, {pipeline_mode = #tpu.pipeline_mode<synchronous>, transform_indices = @transform_36, window_bounds = array<i64: 1, 16>}, {pipeline_mode = #tpu.pipeline_mode<synchronous>, transform_indices = @transform_37, window_bounds = array<i64: 16, 16>}, {pipeline_mode = #tpu.pipeline_mode<synchronous>, transform_indices = @transform_38, window_bounds = array<i64: 272, 128>}, {pipeline_mode = #tpu.pipeline_mode<synchronous>, transform_indices = @transform_39, window_bounds = array<i64: 1, 128>}, {pipeline_mode = #tpu.pipeline_mode<synchronous>, transform_indices = @transform_40, window_bounds = array<i64: 16, 16>}, {pipeline_mode = #tpu.pipeline_mode<synchronous>, transform_indices = @transform_41, window_bounds = array<i64: 128, 16>}, {pipeline_mode = #tpu.pipeline_mode<synchronous>, transform_indices = @transform_42, window_bounds = array<i64: 1, 16>}, {pipeline_mode = #tpu.pipeline_mode<synchronous>, transform_indices = @transform_43, window_bounds = array<i64: 1, 128>}, {pipeline_mode = #tpu.pipeline_mode<synchronous>, transform_indices = @transform_44, window_bounds = array<i64: 1, 128>}, {transform_indices = @transform_45, window_bounds = array<i64: 128, 176>}]} {
    %get3A = arith.constant 0 : index
    %get3A_0 = arith.constant 0 : index
    %get3A_1 = vector.load %arg1[%get3A, %get3A_0] : memref<128x176xf32, #tpu.memory_space<vmem>>, vector<128x128xf32>
    %get3A_2 = arith.constant 0 : index
    %get3A_3 = arith.constant 128 : index
    %get3A_4 = vector.load %arg1[%get3A_2, %get3A_3] : memref<128x176xf32, #tpu.memory_space<vmem>>, vector<128x48xf32>
    %get3A_5 = arith.constant 0 : index
    %get3A_6 = arith.constant 0 : index
    %get3A_7 = vector.load %arg2[%get3A_5, %get3A_6] : memref<3840x192xf32, #tpu.memory_space<vmem>>, vector<3840x128xf32>
    %get3A_8 = arith.constant 0 : index
    %get3A_9 = arith.constant 128 : index
    %get3A_10 = vector.load %arg2[%get3A_8, %get3A_9] : memref<3840x192xf32, #tpu.memory_space<vmem>>, vector<3840x48xf32>
    %get3A_11 = arith.constant 0 : index
    %get3A_12 = arith.constant 0 : index
    %get3A_13 = vector.load %arg3[%get3A_11, %get3A_12] : memref<3840x32xf32, #tpu.memory_space<vmem>>, vector<3840x32xf32>
    %get3A_14 = arith.constant 0 : index
    %get3A_15 = arith.constant 0 : index
    %get3A_16 = vector.load %arg4[%get3A_14, %get3A_15] : memref<3840x3xf32, #tpu.memory_space<vmem>>, vector<3840x3xf32>
    %get3A_17 = arith.constant 0 : index
    %get3A_18 = arith.constant 0 : index
    %get3A_19 = vector.load %arg5[%get3A_17, %get3A_18] : memref<48x192xf32, #tpu.memory_space<vmem>>, vector<48x192xf32>
    %dot_general3A = arith.constant dense<0.000000e+00> : vector<128x192xf32>
    %dot_general3A_20 = tpu.matmul %get3A_4, %get3A_19, %dot_general3A {dimension_numbers = #tpu.dot_dimension_numbers<[1], [0], [0], [1], [0, 0, 1, 1], [], []>, transpose_lhs_hint = false} : vector<128x48xf32>, vector<48x192xf32>, vector<128x192xf32> -> vector<128x192xf32>
    %concatenate3A = tpu.concatenate %dot_general3A_20, %dot_general3A_20, %dot_general3A_20, %dot_general3A_20, %dot_general3A_20, %dot_general3A_20, %dot_general3A_20, %dot_general3A_20, %dot_general3A_20, %dot_general3A_20, %dot_general3A_20, %dot_general3A_20, %dot_general3A_20, %dot_general3A_20, %dot_general3A_20, %dot_general3A_20, %dot_general3A_20, %dot_general3A_20, %dot_general3A_20, %dot_general3A_20, %dot_general3A_20, %dot_general3A_20, %dot_general3A_20, %dot_general3A_20, %dot_general3A_20, %dot_general3A_20, %dot_general3A_20, %dot_general3A_20, %dot_general3A_20, %dot_general3A_20 in 0 : vector<128x192xf32>, vector<128x192xf32>, vector<128x192xf32>, vector<128x192xf32>, vector<128x192xf32>, vector<128x192xf32>, vector<128x192xf32>, vector<128x192xf32>, vector<128x192xf32>, vector<128x192xf32>, vector<128x192xf32>, vector<128x192xf32>, vector<128x192xf32>, vector<128x192xf32>, vector<128x192xf32>, vector<128x192xf32>, vector<128x192xf32>, vector<128x192xf32>, vector<128x192xf32>, vector<128x192xf32>, vector<128x192xf32>, vector<128x192xf32>, vector<128x192xf32>, vector<128x192xf32>, vector<128x192xf32>, vector<128x192xf32>, vector<128x192xf32>, vector<128x192xf32>, vector<128x192xf32>, vector<128x192xf32> -> vector<3840x192xf32>
    %get3A_21 = arith.constant 0 : index
    %get3A_22 = arith.constant 0 : index
    %get3A_23 = vector.load %arg6[%get3A_21, %get3A_22] : memref<48x192xf32, #tpu.memory_space<vmem>>, vector<48x192xf32>
    %dot_general3A_24 = arith.constant dense<0.000000e+00> : vector<3840x192xf32>
    %dot_general3A_25 = tpu.matmul %get3A_10, %get3A_23, %dot_general3A_24 {dimension_numbers = #tpu.dot_dimension_numbers<[1], [0], [0], [1], [0, 0, 1, 1], [], []>, transpose_lhs_hint = false} : vector<3840x48xf32>, vector<48x192xf32>, vector<3840x192xf32> -> vector<3840x192xf32>
    %add3A = arith.addf %concatenate3A, %dot_general3A_25 : vector<3840x192xf32>
    %get3A_26 = arith.constant 0 : index
    %get3A_27 = arith.constant 0 : index
    %get3A_28 = vector.load %arg7[%get3A_26, %get3A_27] : memref<3x192xf32, #tpu.memory_space<vmem>>, vector<3x192xf32>
    %dot_general3A_29 = arith.constant dense<0.000000e+00> : vector<3840x192xf32>
    %dot_general3A_30 = tpu.matmul %get3A_16, %get3A_28, %dot_general3A_29 {dimension_numbers = #tpu.dot_dimension_numbers<[1], [0], [0], [1], [0, 0, 1, 1], [], []>, transpose_lhs_hint = false} : vector<3840x3xf32>, vector<3x192xf32>, vector<3840x192xf32> -> vector<3840x192xf32>
    %add3A_31 = arith.addf %add3A, %dot_general3A_30 : vector<3840x192xf32>
    %slice3A = vector.extract_strided_slice %add3A_31 {offsets = [0, 0], sizes = [3840, 33], strides = [1, 1]} : vector<3840x192xf32> to vector<3840x33xf32>
    %slice3A_32 = vector.extract_strided_slice %add3A_31 {offsets = [0, 64], sizes = [3840, 33], strides = [1, 1]} : vector<3840x192xf32> to vector<3840x33xf32>
    %slice3A_33 = vector.extract_strided_slice %add3A_31 {offsets = [0, 128], sizes = [3840, 33], strides = [1, 1]} : vector<3840x192xf32> to vector<3840x33xf32>
    %integer_pow3A = arith.mulf %slice3A, %slice3A : vector<3840x33xf32>
    %integer_pow3A_34 = arith.mulf %slice3A_32, %slice3A_32 : vector<3840x33xf32>
    %add3A_35 = arith.addf %integer_pow3A, %integer_pow3A_34 : vector<3840x33xf32>
    %integer_pow3A_36 = arith.mulf %slice3A_33, %slice3A_33 : vector<3840x33xf32>
    %add3A_37 = arith.addf %add3A_35, %integer_pow3A_36 : vector<3840x33xf32>
    %add3A_38 = arith.constant 9.99999993E-9 : f32
    %add3A_39 = vector.broadcast %add3A_38 : f32 to vector<3840x33xf32>
    %add3A_40 = arith.addf %add3A_37, %add3A_39 : vector<3840x33xf32>
    %sqrt3A = math.sqrt %add3A_40 : vector<3840x33xf32>
    %get3A_41 = arith.constant 0 : index
    %get3A_42 = arith.constant 0 : index
    %get3A_43 = vector.load %arg8[%get3A_41, %get3A_42] : memref<128x128xf32, #tpu.memory_space<vmem>>, vector<128x128xf32>
    %dot_general3A_44 = arith.constant dense<0.000000e+00> : vector<128x128xf32>
    %dot_general3A_45 = tpu.matmul %get3A_1, %get3A_43, %dot_general3A_44 {dimension_numbers = #tpu.dot_dimension_numbers<[1], [0], [0], [1], [0, 0, 1, 1], [], []>, transpose_lhs_hint = false} : vector<128x128xf32>, vector<128x128xf32>, vector<128x128xf32> -> vector<128x128xf32>
    %concatenate3A_46 = tpu.concatenate %dot_general3A_45, %dot_general3A_45, %dot_general3A_45, %dot_general3A_45, %dot_general3A_45, %dot_general3A_45, %dot_general3A_45, %dot_general3A_45, %dot_general3A_45, %dot_general3A_45, %dot_general3A_45, %dot_general3A_45, %dot_general3A_45, %dot_general3A_45, %dot_general3A_45, %dot_general3A_45, %dot_general3A_45, %dot_general3A_45, %dot_general3A_45, %dot_general3A_45, %dot_general3A_45, %dot_general3A_45, %dot_general3A_45, %dot_general3A_45, %dot_general3A_45, %dot_general3A_45, %dot_general3A_45, %dot_general3A_45, %dot_general3A_45, %dot_general3A_45 in 0 : vector<128x128xf32>, vector<128x128xf32>, vector<128x128xf32>, vector<128x128xf32>, vector<128x128xf32>, vector<128x128xf32>, vector<128x128xf32>, vector<128x128xf32>, vector<128x128xf32>, vector<128x128xf32>, vector<128x128xf32>, vector<128x128xf32>, vector<128x128xf32>, vector<128x128xf32>, vector<128x128xf32>, vector<128x128xf32>, vector<128x128xf32>, vector<128x128xf32>, vector<128x128xf32>, vector<128x128xf32>, vector<128x128xf32>, vector<128x128xf32>, vector<128x128xf32>, vector<128x128xf32>, vector<128x128xf32>, vector<128x128xf32>, vector<128x128xf32>, vector<128x128xf32>, vector<128x128xf32>, vector<128x128xf32> -> vector<3840x128xf32>
    %get3A_47 = arith.constant 0 : index
    %get3A_48 = arith.constant 0 : index
    %get3A_49 = vector.load %arg9[%get3A_47, %get3A_48] : memref<128x128xf32, #tpu.memory_space<vmem>>, vector<128x128xf32>
    %dot_general3A_50 = arith.constant dense<0.000000e+00> : vector<3840x128xf32>
    %dot_general3A_51 = tpu.matmul %get3A_7, %get3A_49, %dot_general3A_50 {dimension_numbers = #tpu.dot_dimension_numbers<[1], [0], [0], [1], [0, 0, 1, 1], [], []>, transpose_lhs_hint = false} : vector<3840x128xf32>, vector<128x128xf32>, vector<3840x128xf32> -> vector<3840x128xf32>
    %add3A_52 = arith.addf %concatenate3A_46, %dot_general3A_51 : vector<3840x128xf32>
    %get3A_53 = arith.constant 0 : index
    %get3A_54 = arith.constant 0 : index
    %get3A_55 = vector.load %arg10[%get3A_53, %get3A_54] : memref<32x128xf32, #tpu.memory_space<vmem>>, vector<32x128xf32>
    %dot_general3A_56 = arith.constant dense<0.000000e+00> : vector<3840x128xf32>
    %dot_general3A_57 = tpu.matmul %get3A_13, %get3A_55, %dot_general3A_56 {dimension_numbers = #tpu.dot_dimension_numbers<[1], [0], [0], [1], [0, 0, 1, 1], [], []>, transpose_lhs_hint = false} : vector<3840x32xf32>, vector<32x128xf32>, vector<3840x128xf32> -> vector<3840x128xf32>
    %add3A_58 = arith.addf %add3A_52, %dot_general3A_57 : vector<3840x128xf32>
    %get3A_59 = arith.constant 0 : index
    %get3A_60 = arith.constant 0 : index
    %get3A_61 = vector.load %arg11[%get3A_59, %get3A_60] : memref<33x128xf32, #tpu.memory_space<vmem>>, vector<33x128xf32>
    %dot_general3A_62 = arith.constant dense<0.000000e+00> : vector<3840x128xf32>
    %dot_general3A_63 = tpu.matmul %sqrt3A, %get3A_61, %dot_general3A_62 {dimension_numbers = #tpu.dot_dimension_numbers<[1], [0], [0], [1], [0, 0, 1, 1], [], []>, transpose_lhs_hint = false} : vector<3840x33xf32>, vector<33x128xf32>, vector<3840x128xf32> -> vector<3840x128xf32>
    %add3A_64 = arith.addf %add3A_58, %dot_general3A_63 : vector<3840x128xf32>
    %get3A_65 = arith.constant 0 : index
    %get3A_66 = arith.constant 0 : index
    %get3A_67 = vector.load %arg12[%get3A_65, %get3A_66] : memref<1x128xf32, #tpu.memory_space<vmem>>, vector<1x128xf32>
    %add3A_68 = vector.broadcast %get3A_67 : vector<1x128xf32> to vector<3840x128xf32>
    %add3A_69 = arith.addf %add3A_64, %add3A_68 : vector<3840x128xf32>
    %get3A_70 = arith.constant 0 : index
    %get3A_71 = arith.constant 0 : index
    %get3A_72 = vector.load %arg14[%get3A_70, %get3A_71] : memref<128x16xf32, #tpu.memory_space<vmem>>, vector<128x16xf32>
    %dot_general3A_73 = arith.constant dense<0.000000e+00> : vector<3840x16xf32>
    %dot_general3A_74 = tpu.matmul %add3A_69, %get3A_72, %dot_general3A_73 {dimension_numbers = #tpu.dot_dimension_numbers<[1], [0], [0], [1], [0, 0, 1, 1], [], []>, transpose_lhs_hint = false} : vector<3840x128xf32>, vector<128x16xf32>, vector<3840x16xf32> -> vector<3840x16xf32>
    %get3A_75 = arith.constant 0 : index
    %get3A_76 = arith.constant 0 : index
    %get3A_77 = vector.load %arg15[%get3A_75, %get3A_76] : memref<1x16xf32, #tpu.memory_space<vmem>>, vector<1x16xf32>
    %add3A_78 = vector.broadcast %get3A_77 : vector<1x16xf32> to vector<3840x16xf32>
    %add3A_79 = arith.addf %dot_general3A_74, %add3A_78 : vector<3840x16xf32>
    %logistic3A = arith.negf %add3A_79 : vector<3840x16xf32>
    %logistic3A_80 = math.exp %logistic3A : vector<3840x16xf32>
    %logistic3A_81 = arith.constant 1.000000e+00 : f32
    %logistic3A_82 = vector.broadcast %logistic3A_81 : f32 to vector<3840x16xf32>
    %logistic3A_83 = arith.addf %logistic3A_82, %logistic3A_80 : vector<3840x16xf32>
    %logistic3A_84 = arith.divf %logistic3A_82, %logistic3A_83 : vector<3840x16xf32>
    %get3A_85 = arith.constant 0 : index
    %get3A_86 = arith.constant 0 : index
    %get3A_87 = vector.load %arg13[%get3A_85, %get3A_86] : memref<192x48xf32, #tpu.memory_space<vmem>>, vector<192x48xf32>
    %dot_general3A_88 = arith.constant dense<0.000000e+00> : vector<3840x48xf32>
    %dot_general3A_89 = tpu.matmul %add3A_31, %get3A_87, %dot_general3A_88 {dimension_numbers = #tpu.dot_dimension_numbers<[1], [0], [0], [1], [0, 0, 1, 1], [], []>, transpose_lhs_hint = false} : vector<3840x192xf32>, vector<192x48xf32>, vector<3840x48xf32> -> vector<3840x48xf32>
    %concatenate3A_90 = tpu.concatenate %logistic3A_84, %logistic3A_84, %logistic3A_84 in 1 : vector<3840x16xf32>, vector<3840x16xf32>, vector<3840x16xf32> -> vector<3840x48xf32>
    %mul3A = arith.mulf %dot_general3A_89, %concatenate3A_90 : vector<3840x48xf32>
    %max3A = arith.constant 0.000000e+00 : f32
    %max3A_91 = vector.broadcast %max3A : f32 to vector<3840x128xf32>
    %max3A_92 = arith.maximumf %add3A_69, %max3A_91 : vector<3840x128xf32>
    %get3A_93 = arith.constant 0 : index
    %get3A_94 = arith.constant 0 : index
    %get3A_95 = vector.load %arg16[%get3A_93, %get3A_94] : memref<48x48xf32, #tpu.memory_space<vmem>>, vector<48x48xf32>
    %dot_general3A_96 = arith.constant dense<0.000000e+00> : vector<3840x48xf32>
    %dot_general3A_97 = tpu.matmul %mul3A, %get3A_95, %dot_general3A_96 {dimension_numbers = #tpu.dot_dimension_numbers<[1], [0], [0], [1], [0, 0, 1, 1], [], []>, transpose_lhs_hint = false} : vector<3840x48xf32>, vector<48x48xf32>, vector<3840x48xf32> -> vector<3840x48xf32>
    %slice3A_98 = vector.extract_strided_slice %dot_general3A_97 {offsets = [0, 0], sizes = [3840, 16], strides = [1, 1]} : vector<3840x48xf32> to vector<3840x16xf32>
    %slice3A_99 = vector.extract_strided_slice %dot_general3A_97 {offsets = [0, 16], sizes = [3840, 16], strides = [1, 1]} : vector<3840x48xf32> to vector<3840x16xf32>
    %slice3A_100 = vector.extract_strided_slice %dot_general3A_97 {offsets = [0, 32], sizes = [3840, 16], strides = [1, 1]} : vector<3840x48xf32> to vector<3840x16xf32>
    %integer_pow3A_101 = arith.mulf %slice3A_98, %slice3A_98 : vector<3840x16xf32>
    %integer_pow3A_102 = arith.mulf %slice3A_99, %slice3A_99 : vector<3840x16xf32>
    %add3A_103 = arith.addf %integer_pow3A_101, %integer_pow3A_102 : vector<3840x16xf32>
    %integer_pow3A_104 = arith.mulf %slice3A_100, %slice3A_100 : vector<3840x16xf32>
    %add3A_105 = arith.addf %add3A_103, %integer_pow3A_104 : vector<3840x16xf32>
    %add3A_106 = arith.constant 9.99999993E-9 : f32
    %add3A_107 = vector.broadcast %add3A_106 : f32 to vector<3840x16xf32>
    %add3A_108 = arith.addf %add3A_105, %add3A_107 : vector<3840x16xf32>
    %sqrt3A_109 = math.sqrt %add3A_108 : vector<3840x16xf32>
    %get3A_110 = arith.constant 0 : index
    %get3A_111 = arith.constant 0 : index
    %get3A_112 = vector.load %arg17[%get3A_110, %get3A_111] : memref<128x128xf32, #tpu.memory_space<vmem>>, vector<128x128xf32>
    %dot_general3A_113 = arith.constant dense<0.000000e+00> : vector<3840x128xf32>
    %dot_general3A_114 = tpu.matmul %max3A_92, %get3A_112, %dot_general3A_113 {dimension_numbers = #tpu.dot_dimension_numbers<[1], [0], [0], [1], [0, 0, 1, 1], [], []>, transpose_lhs_hint = false} : vector<3840x128xf32>, vector<128x128xf32>, vector<3840x128xf32> -> vector<3840x128xf32>
    %get3A_115 = arith.constant 0 : index
    %get3A_116 = arith.constant 0 : index
    %get3A_117 = vector.load %arg18[%get3A_115, %get3A_116] : memref<16x128xf32, #tpu.memory_space<vmem>>, vector<16x128xf32>
    %dot_general3A_118 = arith.constant dense<0.000000e+00> : vector<3840x128xf32>
    %dot_general3A_119 = tpu.matmul %sqrt3A_109, %get3A_117, %dot_general3A_118 {dimension_numbers = #tpu.dot_dimension_numbers<[1], [0], [0], [1], [0, 0, 1, 1], [], []>, transpose_lhs_hint = false} : vector<3840x16xf32>, vector<16x128xf32>, vector<3840x128xf32> -> vector<3840x128xf32>
    %add3A_120 = arith.addf %dot_general3A_114, %dot_general3A_119 : vector<3840x128xf32>
    %get3A_121 = arith.constant 0 : index
    %get3A_122 = arith.constant 0 : index
    %get3A_123 = vector.load %arg19[%get3A_121, %get3A_122] : memref<1x128xf32, #tpu.memory_space<vmem>>, vector<1x128xf32>
    %add3A_124 = vector.broadcast %get3A_123 : vector<1x128xf32> to vector<3840x128xf32>
    %add3A_125 = arith.addf %add3A_120, %add3A_124 : vector<3840x128xf32>
    %get3A_126 = arith.constant 0 : index
    %get3A_127 = arith.constant 0 : index
    %get3A_128 = vector.load %arg21[%get3A_126, %get3A_127] : memref<128x16xf32, #tpu.memory_space<vmem>>, vector<128x16xf32>
    %dot_general3A_129 = arith.constant dense<0.000000e+00> : vector<3840x16xf32>
    %dot_general3A_130 = tpu.matmul %add3A_125, %get3A_128, %dot_general3A_129 {dimension_numbers = #tpu.dot_dimension_numbers<[1], [0], [0], [1], [0, 0, 1, 1], [], []>, transpose_lhs_hint = false} : vector<3840x128xf32>, vector<128x16xf32>, vector<3840x16xf32> -> vector<3840x16xf32>
    %get3A_131 = arith.constant 0 : index
    %get3A_132 = arith.constant 0 : index
    %get3A_133 = vector.load %arg22[%get3A_131, %get3A_132] : memref<1x16xf32, #tpu.memory_space<vmem>>, vector<1x16xf32>
    %add3A_134 = vector.broadcast %get3A_133 : vector<1x16xf32> to vector<3840x16xf32>
    %add3A_135 = arith.addf %dot_general3A_130, %add3A_134 : vector<3840x16xf32>
    %logistic3A_136 = arith.negf %add3A_135 : vector<3840x16xf32>
    %logistic3A_137 = math.exp %logistic3A_136 : vector<3840x16xf32>
    %logistic3A_138 = arith.constant 1.000000e+00 : f32
    %logistic3A_139 = vector.broadcast %logistic3A_138 : f32 to vector<3840x16xf32>
    %logistic3A_140 = arith.addf %logistic3A_139, %logistic3A_137 : vector<3840x16xf32>
    %logistic3A_141 = arith.divf %logistic3A_139, %logistic3A_140 : vector<3840x16xf32>
    %get3A_142 = arith.constant 0 : index
    %get3A_143 = arith.constant 0 : index
    %get3A_144 = vector.load %arg20[%get3A_142, %get3A_143] : memref<48x48xf32, #tpu.memory_space<vmem>>, vector<48x48xf32>
    %dot_general3A_145 = arith.constant dense<0.000000e+00> : vector<3840x48xf32>
    %dot_general3A_146 = tpu.matmul %dot_general3A_97, %get3A_144, %dot_general3A_145 {dimension_numbers = #tpu.dot_dimension_numbers<[1], [0], [0], [1], [0, 0, 1, 1], [], []>, transpose_lhs_hint = false} : vector<3840x48xf32>, vector<48x48xf32>, vector<3840x48xf32> -> vector<3840x48xf32>
    %concatenate3A_147 = tpu.concatenate %logistic3A_141, %logistic3A_141, %logistic3A_141 in 1 : vector<3840x16xf32>, vector<3840x16xf32>, vector<3840x16xf32> -> vector<3840x48xf32>
    %mul3A_148 = arith.mulf %dot_general3A_146, %concatenate3A_147 : vector<3840x48xf32>
    %max3A_149 = arith.constant 0.000000e+00 : f32
    %max3A_150 = vector.broadcast %max3A_149 : f32 to vector<3840x128xf32>
    %max3A_151 = arith.maximumf %add3A_125, %max3A_150 : vector<3840x128xf32>
    %get3A_152 = arith.constant 0 : index
    %get3A_153 = arith.constant 0 : index
    %get3A_154 = vector.load %arg23[%get3A_152, %get3A_153] : memref<48x48xf32, #tpu.memory_space<vmem>>, vector<48x48xf32>
    %dot_general3A_155 = arith.constant dense<0.000000e+00> : vector<3840x48xf32>
    %dot_general3A_156 = tpu.matmul %mul3A_148, %get3A_154, %dot_general3A_155 {dimension_numbers = #tpu.dot_dimension_numbers<[1], [0], [0], [1], [0, 0, 1, 1], [], []>, transpose_lhs_hint = false} : vector<3840x48xf32>, vector<48x48xf32>, vector<3840x48xf32> -> vector<3840x48xf32>
    %slice3A_157 = vector.extract_strided_slice %dot_general3A_156 {offsets = [0, 0], sizes = [3840, 16], strides = [1, 1]} : vector<3840x48xf32> to vector<3840x16xf32>
    %slice3A_158 = vector.extract_strided_slice %dot_general3A_156 {offsets = [0, 16], sizes = [3840, 16], strides = [1, 1]} : vector<3840x48xf32> to vector<3840x16xf32>
    %slice3A_159 = vector.extract_strided_slice %dot_general3A_156 {offsets = [0, 32], sizes = [3840, 16], strides = [1, 1]} : vector<3840x48xf32> to vector<3840x16xf32>
    %integer_pow3A_160 = arith.mulf %slice3A_157, %slice3A_157 : vector<3840x16xf32>
    %integer_pow3A_161 = arith.mulf %slice3A_158, %slice3A_158 : vector<3840x16xf32>
    %add3A_162 = arith.addf %integer_pow3A_160, %integer_pow3A_161 : vector<3840x16xf32>
    %integer_pow3A_163 = arith.mulf %slice3A_159, %slice3A_159 : vector<3840x16xf32>
    %add3A_164 = arith.addf %add3A_162, %integer_pow3A_163 : vector<3840x16xf32>
    %add3A_165 = arith.constant 9.99999993E-9 : f32
    %add3A_166 = vector.broadcast %add3A_165 : f32 to vector<3840x16xf32>
    %add3A_167 = arith.addf %add3A_164, %add3A_166 : vector<3840x16xf32>
    %sqrt3A_168 = math.sqrt %add3A_167 : vector<3840x16xf32>
    %get3A_169 = arith.constant 0 : index
    %get3A_170 = arith.constant 0 : index
    %get3A_171 = vector.load %arg24[%get3A_169, %get3A_170] : memref<128x128xf32, #tpu.memory_space<vmem>>, vector<128x128xf32>
    %dot_general3A_172 = arith.constant dense<0.000000e+00> : vector<3840x128xf32>
    %dot_general3A_173 = tpu.matmul %max3A_151, %get3A_171, %dot_general3A_172 {dimension_numbers = #tpu.dot_dimension_numbers<[1], [0], [0], [1], [0, 0, 1, 1], [], []>, transpose_lhs_hint = false} : vector<3840x128xf32>, vector<128x128xf32>, vector<3840x128xf32> -> vector<3840x128xf32>
    %get3A_174 = arith.constant 0 : index
    %get3A_175 = arith.constant 0 : index
    %get3A_176 = vector.load %arg25[%get3A_174, %get3A_175] : memref<16x128xf32, #tpu.memory_space<vmem>>, vector<16x128xf32>
    %dot_general3A_177 = arith.constant dense<0.000000e+00> : vector<3840x128xf32>
    %dot_general3A_178 = tpu.matmul %sqrt3A_168, %get3A_176, %dot_general3A_177 {dimension_numbers = #tpu.dot_dimension_numbers<[1], [0], [0], [1], [0, 0, 1, 1], [], []>, transpose_lhs_hint = false} : vector<3840x16xf32>, vector<16x128xf32>, vector<3840x128xf32> -> vector<3840x128xf32>
    %add3A_179 = arith.addf %dot_general3A_173, %dot_general3A_178 : vector<3840x128xf32>
    %get3A_180 = arith.constant 0 : index
    %get3A_181 = arith.constant 0 : index
    %get3A_182 = vector.load %arg26[%get3A_180, %get3A_181] : memref<1x128xf32, #tpu.memory_space<vmem>>, vector<1x128xf32>
    %add3A_183 = vector.broadcast %get3A_182 : vector<1x128xf32> to vector<3840x128xf32>
    %add3A_184 = arith.addf %add3A_179, %add3A_183 : vector<3840x128xf32>
    %get3A_185 = arith.constant 0 : index
    %get3A_186 = arith.constant 0 : index
    %get3A_187 = vector.load %arg28[%get3A_185, %get3A_186] : memref<128x16xf32, #tpu.memory_space<vmem>>, vector<128x16xf32>
    %dot_general3A_188 = arith.constant dense<0.000000e+00> : vector<3840x16xf32>
    %dot_general3A_189 = tpu.matmul %add3A_184, %get3A_187, %dot_general3A_188 {dimension_numbers = #tpu.dot_dimension_numbers<[1], [0], [0], [1], [0, 0, 1, 1], [], []>, transpose_lhs_hint = false} : vector<3840x128xf32>, vector<128x16xf32>, vector<3840x16xf32> -> vector<3840x16xf32>
    %get3A_190 = arith.constant 0 : index
    %get3A_191 = arith.constant 0 : index
    %get3A_192 = vector.load %arg29[%get3A_190, %get3A_191] : memref<1x16xf32, #tpu.memory_space<vmem>>, vector<1x16xf32>
    %add3A_193 = vector.broadcast %get3A_192 : vector<1x16xf32> to vector<3840x16xf32>
    %add3A_194 = arith.addf %dot_general3A_189, %add3A_193 : vector<3840x16xf32>
    %logistic3A_195 = arith.negf %add3A_194 : vector<3840x16xf32>
    %logistic3A_196 = math.exp %logistic3A_195 : vector<3840x16xf32>
    %logistic3A_197 = arith.constant 1.000000e+00 : f32
    %logistic3A_198 = vector.broadcast %logistic3A_197 : f32 to vector<3840x16xf32>
    %logistic3A_199 = arith.addf %logistic3A_198, %logistic3A_196 : vector<3840x16xf32>
    %logistic3A_200 = arith.divf %logistic3A_198, %logistic3A_199 : vector<3840x16xf32>
    %get3A_201 = arith.constant 0 : index
    %get3A_202 = arith.constant 0 : index
    %get3A_203 = vector.load %arg27[%get3A_201, %get3A_202] : memref<48x48xf32, #tpu.memory_space<vmem>>, vector<48x48xf32>
    %dot_general3A_204 = arith.constant dense<0.000000e+00> : vector<3840x48xf32>
    %dot_general3A_205 = tpu.matmul %dot_general3A_156, %get3A_203, %dot_general3A_204 {dimension_numbers = #tpu.dot_dimension_numbers<[1], [0], [0], [1], [0, 0, 1, 1], [], []>, transpose_lhs_hint = false} : vector<3840x48xf32>, vector<48x48xf32>, vector<3840x48xf32> -> vector<3840x48xf32>
    %concatenate3A_206 = tpu.concatenate %logistic3A_200, %logistic3A_200, %logistic3A_200 in 1 : vector<3840x16xf32>, vector<3840x16xf32>, vector<3840x16xf32> -> vector<3840x48xf32>
    %mul3A_207 = arith.mulf %dot_general3A_205, %concatenate3A_206 : vector<3840x48xf32>
    %reshape3A = vector.shape_cast %add3A_184 : vector<3840x128xf32> to vector<30x128x128xf32>
    %reduce_sum3A = arith.constant dense<0.000000e+00> : vector<128x128xf32>
    %reduce_sum3A_208 = vector.multi_reduction <add>, %reshape3A, %reduce_sum3A [0] : vector<30x128x128xf32> to vector<128x128xf32>
    %mul3A_209 = arith.constant 0.0333333351 : f32
    %mul3A_210 = vector.broadcast %mul3A_209 : f32 to vector<128x128xf32>
    %mul3A_211 = arith.mulf %reduce_sum3A_208, %mul3A_210 : vector<128x128xf32>
    %reshape3A_212 = vector.shape_cast %mul3A_207 : vector<3840x48xf32> to vector<30x128x48xf32>
    %reduce_sum3A_213 = arith.constant dense<0.000000e+00> : vector<128x48xf32>
    %reduce_sum3A_214 = vector.multi_reduction <add>, %reshape3A_212, %reduce_sum3A_213 [0] : vector<30x128x48xf32> to vector<128x48xf32>
    %mul3A_215 = arith.constant 0.0333333351 : f32
    %mul3A_216 = vector.broadcast %mul3A_215 : f32 to vector<128x48xf32>
    %mul3A_217 = arith.mulf %reduce_sum3A_214, %mul3A_216 : vector<128x48xf32>
    %add3A_218 = arith.addf %get3A_1, %mul3A_211 : vector<128x128xf32>
    %get3A_219 = arith.constant 0 : index
    %get3A_220 = arith.constant 0 : index
    %get3A_221 = vector.load %arg30[%get3A_219, %get3A_220] : memref<1x128xf32, #tpu.memory_space<vmem>>, vector<1x128xf32>
    %get3A_222 = arith.constant 0 : index
    %get3A_223 = arith.constant 0 : index
    %get3A_224 = vector.load %arg31[%get3A_222, %get3A_223] : memref<1x128xf32, #tpu.memory_space<vmem>>, vector<1x128xf32>
    %reduce_sum3A_225 = arith.constant dense<0.000000e+00> : vector<128xf32>
    %reduce_sum3A_226 = vector.multi_reduction <add>, %add3A_218, %reduce_sum3A_225 [1] : vector<128x128xf32> to vector<128xf32>
    %broadcast_in_dim3A = vector.shape_cast %reduce_sum3A_226 : vector<128xf32> to vector<128x1xf32>
    %div3A = arith.constant 1.280000e+02 : f32
    %div3A_227 = vector.broadcast %div3A : f32 to vector<128x1xf32>
    %div3A_228 = arith.divf %broadcast_in_dim3A, %div3A_227 : vector<128x1xf32>
    %sub3A = vector.broadcast %div3A_228 : vector<128x1xf32> to vector<128x128xf32>
    %sub3A_229 = arith.subf %add3A_218, %sub3A : vector<128x128xf32>
    %integer_pow3A_230 = arith.mulf %sub3A_229, %sub3A_229 : vector<128x128xf32>
    %reduce_sum3A_231 = arith.constant dense<0.000000e+00> : vector<128xf32>
    %reduce_sum3A_232 = vector.multi_reduction <add>, %integer_pow3A_230, %reduce_sum3A_231 [1] : vector<128x128xf32> to vector<128xf32>
    %broadcast_in_dim3A_233 = vector.shape_cast %reduce_sum3A_232 : vector<128xf32> to vector<128x1xf32>
    %div3A_234 = arith.constant 1.280000e+02 : f32
    %div3A_235 = vector.broadcast %div3A_234 : f32 to vector<128x1xf32>
    %div3A_236 = arith.divf %broadcast_in_dim3A_233, %div3A_235 : vector<128x1xf32>
    %sub3A_237 = vector.broadcast %div3A_228 : vector<128x1xf32> to vector<128x128xf32>
    %sub3A_238 = arith.subf %add3A_218, %sub3A_237 : vector<128x128xf32>
    %add3A_239 = arith.constant 9.99999974E-6 : f32
    %add3A_240 = vector.broadcast %add3A_239 : f32 to vector<128x1xf32>
    %add3A_241 = arith.addf %div3A_236, %add3A_240 : vector<128x1xf32>
    %sqrt3A_242 = math.sqrt %add3A_241 : vector<128x1xf32>
    %div3A_243 = vector.broadcast %sqrt3A_242 : vector<128x1xf32> to vector<128x128xf32>
    %div3A_244 = arith.divf %sub3A_238, %div3A_243 : vector<128x128xf32>
    %mul3A_245 = vector.broadcast %get3A_221 : vector<1x128xf32> to vector<128x128xf32>
    %mul3A_246 = arith.mulf %div3A_244, %mul3A_245 : vector<128x128xf32>
    %add3A_247 = vector.broadcast %get3A_224 : vector<1x128xf32> to vector<128x128xf32>
    %add3A_248 = arith.addf %mul3A_246, %add3A_247 : vector<128x128xf32>
    %add3A_249 = arith.addf %get3A_4, %mul3A_217 : vector<128x48xf32>
    %slice3A_250 = vector.extract_strided_slice %add3A_249 {offsets = [0, 0], sizes = [128, 16], strides = [1, 1]} : vector<128x48xf32> to vector<128x16xf32>
    %slice3A_251 = vector.extract_strided_slice %add3A_249 {offsets = [0, 16], sizes = [128, 16], strides = [1, 1]} : vector<128x48xf32> to vector<128x16xf32>
    %slice3A_252 = vector.extract_strided_slice %add3A_249 {offsets = [0, 32], sizes = [128, 16], strides = [1, 1]} : vector<128x48xf32> to vector<128x16xf32>
    %integer_pow3A_253 = arith.mulf %slice3A_250, %slice3A_250 : vector<128x16xf32>
    %integer_pow3A_254 = arith.mulf %slice3A_251, %slice3A_251 : vector<128x16xf32>
    %add3A_255 = arith.addf %integer_pow3A_253, %integer_pow3A_254 : vector<128x16xf32>
    %integer_pow3A_256 = arith.mulf %slice3A_252, %slice3A_252 : vector<128x16xf32>
    %add3A_257 = arith.addf %add3A_255, %integer_pow3A_256 : vector<128x16xf32>
    %reduce_sum3A_258 = arith.constant dense<0.000000e+00> : vector<128xf32>
    %reduce_sum3A_259 = vector.multi_reduction <add>, %add3A_257, %reduce_sum3A_258 [1] : vector<128x16xf32> to vector<128xf32>
    %broadcast_in_dim3A_260 = vector.shape_cast %reduce_sum3A_259 : vector<128xf32> to vector<128x1xf32>
    %div3A_261 = arith.constant 1.600000e+01 : f32
    %div3A_262 = vector.broadcast %div3A_261 : f32 to vector<128x1xf32>
    %div3A_263 = arith.divf %broadcast_in_dim3A_260, %div3A_262 : vector<128x1xf32>
    %add3A_264 = arith.constant 9.99999993E-9 : f32
    %add3A_265 = vector.broadcast %add3A_264 : f32 to vector<128x1xf32>
    %add3A_266 = arith.addf %div3A_263, %add3A_265 : vector<128x1xf32>
    %sqrt3A_267 = math.sqrt %add3A_266 : vector<128x1xf32>
    %div3A_268 = arith.constant 1.000000e+00 : f32
    %div3A_269 = vector.broadcast %div3A_268 : f32 to vector<128x1xf32>
    %div3A_270 = arith.divf %div3A_269, %sqrt3A_267 : vector<128x1xf32>
    %mul3A_271 = vector.broadcast %div3A_270 : vector<128x1xf32> to vector<128x16xf32>
    %mul3A_272 = arith.mulf %slice3A_250, %mul3A_271 : vector<128x16xf32>
    %mul3A_273 = vector.broadcast %div3A_270 : vector<128x1xf32> to vector<128x16xf32>
    %mul3A_274 = arith.mulf %slice3A_251, %mul3A_273 : vector<128x16xf32>
    %mul3A_275 = vector.broadcast %div3A_270 : vector<128x1xf32> to vector<128x16xf32>
    %mul3A_276 = arith.mulf %slice3A_252, %mul3A_275 : vector<128x16xf32>
    %get3A_277 = arith.constant 0 : index
    %get3A_278 = arith.constant 0 : index
    %get3A_279 = vector.load %arg32[%get3A_277, %get3A_278] : memref<16x16xf32, #tpu.memory_space<vmem>>, vector<16x16xf32>
    %dot_general3A_280 = arith.constant dense<0.000000e+00> : vector<128x16xf32>
    %dot_general3A_281 = tpu.matmul %mul3A_272, %get3A_279, %dot_general3A_280 {dimension_numbers = #tpu.dot_dimension_numbers<[1], [0], [0], [1], [0, 0, 1, 1], [], []>, transpose_lhs_hint = false} : vector<128x16xf32>, vector<16x16xf32>, vector<128x16xf32> -> vector<128x16xf32>
    %get3A_282 = arith.constant 0 : index
    %get3A_283 = arith.constant 0 : index
    %get3A_284 = vector.load %arg32[%get3A_282, %get3A_283] : memref<16x16xf32, #tpu.memory_space<vmem>>, vector<16x16xf32>
    %dot_general3A_285 = arith.constant dense<0.000000e+00> : vector<128x16xf32>
    %dot_general3A_286 = tpu.matmul %mul3A_274, %get3A_284, %dot_general3A_285 {dimension_numbers = #tpu.dot_dimension_numbers<[1], [0], [0], [1], [0, 0, 1, 1], [], []>, transpose_lhs_hint = false} : vector<128x16xf32>, vector<16x16xf32>, vector<128x16xf32> -> vector<128x16xf32>
    %get3A_287 = arith.constant 0 : index
    %get3A_288 = arith.constant 0 : index
    %get3A_289 = vector.load %arg32[%get3A_287, %get3A_288] : memref<16x16xf32, #tpu.memory_space<vmem>>, vector<16x16xf32>
    %dot_general3A_290 = arith.constant dense<0.000000e+00> : vector<128x16xf32>
    %dot_general3A_291 = tpu.matmul %mul3A_276, %get3A_289, %dot_general3A_290 {dimension_numbers = #tpu.dot_dimension_numbers<[1], [0], [0], [1], [0, 0, 1, 1], [], []>, transpose_lhs_hint = false} : vector<128x16xf32>, vector<16x16xf32>, vector<128x16xf32> -> vector<128x16xf32>
    %integer_pow3A_292 = arith.mulf %dot_general3A_281, %dot_general3A_281 : vector<128x16xf32>
    %integer_pow3A_293 = arith.mulf %dot_general3A_286, %dot_general3A_286 : vector<128x16xf32>
    %add3A_294 = arith.addf %integer_pow3A_292, %integer_pow3A_293 : vector<128x16xf32>
    %integer_pow3A_295 = arith.mulf %dot_general3A_291, %dot_general3A_291 : vector<128x16xf32>
    %add3A_296 = arith.addf %add3A_294, %integer_pow3A_295 : vector<128x16xf32>
    %add3A_297 = arith.constant 9.99999993E-9 : f32
    %add3A_298 = vector.broadcast %add3A_297 : f32 to vector<128x16xf32>
    %add3A_299 = arith.addf %add3A_296, %add3A_298 : vector<128x16xf32>
    %sqrt3A_300 = math.sqrt %add3A_299 : vector<128x16xf32>
    %get3A_301 = arith.constant 0 : index
    %get3A_302 = arith.constant 0 : index
    %get3A_303 = vector.load %arg33[%get3A_301, %get3A_302] : memref<144x256xf32, #tpu.memory_space<vmem>>, vector<128x256xf32>
    %dot_general3A_304 = arith.constant dense<0.000000e+00> : vector<128x256xf32>
    %dot_general3A_305 = tpu.matmul %add3A_248, %get3A_303, %dot_general3A_304 {dimension_numbers = #tpu.dot_dimension_numbers<[1], [0], [0], [1], [0, 0, 1, 1], [], []>, transpose_lhs_hint = false} : vector<128x128xf32>, vector<128x256xf32>, vector<128x256xf32> -> vector<128x256xf32>
    %get3A_306 = arith.constant 128 : index
    %get3A_307 = arith.constant 0 : index
    %get3A_308 = vector.load %arg33[%get3A_306, %get3A_307] : memref<144x256xf32, #tpu.memory_space<vmem>>, vector<16x256xf32>
    %dot_general3A_309 = arith.constant dense<0.000000e+00> : vector<128x256xf32>
    %dot_general3A_310 = tpu.matmul %sqrt3A_300, %get3A_308, %dot_general3A_309 {dimension_numbers = #tpu.dot_dimension_numbers<[1], [0], [0], [1], [0, 0, 1, 1], [], []>, transpose_lhs_hint = false} : vector<128x16xf32>, vector<16x256xf32>, vector<128x256xf32> -> vector<128x256xf32>
    %add3A_311 = arith.addf %dot_general3A_305, %dot_general3A_310 : vector<128x256xf32>
    %get3A_312 = arith.constant 0 : index
    %get3A_313 = arith.constant 0 : index
    %get3A_314 = vector.load %arg34[%get3A_312, %get3A_313] : memref<1x256xf32, #tpu.memory_space<vmem>>, vector<1x256xf32>
    %add3A_315 = vector.broadcast %get3A_314 : vector<1x256xf32> to vector<128x256xf32>
    %add3A_316 = arith.addf %add3A_311, %add3A_315 : vector<128x256xf32>
    %get3A_317 = arith.constant 0 : index
    %get3A_318 = arith.constant 0 : index
    %get3A_319 = vector.load %arg36[%get3A_317, %get3A_318] : memref<256x16xf32, #tpu.memory_space<vmem>>, vector<256x16xf32>
    %dot_general3A_320 = arith.constant dense<0.000000e+00> : vector<128x16xf32>
    %dot_general3A_321 = tpu.matmul %add3A_316, %get3A_319, %dot_general3A_320 {dimension_numbers = #tpu.dot_dimension_numbers<[1], [0], [0], [1], [0, 0, 1, 1], [], []>, transpose_lhs_hint = false} : vector<128x256xf32>, vector<256x16xf32>, vector<128x16xf32> -> vector<128x16xf32>
    %get3A_322 = arith.constant 0 : index
    %get3A_323 = arith.constant 0 : index
    %get3A_324 = vector.load %arg37[%get3A_322, %get3A_323] : memref<1x16xf32, #tpu.memory_space<vmem>>, vector<1x16xf32>
    %add3A_325 = vector.broadcast %get3A_324 : vector<1x16xf32> to vector<128x16xf32>
    %add3A_326 = arith.addf %dot_general3A_321, %add3A_325 : vector<128x16xf32>
    %logistic3A_327 = arith.negf %add3A_326 : vector<128x16xf32>
    %logistic3A_328 = math.exp %logistic3A_327 : vector<128x16xf32>
    %logistic3A_329 = arith.constant 1.000000e+00 : f32
    %logistic3A_330 = vector.broadcast %logistic3A_329 : f32 to vector<128x16xf32>
    %logistic3A_331 = arith.addf %logistic3A_330, %logistic3A_328 : vector<128x16xf32>
    %logistic3A_332 = arith.divf %logistic3A_330, %logistic3A_331 : vector<128x16xf32>
    %get3A_333 = arith.constant 0 : index
    %get3A_334 = arith.constant 0 : index
    %get3A_335 = vector.load %arg35[%get3A_333, %get3A_334] : memref<16x16xf32, #tpu.memory_space<vmem>>, vector<16x16xf32>
    %dot_general3A_336 = arith.constant dense<0.000000e+00> : vector<128x16xf32>
    %dot_general3A_337 = tpu.matmul %dot_general3A_281, %get3A_335, %dot_general3A_336 {dimension_numbers = #tpu.dot_dimension_numbers<[1], [0], [0], [1], [0, 0, 1, 1], [], []>, transpose_lhs_hint = false} : vector<128x16xf32>, vector<16x16xf32>, vector<128x16xf32> -> vector<128x16xf32>
    %mul3A_338 = arith.mulf %dot_general3A_337, %logistic3A_332 : vector<128x16xf32>
    %get3A_339 = arith.constant 0 : index
    %get3A_340 = arith.constant 0 : index
    %get3A_341 = vector.load %arg35[%get3A_339, %get3A_340] : memref<16x16xf32, #tpu.memory_space<vmem>>, vector<16x16xf32>
    %dot_general3A_342 = arith.constant dense<0.000000e+00> : vector<128x16xf32>
    %dot_general3A_343 = tpu.matmul %dot_general3A_286, %get3A_341, %dot_general3A_342 {dimension_numbers = #tpu.dot_dimension_numbers<[1], [0], [0], [1], [0, 0, 1, 1], [], []>, transpose_lhs_hint = false} : vector<128x16xf32>, vector<16x16xf32>, vector<128x16xf32> -> vector<128x16xf32>
    %mul3A_344 = arith.mulf %dot_general3A_343, %logistic3A_332 : vector<128x16xf32>
    %get3A_345 = arith.constant 0 : index
    %get3A_346 = arith.constant 0 : index
    %get3A_347 = vector.load %arg35[%get3A_345, %get3A_346] : memref<16x16xf32, #tpu.memory_space<vmem>>, vector<16x16xf32>
    %dot_general3A_348 = arith.constant dense<0.000000e+00> : vector<128x16xf32>
    %dot_general3A_349 = tpu.matmul %dot_general3A_291, %get3A_347, %dot_general3A_348 {dimension_numbers = #tpu.dot_dimension_numbers<[1], [0], [0], [1], [0, 0, 1, 1], [], []>, transpose_lhs_hint = false} : vector<128x16xf32>, vector<16x16xf32>, vector<128x16xf32> -> vector<128x16xf32>
    %mul3A_350 = arith.mulf %dot_general3A_349, %logistic3A_332 : vector<128x16xf32>
    %max3A_351 = arith.constant 0.000000e+00 : f32
    %max3A_352 = vector.broadcast %max3A_351 : f32 to vector<128x256xf32>
    %max3A_353 = arith.maximumf %add3A_316, %max3A_352 : vector<128x256xf32>
    %get3A_354 = arith.constant 0 : index
    %get3A_355 = arith.constant 0 : index
    %get3A_356 = vector.load %arg38[%get3A_354, %get3A_355] : memref<16x16xf32, #tpu.memory_space<vmem>>, vector<16x16xf32>
    %dot_general3A_357 = arith.constant dense<0.000000e+00> : vector<128x16xf32>
    %dot_general3A_358 = tpu.matmul %mul3A_338, %get3A_356, %dot_general3A_357 {dimension_numbers = #tpu.dot_dimension_numbers<[1], [0], [0], [1], [0, 0, 1, 1], [], []>, transpose_lhs_hint = false} : vector<128x16xf32>, vector<16x16xf32>, vector<128x16xf32> -> vector<128x16xf32>
    %get3A_359 = arith.constant 0 : index
    %get3A_360 = arith.constant 0 : index
    %get3A_361 = vector.load %arg38[%get3A_359, %get3A_360] : memref<16x16xf32, #tpu.memory_space<vmem>>, vector<16x16xf32>
    %dot_general3A_362 = arith.constant dense<0.000000e+00> : vector<128x16xf32>
    %dot_general3A_363 = tpu.matmul %mul3A_344, %get3A_361, %dot_general3A_362 {dimension_numbers = #tpu.dot_dimension_numbers<[1], [0], [0], [1], [0, 0, 1, 1], [], []>, transpose_lhs_hint = false} : vector<128x16xf32>, vector<16x16xf32>, vector<128x16xf32> -> vector<128x16xf32>
    %get3A_364 = arith.constant 0 : index
    %get3A_365 = arith.constant 0 : index
    %get3A_366 = vector.load %arg38[%get3A_364, %get3A_365] : memref<16x16xf32, #tpu.memory_space<vmem>>, vector<16x16xf32>
    %dot_general3A_367 = arith.constant dense<0.000000e+00> : vector<128x16xf32>
    %dot_general3A_368 = tpu.matmul %mul3A_350, %get3A_366, %dot_general3A_367 {dimension_numbers = #tpu.dot_dimension_numbers<[1], [0], [0], [1], [0, 0, 1, 1], [], []>, transpose_lhs_hint = false} : vector<128x16xf32>, vector<16x16xf32>, vector<128x16xf32> -> vector<128x16xf32>
    %integer_pow3A_369 = arith.mulf %dot_general3A_358, %dot_general3A_358 : vector<128x16xf32>
    %integer_pow3A_370 = arith.mulf %dot_general3A_363, %dot_general3A_363 : vector<128x16xf32>
    %add3A_371 = arith.addf %integer_pow3A_369, %integer_pow3A_370 : vector<128x16xf32>
    %integer_pow3A_372 = arith.mulf %dot_general3A_368, %dot_general3A_368 : vector<128x16xf32>
    %add3A_373 = arith.addf %add3A_371, %integer_pow3A_372 : vector<128x16xf32>
    %add3A_374 = arith.constant 9.99999993E-9 : f32
    %add3A_375 = vector.broadcast %add3A_374 : f32 to vector<128x16xf32>
    %add3A_376 = arith.addf %add3A_373, %add3A_375 : vector<128x16xf32>
    %sqrt3A_377 = math.sqrt %add3A_376 : vector<128x16xf32>
    %get3A_378 = arith.constant 0 : index
    %get3A_379 = arith.constant 0 : index
    %get3A_380 = vector.load %arg39[%get3A_378, %get3A_379] : memref<272x128xf32, #tpu.memory_space<vmem>>, vector<256x128xf32>
    %dot_general3A_381 = arith.constant dense<0.000000e+00> : vector<128x128xf32>
    %dot_general3A_382 = tpu.matmul %max3A_353, %get3A_380, %dot_general3A_381 {dimension_numbers = #tpu.dot_dimension_numbers<[1], [0], [0], [1], [0, 0, 1, 1], [], []>, transpose_lhs_hint = false} : vector<128x256xf32>, vector<256x128xf32>, vector<128x128xf32> -> vector<128x128xf32>
    %get3A_383 = arith.constant 256 : index
    %get3A_384 = arith.constant 0 : index
    %get3A_385 = vector.load %arg39[%get3A_383, %get3A_384] : memref<272x128xf32, #tpu.memory_space<vmem>>, vector<16x128xf32>
    %dot_general3A_386 = arith.constant dense<0.000000e+00> : vector<128x128xf32>
    %dot_general3A_387 = tpu.matmul %sqrt3A_377, %get3A_385, %dot_general3A_386 {dimension_numbers = #tpu.dot_dimension_numbers<[1], [0], [0], [1], [0, 0, 1, 1], [], []>, transpose_lhs_hint = false} : vector<128x16xf32>, vector<16x128xf32>, vector<128x128xf32> -> vector<128x128xf32>
    %add3A_388 = arith.addf %dot_general3A_382, %dot_general3A_387 : vector<128x128xf32>
    %get3A_389 = arith.constant 0 : index
    %get3A_390 = arith.constant 0 : index
    %get3A_391 = vector.load %arg40[%get3A_389, %get3A_390] : memref<1x128xf32, #tpu.memory_space<vmem>>, vector<1x128xf32>
    %add3A_392 = vector.broadcast %get3A_391 : vector<1x128xf32> to vector<128x128xf32>
    %add3A_393 = arith.addf %add3A_388, %add3A_392 : vector<128x128xf32>
    %get3A_394 = arith.constant 0 : index
    %get3A_395 = arith.constant 0 : index
    %get3A_396 = vector.load %arg42[%get3A_394, %get3A_395] : memref<128x16xf32, #tpu.memory_space<vmem>>, vector<128x16xf32>
    %dot_general3A_397 = arith.constant dense<0.000000e+00> : vector<128x16xf32>
    %dot_general3A_398 = tpu.matmul %add3A_393, %get3A_396, %dot_general3A_397 {dimension_numbers = #tpu.dot_dimension_numbers<[1], [0], [0], [1], [0, 0, 1, 1], [], []>, transpose_lhs_hint = false} : vector<128x128xf32>, vector<128x16xf32>, vector<128x16xf32> -> vector<128x16xf32>
    %get3A_399 = arith.constant 0 : index
    %get3A_400 = arith.constant 0 : index
    %get3A_401 = vector.load %arg43[%get3A_399, %get3A_400] : memref<1x16xf32, #tpu.memory_space<vmem>>, vector<1x16xf32>
    %add3A_402 = vector.broadcast %get3A_401 : vector<1x16xf32> to vector<128x16xf32>
    %add3A_403 = arith.addf %dot_general3A_398, %add3A_402 : vector<128x16xf32>
    %logistic3A_404 = arith.negf %add3A_403 : vector<128x16xf32>
    %logistic3A_405 = math.exp %logistic3A_404 : vector<128x16xf32>
    %logistic3A_406 = arith.constant 1.000000e+00 : f32
    %logistic3A_407 = vector.broadcast %logistic3A_406 : f32 to vector<128x16xf32>
    %logistic3A_408 = arith.addf %logistic3A_407, %logistic3A_405 : vector<128x16xf32>
    %logistic3A_409 = arith.divf %logistic3A_407, %logistic3A_408 : vector<128x16xf32>
    %get3A_410 = arith.constant 0 : index
    %get3A_411 = arith.constant 0 : index
    %get3A_412 = vector.load %arg41[%get3A_410, %get3A_411] : memref<16x16xf32, #tpu.memory_space<vmem>>, vector<16x16xf32>
    %dot_general3A_413 = arith.constant dense<0.000000e+00> : vector<128x16xf32>
    %dot_general3A_414 = tpu.matmul %dot_general3A_358, %get3A_412, %dot_general3A_413 {dimension_numbers = #tpu.dot_dimension_numbers<[1], [0], [0], [1], [0, 0, 1, 1], [], []>, transpose_lhs_hint = false} : vector<128x16xf32>, vector<16x16xf32>, vector<128x16xf32> -> vector<128x16xf32>
    %mul3A_415 = arith.mulf %dot_general3A_414, %logistic3A_409 : vector<128x16xf32>
    %get3A_416 = arith.constant 0 : index
    %get3A_417 = arith.constant 0 : index
    %get3A_418 = vector.load %arg41[%get3A_416, %get3A_417] : memref<16x16xf32, #tpu.memory_space<vmem>>, vector<16x16xf32>
    %dot_general3A_419 = arith.constant dense<0.000000e+00> : vector<128x16xf32>
    %dot_general3A_420 = tpu.matmul %dot_general3A_363, %get3A_418, %dot_general3A_419 {dimension_numbers = #tpu.dot_dimension_numbers<[1], [0], [0], [1], [0, 0, 1, 1], [], []>, transpose_lhs_hint = false} : vector<128x16xf32>, vector<16x16xf32>, vector<128x16xf32> -> vector<128x16xf32>
    %mul3A_421 = arith.mulf %dot_general3A_420, %logistic3A_409 : vector<128x16xf32>
    %get3A_422 = arith.constant 0 : index
    %get3A_423 = arith.constant 0 : index
    %get3A_424 = vector.load %arg41[%get3A_422, %get3A_423] : memref<16x16xf32, #tpu.memory_space<vmem>>, vector<16x16xf32>
    %dot_general3A_425 = arith.constant dense<0.000000e+00> : vector<128x16xf32>
    %dot_general3A_426 = tpu.matmul %dot_general3A_368, %get3A_424, %dot_general3A_425 {dimension_numbers = #tpu.dot_dimension_numbers<[1], [0], [0], [1], [0, 0, 1, 1], [], []>, transpose_lhs_hint = false} : vector<128x16xf32>, vector<16x16xf32>, vector<128x16xf32> -> vector<128x16xf32>
    %mul3A_427 = arith.mulf %dot_general3A_426, %logistic3A_409 : vector<128x16xf32>
    %add3A_428 = arith.addf %add3A_248, %add3A_393 : vector<128x128xf32>
    %get3A_429 = arith.constant 0 : index
    %get3A_430 = arith.constant 0 : index
    %get3A_431 = vector.load %arg44[%get3A_429, %get3A_430] : memref<1x128xf32, #tpu.memory_space<vmem>>, vector<1x128xf32>
    %get3A_432 = arith.constant 0 : index
    %get3A_433 = arith.constant 0 : index
    %get3A_434 = vector.load %arg45[%get3A_432, %get3A_433] : memref<1x128xf32, #tpu.memory_space<vmem>>, vector<1x128xf32>
    %reduce_sum3A_435 = arith.constant dense<0.000000e+00> : vector<128xf32>
    %reduce_sum3A_436 = vector.multi_reduction <add>, %add3A_428, %reduce_sum3A_435 [1] : vector<128x128xf32> to vector<128xf32>
    %broadcast_in_dim3A_437 = vector.shape_cast %reduce_sum3A_436 : vector<128xf32> to vector<128x1xf32>
    %div3A_438 = arith.constant 1.280000e+02 : f32
    %div3A_439 = vector.broadcast %div3A_438 : f32 to vector<128x1xf32>
    %div3A_440 = arith.divf %broadcast_in_dim3A_437, %div3A_439 : vector<128x1xf32>
    %sub3A_441 = vector.broadcast %div3A_440 : vector<128x1xf32> to vector<128x128xf32>
    %sub3A_442 = arith.subf %add3A_428, %sub3A_441 : vector<128x128xf32>
    %integer_pow3A_443 = arith.mulf %sub3A_442, %sub3A_442 : vector<128x128xf32>
    %reduce_sum3A_444 = arith.constant dense<0.000000e+00> : vector<128xf32>
    %reduce_sum3A_445 = vector.multi_reduction <add>, %integer_pow3A_443, %reduce_sum3A_444 [1] : vector<128x128xf32> to vector<128xf32>
    %broadcast_in_dim3A_446 = vector.shape_cast %reduce_sum3A_445 : vector<128xf32> to vector<128x1xf32>
    %div3A_447 = arith.constant 1.280000e+02 : f32
    %div3A_448 = vector.broadcast %div3A_447 : f32 to vector<128x1xf32>
    %div3A_449 = arith.divf %broadcast_in_dim3A_446, %div3A_448 : vector<128x1xf32>
    %sub3A_450 = vector.broadcast %div3A_440 : vector<128x1xf32> to vector<128x128xf32>
    %sub3A_451 = arith.subf %add3A_428, %sub3A_450 : vector<128x128xf32>
    %add3A_452 = arith.constant 9.99999974E-6 : f32
    %add3A_453 = vector.broadcast %add3A_452 : f32 to vector<128x1xf32>
    %add3A_454 = arith.addf %div3A_449, %add3A_453 : vector<128x1xf32>
    %sqrt3A_455 = math.sqrt %add3A_454 : vector<128x1xf32>
    %div3A_456 = vector.broadcast %sqrt3A_455 : vector<128x1xf32> to vector<128x128xf32>
    %div3A_457 = arith.divf %sub3A_451, %div3A_456 : vector<128x128xf32>
    %mul3A_458 = vector.broadcast %get3A_431 : vector<1x128xf32> to vector<128x128xf32>
    %mul3A_459 = arith.mulf %div3A_457, %mul3A_458 : vector<128x128xf32>
    %add3A_460 = vector.broadcast %get3A_434 : vector<1x128xf32> to vector<128x128xf32>
    %add3A_461 = arith.addf %mul3A_459, %add3A_460 : vector<128x128xf32>
    %add3A_462 = arith.addf %mul3A_272, %mul3A_415 : vector<128x16xf32>
    %add3A_463 = arith.addf %mul3A_274, %mul3A_421 : vector<128x16xf32>
    %add3A_464 = arith.addf %mul3A_276, %mul3A_427 : vector<128x16xf32>
    %integer_pow3A_465 = arith.mulf %add3A_462, %add3A_462 : vector<128x16xf32>
    %integer_pow3A_466 = arith.mulf %add3A_463, %add3A_463 : vector<128x16xf32>
    %add3A_467 = arith.addf %integer_pow3A_465, %integer_pow3A_466 : vector<128x16xf32>
    %integer_pow3A_468 = arith.mulf %add3A_464, %add3A_464 : vector<128x16xf32>
    %add3A_469 = arith.addf %add3A_467, %integer_pow3A_468 : vector<128x16xf32>
    %reduce_sum3A_470 = arith.constant dense<0.000000e+00> : vector<128xf32>
    %reduce_sum3A_471 = vector.multi_reduction <add>, %add3A_469, %reduce_sum3A_470 [1] : vector<128x16xf32> to vector<128xf32>
    %broadcast_in_dim3A_472 = vector.shape_cast %reduce_sum3A_471 : vector<128xf32> to vector<128x1xf32>
    %div3A_473 = arith.constant 1.600000e+01 : f32
    %div3A_474 = vector.broadcast %div3A_473 : f32 to vector<128x1xf32>
    %div3A_475 = arith.divf %broadcast_in_dim3A_472, %div3A_474 : vector<128x1xf32>
    %add3A_476 = arith.constant 9.99999993E-9 : f32
    %add3A_477 = vector.broadcast %add3A_476 : f32 to vector<128x1xf32>
    %add3A_478 = arith.addf %div3A_475, %add3A_477 : vector<128x1xf32>
    %sqrt3A_479 = math.sqrt %add3A_478 : vector<128x1xf32>
    %div3A_480 = arith.constant 1.000000e+00 : f32
    %div3A_481 = vector.broadcast %div3A_480 : f32 to vector<128x1xf32>
    %div3A_482 = arith.divf %div3A_481, %sqrt3A_479 : vector<128x1xf32>
    %mul3A_483 = vector.broadcast %div3A_482 : vector<128x1xf32> to vector<128x16xf32>
    %mul3A_484 = arith.mulf %add3A_462, %mul3A_483 : vector<128x16xf32>
    %mul3A_485 = vector.broadcast %div3A_482 : vector<128x1xf32> to vector<128x16xf32>
    %mul3A_486 = arith.mulf %add3A_463, %mul3A_485 : vector<128x16xf32>
    %mul3A_487 = vector.broadcast %div3A_482 : vector<128x1xf32> to vector<128x16xf32>
    %mul3A_488 = arith.mulf %add3A_464, %mul3A_487 : vector<128x16xf32>
    %concatenate3A_489 = tpu.concatenate %add3A_461, %mul3A_484, %mul3A_486, %mul3A_488 in 1 : vector<128x128xf32>, vector<128x16xf32>, vector<128x16xf32>, vector<128x16xf32> -> vector<128x176xf32>
    %swap3A = arith.constant 0 : index
    %swap3A_490 = arith.constant 0 : index
    %swap3A_491 = vector.load %arg46[%swap3A, %swap3A_490] : memref<128x176xf32, #tpu.memory_space<vmem>>, vector<128x176xf32>
    tpu.vector_store %arg46[%swap3A, %swap3A_490], %concatenate3A_489 {strides = array<i32>} : memref<128x176xf32, #tpu.memory_space<vmem>>, vector<128x176xf32>,
    return
  }
  func.func @transform_0(%arg0: i32) -> (i32, i32) {
    %c0_i32 = arith.constant 0 : i32
    %c0_i32_0 = arith.constant 0 : i32
    return %arg0, %c0_i32 : i32, i32
  }
  func.func @transform_1(%arg0: i32) -> (i32, i32) {
    %c0_i32 = arith.constant 0 : i32
    %c0_i32_0 = arith.constant 0 : i32
    return %arg0, %c0_i32 : i32, i32
  }
  func.func @transform_2(%arg0: i32) -> (i32, i32) {
    %c0_i32 = arith.constant 0 : i32
    %c0_i32_0 = arith.constant 0 : i32
    return %arg0, %c0_i32 : i32, i32
  }
  func.func @transform_3(%arg0: i32) -> (i32, i32) {
    %c0_i32 = arith.constant 0 : i32
    %c0_i32_0 = arith.constant 0 : i32
    return %arg0, %c0_i32 : i32, i32
  }
  func.func @transform_4(%arg0: i32) -> (i32, i32) {
    %c0_i32 = arith.constant 0 : i32
    %c0_i32_0 = arith.constant 0 : i32
    %c0_i32_1 = arith.constant 0 : i32
    return %c0_i32, %c0_i32_0 : i32, i32
  }
  func.func @transform_5(%arg0: i32) -> (i32, i32) {
    %c0_i32 = arith.constant 0 : i32
    %c0_i32_0 = arith.constant 0 : i32
    %c0_i32_1 = arith.constant 0 : i32
    return %c0_i32, %c0_i32_0 : i32, i32
  }
  func.func @transform_6(%arg0: i32) -> (i32, i32) {
    %c0_i32 = arith.constant 0 : i32
    %c0_i32_0 = arith.constant 0 : i32
    %c0_i32_1 = arith.constant 0 : i32
    return %c0_i32, %c0_i32_0 : i32, i32
  }
  func.func @transform_7(%arg0: i32) -> (i32, i32) {
    %c0_i32 = arith.constant 0 : i32
    %c0_i32_0 = arith.constant 0 : i32
    %c0_i32_1 = arith.constant 0 : i32
    return %c0_i32, %c0_i32_0 : i32, i32
  }
  func.func @transform_8(%arg0: i32) -> (i32, i32) {
    %c0_i32 = arith.constant 0 : i32
    %c0_i32_0 = arith.constant 0 : i32
    %c0_i32_1 = arith.constant 0 : i32
    return %c0_i32, %c0_i32_0 : i32, i32
  }
  func.func @transform_9(%arg0: i32) -> (i32, i32) {
    %c0_i32 = arith.constant 0 : i32
    %c0_i32_0 = arith.constant 0 : i32
    %c0_i32_1 = arith.constant 0 : i32
    return %c0_i32, %c0_i32_0 : i32, i32
  }
  func.func @transform_10(%arg0: i32) -> (i32, i32) {
    %c0_i32 = arith.constant 0 : i32
    %c0_i32_0 = arith.constant 0 : i32
    %c0_i32_1 = arith.constant 0 : i32
    return %c0_i32, %c0_i32_0 : i32, i32
  }
  func.func @transform_11(%arg0: i32) -> (i32, i32) {
    %c0_i32 = arith.constant 0 : i32
    %c0_i32_0 = arith.constant 0 : i32
    %c0_i32_1 = arith.constant 0 : i32
    return %c0_i32, %c0_i32_0 : i32, i32
  }
  func.func @transform_12(%arg0: i32) -> (i32, i32) {
    %c0_i32 = arith.constant 0 : i32
    %c0_i32_0 = arith.constant 0 : i32
    %c0_i32_1 = arith.constant 0 : i32
    return %c0_i32, %c0_i32_0 : i32, i32
  }
  func.func @transform_13(%arg0: i32) -> (i32, i32) {
    %c0_i32 = arith.constant 0 : i32
    %c0_i32_0 = arith.constant 0 : i32
    %c0_i32_1 = arith.constant 0 : i32
    return %c0_i32, %c0_i32_0 : i32, i32
  }
  func.func @transform_14(%arg0: i32) -> (i32, i32) {
    %c0_i32 = arith.constant 0 : i32
    %c0_i32_0 = arith.constant 0 : i32
    %c0_i32_1 = arith.constant 0 : i32
    return %c0_i32, %c0_i32_0 : i32, i32
  }
  func.func @transform_15(%arg0: i32) -> (i32, i32) {
    %c0_i32 = arith.constant 0 : i32
    %c0_i32_0 = arith.constant 0 : i32
    %c0_i32_1 = arith.constant 0 : i32
    return %c0_i32, %c0_i32_0 : i32, i32
  }
  func.func @transform_16(%arg0: i32) -> (i32, i32) {
    %c0_i32 = arith.constant 0 : i32
    %c0_i32_0 = arith.constant 0 : i32
    %c0_i32_1 = arith.constant 0 : i32
    return %c0_i32, %c0_i32_0 : i32, i32
  }
  func.func @transform_17(%arg0: i32) -> (i32, i32) {
    %c0_i32 = arith.constant 0 : i32
    %c0_i32_0 = arith.constant 0 : i32
    %c0_i32_1 = arith.constant 0 : i32
    return %c0_i32, %c0_i32_0 : i32, i32
  }
  func.func @transform_18(%arg0: i32) -> (i32, i32) {
    %c0_i32 = arith.constant 0 : i32
    %c0_i32_0 = arith.constant 0 : i32
    %c0_i32_1 = arith.constant 0 : i32
    return %c0_i32, %c0_i32_0 : i32, i32
  }
  func.func @transform_19(%arg0: i32) -> (i32, i32) {
    %c0_i32 = arith.constant 0 : i32
    %c0_i32_0 = arith.constant 0 : i32
    %c0_i32_1 = arith.constant 0 : i32
    return %c0_i32, %c0_i32_0 : i32, i32
  }
  func.func @transform_20(%arg0: i32) -> (i32, i32) {
    %c0_i32 = arith.constant 0 : i32
    %c0_i32_0 = arith.constant 0 : i32
    %c0_i32_1 = arith.constant 0 : i32
    return %c0_i32, %c0_i32_0 : i32, i32
  }
  func.func @transform_21(%arg0: i32) -> (i32, i32) {
    %c0_i32 = arith.constant 0 : i32
    %c0_i32_0 = arith.constant 0 : i32
    %c0_i32_1 = arith.constant 0 : i32
    return %c0_i32, %c0_i32_0 : i32, i32
  }
  func.func @transform_22(%arg0: i32) -> (i32, i32) {
    %c0_i32 = arith.constant 0 : i32
    %c0_i32_0 = arith.constant 0 : i32
    %c0_i32_1 = arith.constant 0 : i32
    return %c0_i32, %c0_i32_0 : i32, i32
  }
  func.func @transform_23(%arg0: i32) -> (i32, i32) {
    %c0_i32 = arith.constant 0 : i32
    %c0_i32_0 = arith.constant 0 : i32
    %c0_i32_1 = arith.constant 0 : i32
    return %c0_i32, %c0_i32_0 : i32, i32
  }
  func.func @transform_24(%arg0: i32) -> (i32, i32) {
    %c0_i32 = arith.constant 0 : i32
    %c0_i32_0 = arith.constant 0 : i32
    %c0_i32_1 = arith.constant 0 : i32
    return %c0_i32, %c0_i32_0 : i32, i32
  }
  func.func @transform_25(%arg0: i32) -> (i32, i32) {
    %c0_i32 = arith.constant 0 : i32
    %c0_i32_0 = arith.constant 0 : i32
    %c0_i32_1 = arith.constant 0 : i32
    return %c0_i32, %c0_i32_0 : i32, i32
  }
  func.func @transform_26(%arg0: i32) -> (i32, i32) {
    %c0_i32 = arith.constant 0 : i32
    %c0_i32_0 = arith.constant 0 : i32
    %c0_i32_1 = arith.constant 0 : i32
    return %c0_i32, %c0_i32_0 : i32, i32
  }
  func.func @transform_27(%arg0: i32) -> (i32, i32) {
    %c0_i32 = arith.constant 0 : i32
    %c0_i32_0 = arith.constant 0 : i32
    %c0_i32_1 = arith.constant 0 : i32
    return %c0_i32, %c0_i32_0 : i32, i32
  }
  func.func @transform_28(%arg0: i32) -> (i32, i32) {
    %c0_i32 = arith.constant 0 : i32
    %c0_i32_0 = arith.constant 0 : i32
    %c0_i32_1 = arith.constant 0 : i32
    return %c0_i32, %c0_i32_0 : i32, i32
  }
  func.func @transform_29(%arg0: i32) -> (i32, i32) {
    %c0_i32 = arith.constant 0 : i32
    %c0_i32_0 = arith.constant 0 : i32
    %c0_i32_1 = arith.constant 0 : i32
    return %c0_i32, %c0_i32_0 : i32, i32
  }
  func.func @transform_30(%arg0: i32) -> (i32, i32) {
    %c0_i32 = arith.constant 0 : i32
    %c0_i32_0 = arith.constant 0 : i32
    %c0_i32_1 = arith.constant 0 : i32
    return %c0_i32, %c0_i32_0 : i32, i32
  }
  func.func @transform_31(%arg0: i32) -> (i32, i32) {
    %c0_i32 = arith.constant 0 : i32
    %c0_i32_0 = arith.constant 0 : i32
    %c0_i32_1 = arith.constant 0 : i32
    return %c0_i32, %c0_i32_0 : i32, i32
  }
  func.func @transform_32(%arg0: i32) -> (i32, i32) {
    %c0_i32 = arith.constant 0 : i32
    %c0_i32_0 = arith.constant 0 : i32
    %c0_i32_1 = arith.constant 0 : i32
    return %c0_i32, %c0_i32_0 : i32, i32
  }
  func.func @transform_33(%arg0: i32) -> (i32, i32) {
    %c0_i32 = arith.constant 0 : i32
    %c0_i32_0 = arith.constant 0 : i32
    %c0_i32_1 = arith.constant 0 : i32
    return %c0_i32, %c0_i32_0 : i32, i32
  }
  func.func @transform_34(%arg0: i32) -> (i32, i32) {
    %c0_i32 = arith.constant 0 : i32
    %c0_i32_0 = arith.constant 0 : i32
    %c0_i32_1 = arith.constant 0 : i32
    return %c0_i32, %c0_i32_0 : i32, i32
  }
  func.func @transform_35(%arg0: i32) -> (i32, i32) {
    %c0_i32 = arith.constant 0 : i32
    %c0_i32_0 = arith.constant 0 : i32
    %c0_i32_1 = arith.constant 0 : i32
    return %c0_i32, %c0_i32_0 : i32, i32
  }
  func.func @transform_36(%arg0: i32) -> (i32, i32) {
    %c0_i32 = arith.constant 0 : i32
    %c0_i32_0 = arith.constant 0 : i32
    %c0_i32_1 = arith.constant 0 : i32
    return %c0_i32, %c0_i32_0 : i32, i32
  }
  func.func @transform_37(%arg0: i32) -> (i32, i32) {
    %c0_i32 = arith.constant 0 : i32
    %c0_i32_0 = arith.constant 0 : i32
    %c0_i32_1 = arith.constant 0 : i32
    return %c0_i32, %c0_i32_0 : i32, i32
  }
  func.func @transform_38(%arg0: i32) -> (i32, i32) {
    %c0_i32 = arith.constant 0 : i32
    %c0_i32_0 = arith.constant 0 : i32
    %c0_i32_1 = arith.constant 0 : i32
    return %c0_i32, %c0_i32_0 : i32, i32
  }
  func.func @transform_39(%arg0: i32) -> (i32, i32) {
    %c0_i32 = arith.constant 0 : i32
    %c0_i32_0 = arith.constant 0 : i32
    %c0_i32_1 = arith.constant 0 : i32
    return %c0_i32, %c0_i32_0 : i32, i32
  }
  func.func @transform_40(%arg0: i32) -> (i32, i32) {
    %c0_i32 = arith.constant 0 : i32
    %c0_i32_0 = arith.constant 0 : i32
    %c0_i32_1 = arith.constant 0 : i32
    return %c0_i32, %c0_i32_0 : i32, i32
  }
  func.func @transform_41(%arg0: i32) -> (i32, i32) {
    %c0_i32 = arith.constant 0 : i32
    %c0_i32_0 = arith.constant 0 : i32
    %c0_i32_1 = arith.constant 0 : i32
    return %c0_i32, %c0_i32_0 : i32, i32
  }
  func.func @transform_42(%arg0: i32) -> (i32, i32) {
    %c0_i32 = arith.constant 0 : i32
    %c0_i32_0 = arith.constant 0 : i32
    %c0_i32_1 = arith.constant 0 : i32
    return %c0_i32, %c0_i32_0 : i32, i32
  }
  func.func @transform_43(%arg0: i32) -> (i32, i32) {
    %c0_i32 = arith.constant 0 : i32
    %c0_i32_0 = arith.constant 0 : i32
    %c0_i32_1 = arith.constant 0 : i32
    return %c0_i32, %c0_i32_0 : i32, i32
  }
  func.func @transform_44(%arg0: i32) -> (i32, i32) {
    %c0_i32 = arith.constant 0 : i32
    %c0_i32_0 = arith.constant 0 : i32
    %c0_i32_1 = arith.constant 0 : i32
    return %c0_i32, %c0_i32_0 : i32, i32
  }
  func.func @transform_45(%arg0: i32) -> (i32, i32) {
    %c0_i32 = arith.constant 0 : i32
    %c0_i32_0 = arith.constant 0 : i32
    return %arg0, %c0_i32 : i32, i32
  }
}

module attributes {stable_mosaic.version = 14 : i64} {
  func.func @_layer_body(%arg0: i32, %arg1: memref<128x176xf32, #tpu.memory_space<vmem>>, %arg2: memref<3840x176xf32, #tpu.memory_space<vmem>>, %arg3: memref<3840x32xf32, #tpu.memory_space<vmem>>, %arg4: memref<3840x3xf32, #tpu.memory_space<vmem>>, %arg5: memref<48x192xf32, #tpu.memory_space<vmem>>, %arg6: memref<48x192xf32, #tpu.memory_space<vmem>>, %arg7: memref<3x192xf32, #tpu.memory_space<vmem>>, %arg8: memref<128x128xf32, #tpu.memory_space<vmem>>, %arg9: memref<128x128xf32, #tpu.memory_space<vmem>>, %arg10: memref<32x128xf32, #tpu.memory_space<vmem>>, %arg11: memref<33x128xf32, #tpu.memory_space<vmem>>, %arg12: memref<1x128xf32, #tpu.memory_space<vmem>>, %arg13: memref<192x48xf32, #tpu.memory_space<vmem>>, %arg14: memref<128x16xf32, #tpu.memory_space<vmem>>, %arg15: memref<1x16xf32, #tpu.memory_space<vmem>>, %arg16: memref<48x48xf32, #tpu.memory_space<vmem>>, %arg17: memref<128x128xf32, #tpu.memory_space<vmem>>, %arg18: memref<16x128xf32, #tpu.memory_space<vmem>>, %arg19: memref<1x128xf32, #tpu.memory_space<vmem>>, %arg20: memref<48x48xf32, #tpu.memory_space<vmem>>, %arg21: memref<128x16xf32, #tpu.memory_space<vmem>>, %arg22: memref<1x16xf32, #tpu.memory_space<vmem>>, %arg23: memref<48x48xf32, #tpu.memory_space<vmem>>, %arg24: memref<128x128xf32, #tpu.memory_space<vmem>>, %arg25: memref<16x128xf32, #tpu.memory_space<vmem>>, %arg26: memref<1x128xf32, #tpu.memory_space<vmem>>, %arg27: memref<48x48xf32, #tpu.memory_space<vmem>>, %arg28: memref<128x16xf32, #tpu.memory_space<vmem>>, %arg29: memref<1x16xf32, #tpu.memory_space<vmem>>, %arg30: memref<1x128xf32, #tpu.memory_space<vmem>>, %arg31: memref<1x128xf32, #tpu.memory_space<vmem>>, %arg32: memref<16x16xf32, #tpu.memory_space<vmem>>, %arg33: memref<144x256xf32, #tpu.memory_space<vmem>>, %arg34: memref<1x256xf32, #tpu.memory_space<vmem>>, %arg35: memref<16x16xf32, #tpu.memory_space<vmem>>, %arg36: memref<256x16xf32, #tpu.memory_space<vmem>>, %arg37: memref<1x16xf32, #tpu.memory_space<vmem>>, %arg38: memref<16x16xf32, #tpu.memory_space<vmem>>, %arg39: memref<272x128xf32, #tpu.memory_space<vmem>>, %arg40: memref<1x128xf32, #tpu.memory_space<vmem>>, %arg41: memref<16x16xf32, #tpu.memory_space<vmem>>, %arg42: memref<128x16xf32, #tpu.memory_space<vmem>>, %arg43: memref<1x16xf32, #tpu.memory_space<vmem>>, %arg44: memref<1x128xf32, #tpu.memory_space<vmem>>, %arg45: memref<1x128xf32, #tpu.memory_space<vmem>>, %arg46: memref<128x176xf32, #tpu.memory_space<vmem>>) attributes {dimension_semantics = [#tpu.dimension_semantics<arbitrary>], iteration_bounds = array<i64: 64>, scalar_prefetch = 0 : i64, scratch_operands = 0 : i64, tpu.core_type = #tpu.core_type<tc>, window_params = [{transform_indices = @transform_0, window_bounds = array<i64: 128, 176>}, {transform_indices = @transform_1, window_bounds = array<i64: 3840, 176>}, {transform_indices = @transform_2, window_bounds = array<i64: 3840, 32>}, {transform_indices = @transform_3, window_bounds = array<i64: 3840, 3>}, {pipeline_mode = #tpu.pipeline_mode<synchronous>, transform_indices = @transform_4, window_bounds = array<i64: 48, 192>}, {pipeline_mode = #tpu.pipeline_mode<synchronous>, transform_indices = @transform_5, window_bounds = array<i64: 48, 192>}, {pipeline_mode = #tpu.pipeline_mode<synchronous>, transform_indices = @transform_6, window_bounds = array<i64: 3, 192>}, {pipeline_mode = #tpu.pipeline_mode<synchronous>, transform_indices = @transform_7, window_bounds = array<i64: 128, 128>}, {pipeline_mode = #tpu.pipeline_mode<synchronous>, transform_indices = @transform_8, window_bounds = array<i64: 128, 128>}, {pipeline_mode = #tpu.pipeline_mode<synchronous>, transform_indices = @transform_9, window_bounds = array<i64: 32, 128>}, {pipeline_mode = #tpu.pipeline_mode<synchronous>, transform_indices = @transform_10, window_bounds = array<i64: 33, 128>}, {pipeline_mode = #tpu.pipeline_mode<synchronous>, transform_indices = @transform_11, window_bounds = array<i64: 1, 128>}, {pipeline_mode = #tpu.pipeline_mode<synchronous>, transform_indices = @transform_12, window_bounds = array<i64: 192, 48>}, {pipeline_mode = #tpu.pipeline_mode<synchronous>, transform_indices = @transform_13, window_bounds = array<i64: 128, 16>}, {pipeline_mode = #tpu.pipeline_mode<synchronous>, transform_indices = @transform_14, window_bounds = array<i64: 1, 16>}, {pipeline_mode = #tpu.pipeline_mode<synchronous>, transform_indices = @transform_15, window_bounds = array<i64: 48, 48>}, {pipeline_mode = #tpu.pipeline_mode<synchronous>, transform_indices = @transform_16, window_bounds = array<i64: 128, 128>}, {pipeline_mode = #tpu.pipeline_mode<synchronous>, transform_indices = @transform_17, window_bounds = array<i64: 16, 128>}, {pipeline_mode = #tpu.pipeline_mode<synchronous>, transform_indices = @transform_18, window_bounds = array<i64: 1, 128>}, {pipeline_mode = #tpu.pipeline_mode<synchronous>, transform_indices = @transform_19, window_bounds = array<i64: 48, 48>}, {pipeline_mode = #tpu.pipeline_mode<synchronous>, transform_indices = @transform_20, window_bounds = array<i64: 128, 16>}, {pipeline_mode = #tpu.pipeline_mode<synchronous>, transform_indices = @transform_21, window_bounds = array<i64: 1, 16>}, {pipeline_mode = #tpu.pipeline_mode<synchronous>, transform_indices = @transform_22, window_bounds = array<i64: 48, 48>}, {pipeline_mode = #tpu.pipeline_mode<synchronous>, transform_indices = @transform_23, window_bounds = array<i64: 128, 128>}, {pipeline_mode = #tpu.pipeline_mode<synchronous>, transform_indices = @transform_24, window_bounds = array<i64: 16, 128>}, {pipeline_mode = #tpu.pipeline_mode<synchronous>, transform_indices = @transform_25, window_bounds = array<i64: 1, 128>}, {pipeline_mode = #tpu.pipeline_mode<synchronous>, transform_indices = @transform_26, window_bounds = array<i64: 48, 48>}, {pipeline_mode = #tpu.pipeline_mode<synchronous>, transform_indices = @transform_27, window_bounds = array<i64: 128, 16>}, {pipeline_mode = #tpu.pipeline_mode<synchronous>, transform_indices = @transform_28, window_bounds = array<i64: 1, 16>}, {pipeline_mode = #tpu.pipeline_mode<synchronous>, transform_indices = @transform_29, window_bounds = array<i64: 1, 128>}, {pipeline_mode = #tpu.pipeline_mode<synchronous>, transform_indices = @transform_30, window_bounds = array<i64: 1, 128>}, {pipeline_mode = #tpu.pipeline_mode<synchronous>, transform_indices = @transform_31, window_bounds = array<i64: 16, 16>}, {pipeline_mode = #tpu.pipeline_mode<synchronous>, transform_indices = @transform_32, window_bounds = array<i64: 144, 256>}, {pipeline_mode = #tpu.pipeline_mode<synchronous>, transform_indices = @transform_33, window_bounds = array<i64: 1, 256>}, {pipeline_mode = #tpu.pipeline_mode<synchronous>, transform_indices = @transform_34, window_bounds = array<i64: 16, 16>}, {pipeline_mode = #tpu.pipeline_mode<synchronous>, transform_indices = @transform_35, window_bounds = array<i64: 256, 16>}, {pipeline_mode = #tpu.pipeline_mode<synchronous>, transform_indices = @transform_36, window_bounds = array<i64: 1, 16>}, {pipeline_mode = #tpu.pipeline_mode<synchronous>, transform_indices = @transform_37, window_bounds = array<i64: 16, 16>}, {pipeline_mode = #tpu.pipeline_mode<synchronous>, transform_indices = @transform_38, window_bounds = array<i64: 272, 128>}, {pipeline_mode = #tpu.pipeline_mode<synchronous>, transform_indices = @transform_39, window_bounds = array<i64: 1, 128>}, {pipeline_mode = #tpu.pipeline_mode<synchronous>, transform_indices = @transform_40, window_bounds = array<i64: 16, 16>}, {pipeline_mode = #tpu.pipeline_mode<synchronous>, transform_indices = @transform_41, window_bounds = array<i64: 128, 16>}, {pipeline_mode = #tpu.pipeline_mode<synchronous>, transform_indices = @transform_42, window_bounds = array<i64: 1, 16>}, {pipeline_mode = #tpu.pipeline_mode<synchronous>, transform_indices = @transform_43, window_bounds = array<i64: 1, 128>}, {pipeline_mode = #tpu.pipeline_mode<synchronous>, transform_indices = @transform_44, window_bounds = array<i64: 1, 128>}, {transform_indices = @transform_45, window_bounds = array<i64: 128, 176>}]} {
    %get3A = arith.constant 0 : index
    %get3A_0 = arith.constant 0 : index
    %get3A_1 = vector.load %arg1[%get3A, %get3A_0] : memref<128x176xf32, #tpu.memory_space<vmem>>, vector<128x128xf32>
    %get3A_2 = arith.constant 0 : index
    %get3A_3 = arith.constant 128 : index
    %get3A_4 = vector.load %arg1[%get3A_2, %get3A_3] : memref<128x176xf32, #tpu.memory_space<vmem>>, vector<128x48xf32>
    %get3A_5 = arith.constant 0 : index
    %get3A_6 = arith.constant 0 : index
    %get3A_7 = vector.load %arg2[%get3A_5, %get3A_6] : memref<3840x176xf32, #tpu.memory_space<vmem>>, vector<3840x128xf32>
    %get3A_8 = arith.constant 0 : index
    %get3A_9 = arith.constant 128 : index
    %get3A_10 = vector.load %arg2[%get3A_8, %get3A_9] : memref<3840x176xf32, #tpu.memory_space<vmem>>, vector<3840x48xf32>
    %get3A_11 = arith.constant 0 : index
    %get3A_12 = arith.constant 0 : index
    %get3A_13 = vector.load %arg3[%get3A_11, %get3A_12] : memref<3840x32xf32, #tpu.memory_space<vmem>>, vector<3840x32xf32>
    %get3A_14 = arith.constant 0 : index
    %get3A_15 = arith.constant 0 : index
    %get3A_16 = vector.load %arg4[%get3A_14, %get3A_15] : memref<3840x3xf32, #tpu.memory_space<vmem>>, vector<3840x3xf32>
    %get3A_17 = arith.constant 0 : index
    %get3A_18 = arith.constant 0 : index
    %get3A_19 = vector.load %arg5[%get3A_17, %get3A_18] : memref<48x192xf32, #tpu.memory_space<vmem>>, vector<48x192xf32>
    %dot_general3A = arith.constant dense<0.000000e+00> : vector<128x192xf32>
    %dot_general3A_20 = tpu.matmul %get3A_4, %get3A_19, %dot_general3A {dimension_numbers = #tpu.dot_dimension_numbers<[1], [0], [0], [1], [0, 0, 1, 1], [], []>, transpose_lhs_hint = false} : vector<128x48xf32>, vector<48x192xf32>, vector<128x192xf32> -> vector<128x192xf32>
    %concatenate3A = tpu.concatenate %dot_general3A_20, %dot_general3A_20, %dot_general3A_20, %dot_general3A_20, %dot_general3A_20, %dot_general3A_20, %dot_general3A_20, %dot_general3A_20, %dot_general3A_20, %dot_general3A_20, %dot_general3A_20, %dot_general3A_20, %dot_general3A_20, %dot_general3A_20, %dot_general3A_20, %dot_general3A_20, %dot_general3A_20, %dot_general3A_20, %dot_general3A_20, %dot_general3A_20, %dot_general3A_20, %dot_general3A_20, %dot_general3A_20, %dot_general3A_20, %dot_general3A_20, %dot_general3A_20, %dot_general3A_20, %dot_general3A_20, %dot_general3A_20, %dot_general3A_20 in 0 : vector<128x192xf32>, vector<128x192xf32>, vector<128x192xf32>, vector<128x192xf32>, vector<128x192xf32>, vector<128x192xf32>, vector<128x192xf32>, vector<128x192xf32>, vector<128x192xf32>, vector<128x192xf32>, vector<128x192xf32>, vector<128x192xf32>, vector<128x192xf32>, vector<128x192xf32>, vector<128x192xf32>, vector<128x192xf32>, vector<128x192xf32>, vector<128x192xf32>, vector<128x192xf32>, vector<128x192xf32>, vector<128x192xf32>, vector<128x192xf32>, vector<128x192xf32>, vector<128x192xf32>, vector<128x192xf32>, vector<128x192xf32>, vector<128x192xf32>, vector<128x192xf32>, vector<128x192xf32>, vector<128x192xf32> -> vector<3840x192xf32>
    %get3A_21 = arith.constant 0 : index
    %get3A_22 = arith.constant 0 : index
    %get3A_23 = vector.load %arg6[%get3A_21, %get3A_22] : memref<48x192xf32, #tpu.memory_space<vmem>>, vector<48x192xf32>
    %dot_general3A_24 = arith.constant dense<0.000000e+00> : vector<3840x192xf32>
    %dot_general3A_25 = tpu.matmul %get3A_10, %get3A_23, %dot_general3A_24 {dimension_numbers = #tpu.dot_dimension_numbers<[1], [0], [0], [1], [0, 0, 1, 1], [], []>, transpose_lhs_hint = false} : vector<3840x48xf32>, vector<48x192xf32>, vector<3840x192xf32> -> vector<3840x192xf32>
    %add3A = arith.addf %concatenate3A, %dot_general3A_25 : vector<3840x192xf32>
    %get3A_26 = arith.constant 0 : index
    %get3A_27 = arith.constant 0 : index
    %get3A_28 = vector.load %arg7[%get3A_26, %get3A_27] : memref<3x192xf32, #tpu.memory_space<vmem>>, vector<3x192xf32>
    %dot_general3A_29 = arith.constant dense<0.000000e+00> : vector<3840x192xf32>
    %dot_general3A_30 = tpu.matmul %get3A_16, %get3A_28, %dot_general3A_29 {dimension_numbers = #tpu.dot_dimension_numbers<[1], [0], [0], [1], [0, 0, 1, 1], [], []>, transpose_lhs_hint = false} : vector<3840x3xf32>, vector<3x192xf32>, vector<3840x192xf32> -> vector<3840x192xf32>
    %add3A_31 = arith.addf %add3A, %dot_general3A_30 : vector<3840x192xf32>
    %slice3A = vector.extract_strided_slice %add3A_31 {offsets = [0, 0], sizes = [3840, 33], strides = [1, 1]} : vector<3840x192xf32> to vector<3840x33xf32>
    %slice3A_32 = vector.extract_strided_slice %add3A_31 {offsets = [0, 64], sizes = [3840, 33], strides = [1, 1]} : vector<3840x192xf32> to vector<3840x33xf32>
    %slice3A_33 = vector.extract_strided_slice %add3A_31 {offsets = [0, 128], sizes = [3840, 33], strides = [1, 1]} : vector<3840x192xf32> to vector<3840x33xf32>
    %integer_pow3A = arith.mulf %slice3A, %slice3A : vector<3840x33xf32>
    %integer_pow3A_34 = arith.mulf %slice3A_32, %slice3A_32 : vector<3840x33xf32>
    %add3A_35 = arith.addf %integer_pow3A, %integer_pow3A_34 : vector<3840x33xf32>
    %integer_pow3A_36 = arith.mulf %slice3A_33, %slice3A_33 : vector<3840x33xf32>
    %add3A_37 = arith.addf %add3A_35, %integer_pow3A_36 : vector<3840x33xf32>
    %add3A_38 = arith.constant 9.99999993E-9 : f32
    %add3A_39 = vector.broadcast %add3A_38 : f32 to vector<3840x33xf32>
    %add3A_40 = arith.addf %add3A_37, %add3A_39 : vector<3840x33xf32>
    %sqrt3A = math.sqrt %add3A_40 : vector<3840x33xf32>
    %get3A_41 = arith.constant 0 : index
    %get3A_42 = arith.constant 0 : index
    %get3A_43 = vector.load %arg8[%get3A_41, %get3A_42] : memref<128x128xf32, #tpu.memory_space<vmem>>, vector<128x128xf32>
    %dot_general3A_44 = arith.constant dense<0.000000e+00> : vector<128x128xf32>
    %dot_general3A_45 = tpu.matmul %get3A_1, %get3A_43, %dot_general3A_44 {dimension_numbers = #tpu.dot_dimension_numbers<[1], [0], [0], [1], [0, 0, 1, 1], [], []>, transpose_lhs_hint = false} : vector<128x128xf32>, vector<128x128xf32>, vector<128x128xf32> -> vector<128x128xf32>
    %concatenate3A_46 = tpu.concatenate %dot_general3A_45, %dot_general3A_45, %dot_general3A_45, %dot_general3A_45, %dot_general3A_45, %dot_general3A_45, %dot_general3A_45, %dot_general3A_45, %dot_general3A_45, %dot_general3A_45, %dot_general3A_45, %dot_general3A_45, %dot_general3A_45, %dot_general3A_45, %dot_general3A_45, %dot_general3A_45, %dot_general3A_45, %dot_general3A_45, %dot_general3A_45, %dot_general3A_45, %dot_general3A_45, %dot_general3A_45, %dot_general3A_45, %dot_general3A_45, %dot_general3A_45, %dot_general3A_45, %dot_general3A_45, %dot_general3A_45, %dot_general3A_45, %dot_general3A_45 in 0 : vector<128x128xf32>, vector<128x128xf32>, vector<128x128xf32>, vector<128x128xf32>, vector<128x128xf32>, vector<128x128xf32>, vector<128x128xf32>, vector<128x128xf32>, vector<128x128xf32>, vector<128x128xf32>, vector<128x128xf32>, vector<128x128xf32>, vector<128x128xf32>, vector<128x128xf32>, vector<128x128xf32>, vector<128x128xf32>, vector<128x128xf32>, vector<128x128xf32>, vector<128x128xf32>, vector<128x128xf32>, vector<128x128xf32>, vector<128x128xf32>, vector<128x128xf32>, vector<128x128xf32>, vector<128x128xf32>, vector<128x128xf32>, vector<128x128xf32>, vector<128x128xf32>, vector<128x128xf32>, vector<128x128xf32> -> vector<3840x128xf32>
    %get3A_47 = arith.constant 0 : index
    %get3A_48 = arith.constant 0 : index
    %get3A_49 = vector.load %arg9[%get3A_47, %get3A_48] : memref<128x128xf32, #tpu.memory_space<vmem>>, vector<128x128xf32>
    %dot_general3A_50 = arith.constant dense<0.000000e+00> : vector<3840x128xf32>
    %dot_general3A_51 = tpu.matmul %get3A_7, %get3A_49, %dot_general3A_50 {dimension_numbers = #tpu.dot_dimension_numbers<[1], [0], [0], [1], [0, 0, 1, 1], [], []>, transpose_lhs_hint = false} : vector<3840x128xf32>, vector<128x128xf32>, vector<3840x128xf32> -> vector<3840x128xf32>
    %add3A_52 = arith.addf %concatenate3A_46, %dot_general3A_51 : vector<3840x128xf32>
    %get3A_53 = arith.constant 0 : index
    %get3A_54 = arith.constant 0 : index
    %get3A_55 = vector.load %arg10[%get3A_53, %get3A_54] : memref<32x128xf32, #tpu.memory_space<vmem>>, vector<32x128xf32>
    %dot_general3A_56 = arith.constant dense<0.000000e+00> : vector<3840x128xf32>
    %dot_general3A_57 = tpu.matmul %get3A_13, %get3A_55, %dot_general3A_56 {dimension_numbers = #tpu.dot_dimension_numbers<[1], [0], [0], [1], [0, 0, 1, 1], [], []>, transpose_lhs_hint = false} : vector<3840x32xf32>, vector<32x128xf32>, vector<3840x128xf32> -> vector<3840x128xf32>
    %add3A_58 = arith.addf %add3A_52, %dot_general3A_57 : vector<3840x128xf32>
    %get3A_59 = arith.constant 0 : index
    %get3A_60 = arith.constant 0 : index
    %get3A_61 = vector.load %arg11[%get3A_59, %get3A_60] : memref<33x128xf32, #tpu.memory_space<vmem>>, vector<33x128xf32>
    %dot_general3A_62 = arith.constant dense<0.000000e+00> : vector<3840x128xf32>
    %dot_general3A_63 = tpu.matmul %sqrt3A, %get3A_61, %dot_general3A_62 {dimension_numbers = #tpu.dot_dimension_numbers<[1], [0], [0], [1], [0, 0, 1, 1], [], []>, transpose_lhs_hint = false} : vector<3840x33xf32>, vector<33x128xf32>, vector<3840x128xf32> -> vector<3840x128xf32>
    %add3A_64 = arith.addf %add3A_58, %dot_general3A_63 : vector<3840x128xf32>
    %get3A_65 = arith.constant 0 : index
    %get3A_66 = arith.constant 0 : index
    %get3A_67 = vector.load %arg12[%get3A_65, %get3A_66] : memref<1x128xf32, #tpu.memory_space<vmem>>, vector<1x128xf32>
    %add3A_68 = vector.broadcast %get3A_67 : vector<1x128xf32> to vector<3840x128xf32>
    %add3A_69 = arith.addf %add3A_64, %add3A_68 : vector<3840x128xf32>
    %get3A_70 = arith.constant 0 : index
    %get3A_71 = arith.constant 0 : index
    %get3A_72 = vector.load %arg14[%get3A_70, %get3A_71] : memref<128x16xf32, #tpu.memory_space<vmem>>, vector<128x16xf32>
    %dot_general3A_73 = arith.constant dense<0.000000e+00> : vector<3840x16xf32>
    %dot_general3A_74 = tpu.matmul %add3A_69, %get3A_72, %dot_general3A_73 {dimension_numbers = #tpu.dot_dimension_numbers<[1], [0], [0], [1], [0, 0, 1, 1], [], []>, transpose_lhs_hint = false} : vector<3840x128xf32>, vector<128x16xf32>, vector<3840x16xf32> -> vector<3840x16xf32>
    %get3A_75 = arith.constant 0 : index
    %get3A_76 = arith.constant 0 : index
    %get3A_77 = vector.load %arg15[%get3A_75, %get3A_76] : memref<1x16xf32, #tpu.memory_space<vmem>>, vector<1x16xf32>
    %add3A_78 = vector.broadcast %get3A_77 : vector<1x16xf32> to vector<3840x16xf32>
    %add3A_79 = arith.addf %dot_general3A_74, %add3A_78 : vector<3840x16xf32>
    %logistic3A = arith.negf %add3A_79 : vector<3840x16xf32>
    %logistic3A_80 = math.exp %logistic3A : vector<3840x16xf32>
    %logistic3A_81 = arith.constant 1.000000e+00 : f32
    %logistic3A_82 = vector.broadcast %logistic3A_81 : f32 to vector<3840x16xf32>
    %logistic3A_83 = arith.addf %logistic3A_82, %logistic3A_80 : vector<3840x16xf32>
    %logistic3A_84 = arith.divf %logistic3A_82, %logistic3A_83 : vector<3840x16xf32>
    %get3A_85 = arith.constant 0 : index
    %get3A_86 = arith.constant 0 : index
    %get3A_87 = vector.load %arg13[%get3A_85, %get3A_86] : memref<192x48xf32, #tpu.memory_space<vmem>>, vector<192x48xf32>
    %dot_general3A_88 = arith.constant dense<0.000000e+00> : vector<3840x48xf32>
    %dot_general3A_89 = tpu.matmul %add3A_31, %get3A_87, %dot_general3A_88 {dimension_numbers = #tpu.dot_dimension_numbers<[1], [0], [0], [1], [0, 0, 1, 1], [], []>, transpose_lhs_hint = false} : vector<3840x192xf32>, vector<192x48xf32>, vector<3840x48xf32> -> vector<3840x48xf32>
    %concatenate3A_90 = tpu.concatenate %logistic3A_84, %logistic3A_84, %logistic3A_84 in 1 : vector<3840x16xf32>, vector<3840x16xf32>, vector<3840x16xf32> -> vector<3840x48xf32>
    %mul3A = arith.mulf %dot_general3A_89, %concatenate3A_90 : vector<3840x48xf32>
    %max3A = arith.constant 0.000000e+00 : f32
    %max3A_91 = vector.broadcast %max3A : f32 to vector<3840x128xf32>
    %max3A_92 = arith.maximumf %add3A_69, %max3A_91 : vector<3840x128xf32>
    %get3A_93 = arith.constant 0 : index
    %get3A_94 = arith.constant 0 : index
    %get3A_95 = vector.load %arg16[%get3A_93, %get3A_94] : memref<48x48xf32, #tpu.memory_space<vmem>>, vector<48x48xf32>
    %dot_general3A_96 = arith.constant dense<0.000000e+00> : vector<3840x48xf32>
    %dot_general3A_97 = tpu.matmul %mul3A, %get3A_95, %dot_general3A_96 {dimension_numbers = #tpu.dot_dimension_numbers<[1], [0], [0], [1], [0, 0, 1, 1], [], []>, transpose_lhs_hint = false} : vector<3840x48xf32>, vector<48x48xf32>, vector<3840x48xf32> -> vector<3840x48xf32>
    %slice3A_98 = vector.extract_strided_slice %dot_general3A_97 {offsets = [0, 0], sizes = [3840, 16], strides = [1, 1]} : vector<3840x48xf32> to vector<3840x16xf32>
    %slice3A_99 = vector.extract_strided_slice %dot_general3A_97 {offsets = [0, 16], sizes = [3840, 16], strides = [1, 1]} : vector<3840x48xf32> to vector<3840x16xf32>
    %slice3A_100 = vector.extract_strided_slice %dot_general3A_97 {offsets = [0, 32], sizes = [3840, 16], strides = [1, 1]} : vector<3840x48xf32> to vector<3840x16xf32>
    %integer_pow3A_101 = arith.mulf %slice3A_98, %slice3A_98 : vector<3840x16xf32>
    %integer_pow3A_102 = arith.mulf %slice3A_99, %slice3A_99 : vector<3840x16xf32>
    %add3A_103 = arith.addf %integer_pow3A_101, %integer_pow3A_102 : vector<3840x16xf32>
    %integer_pow3A_104 = arith.mulf %slice3A_100, %slice3A_100 : vector<3840x16xf32>
    %add3A_105 = arith.addf %add3A_103, %integer_pow3A_104 : vector<3840x16xf32>
    %add3A_106 = arith.constant 9.99999993E-9 : f32
    %add3A_107 = vector.broadcast %add3A_106 : f32 to vector<3840x16xf32>
    %add3A_108 = arith.addf %add3A_105, %add3A_107 : vector<3840x16xf32>
    %sqrt3A_109 = math.sqrt %add3A_108 : vector<3840x16xf32>
    %get3A_110 = arith.constant 0 : index
    %get3A_111 = arith.constant 0 : index
    %get3A_112 = vector.load %arg17[%get3A_110, %get3A_111] : memref<128x128xf32, #tpu.memory_space<vmem>>, vector<128x128xf32>
    %dot_general3A_113 = arith.constant dense<0.000000e+00> : vector<3840x128xf32>
    %dot_general3A_114 = tpu.matmul %max3A_92, %get3A_112, %dot_general3A_113 {dimension_numbers = #tpu.dot_dimension_numbers<[1], [0], [0], [1], [0, 0, 1, 1], [], []>, transpose_lhs_hint = false} : vector<3840x128xf32>, vector<128x128xf32>, vector<3840x128xf32> -> vector<3840x128xf32>
    %get3A_115 = arith.constant 0 : index
    %get3A_116 = arith.constant 0 : index
    %get3A_117 = vector.load %arg18[%get3A_115, %get3A_116] : memref<16x128xf32, #tpu.memory_space<vmem>>, vector<16x128xf32>
    %dot_general3A_118 = arith.constant dense<0.000000e+00> : vector<3840x128xf32>
    %dot_general3A_119 = tpu.matmul %sqrt3A_109, %get3A_117, %dot_general3A_118 {dimension_numbers = #tpu.dot_dimension_numbers<[1], [0], [0], [1], [0, 0, 1, 1], [], []>, transpose_lhs_hint = false} : vector<3840x16xf32>, vector<16x128xf32>, vector<3840x128xf32> -> vector<3840x128xf32>
    %add3A_120 = arith.addf %dot_general3A_114, %dot_general3A_119 : vector<3840x128xf32>
    %get3A_121 = arith.constant 0 : index
    %get3A_122 = arith.constant 0 : index
    %get3A_123 = vector.load %arg19[%get3A_121, %get3A_122] : memref<1x128xf32, #tpu.memory_space<vmem>>, vector<1x128xf32>
    %add3A_124 = vector.broadcast %get3A_123 : vector<1x128xf32> to vector<3840x128xf32>
    %add3A_125 = arith.addf %add3A_120, %add3A_124 : vector<3840x128xf32>
    %get3A_126 = arith.constant 0 : index
    %get3A_127 = arith.constant 0 : index
    %get3A_128 = vector.load %arg21[%get3A_126, %get3A_127] : memref<128x16xf32, #tpu.memory_space<vmem>>, vector<128x16xf32>
    %dot_general3A_129 = arith.constant dense<0.000000e+00> : vector<3840x16xf32>
    %dot_general3A_130 = tpu.matmul %add3A_125, %get3A_128, %dot_general3A_129 {dimension_numbers = #tpu.dot_dimension_numbers<[1], [0], [0], [1], [0, 0, 1, 1], [], []>, transpose_lhs_hint = false} : vector<3840x128xf32>, vector<128x16xf32>, vector<3840x16xf32> -> vector<3840x16xf32>
    %get3A_131 = arith.constant 0 : index
    %get3A_132 = arith.constant 0 : index
    %get3A_133 = vector.load %arg22[%get3A_131, %get3A_132] : memref<1x16xf32, #tpu.memory_space<vmem>>, vector<1x16xf32>
    %add3A_134 = vector.broadcast %get3A_133 : vector<1x16xf32> to vector<3840x16xf32>
    %add3A_135 = arith.addf %dot_general3A_130, %add3A_134 : vector<3840x16xf32>
    %logistic3A_136 = arith.negf %add3A_135 : vector<3840x16xf32>
    %logistic3A_137 = math.exp %logistic3A_136 : vector<3840x16xf32>
    %logistic3A_138 = arith.constant 1.000000e+00 : f32
    %logistic3A_139 = vector.broadcast %logistic3A_138 : f32 to vector<3840x16xf32>
    %logistic3A_140 = arith.addf %logistic3A_139, %logistic3A_137 : vector<3840x16xf32>
    %logistic3A_141 = arith.divf %logistic3A_139, %logistic3A_140 : vector<3840x16xf32>
    %get3A_142 = arith.constant 0 : index
    %get3A_143 = arith.constant 0 : index
    %get3A_144 = vector.load %arg20[%get3A_142, %get3A_143] : memref<48x48xf32, #tpu.memory_space<vmem>>, vector<48x48xf32>
    %dot_general3A_145 = arith.constant dense<0.000000e+00> : vector<3840x48xf32>
    %dot_general3A_146 = tpu.matmul %dot_general3A_97, %get3A_144, %dot_general3A_145 {dimension_numbers = #tpu.dot_dimension_numbers<[1], [0], [0], [1], [0, 0, 1, 1], [], []>, transpose_lhs_hint = false} : vector<3840x48xf32>, vector<48x48xf32>, vector<3840x48xf32> -> vector<3840x48xf32>
    %concatenate3A_147 = tpu.concatenate %logistic3A_141, %logistic3A_141, %logistic3A_141 in 1 : vector<3840x16xf32>, vector<3840x16xf32>, vector<3840x16xf32> -> vector<3840x48xf32>
    %mul3A_148 = arith.mulf %dot_general3A_146, %concatenate3A_147 : vector<3840x48xf32>
    %max3A_149 = arith.constant 0.000000e+00 : f32
    %max3A_150 = vector.broadcast %max3A_149 : f32 to vector<3840x128xf32>
    %max3A_151 = arith.maximumf %add3A_125, %max3A_150 : vector<3840x128xf32>
    %get3A_152 = arith.constant 0 : index
    %get3A_153 = arith.constant 0 : index
    %get3A_154 = vector.load %arg23[%get3A_152, %get3A_153] : memref<48x48xf32, #tpu.memory_space<vmem>>, vector<48x48xf32>
    %dot_general3A_155 = arith.constant dense<0.000000e+00> : vector<3840x48xf32>
    %dot_general3A_156 = tpu.matmul %mul3A_148, %get3A_154, %dot_general3A_155 {dimension_numbers = #tpu.dot_dimension_numbers<[1], [0], [0], [1], [0, 0, 1, 1], [], []>, transpose_lhs_hint = false} : vector<3840x48xf32>, vector<48x48xf32>, vector<3840x48xf32> -> vector<3840x48xf32>
    %slice3A_157 = vector.extract_strided_slice %dot_general3A_156 {offsets = [0, 0], sizes = [3840, 16], strides = [1, 1]} : vector<3840x48xf32> to vector<3840x16xf32>
    %slice3A_158 = vector.extract_strided_slice %dot_general3A_156 {offsets = [0, 16], sizes = [3840, 16], strides = [1, 1]} : vector<3840x48xf32> to vector<3840x16xf32>
    %slice3A_159 = vector.extract_strided_slice %dot_general3A_156 {offsets = [0, 32], sizes = [3840, 16], strides = [1, 1]} : vector<3840x48xf32> to vector<3840x16xf32>
    %integer_pow3A_160 = arith.mulf %slice3A_157, %slice3A_157 : vector<3840x16xf32>
    %integer_pow3A_161 = arith.mulf %slice3A_158, %slice3A_158 : vector<3840x16xf32>
    %add3A_162 = arith.addf %integer_pow3A_160, %integer_pow3A_161 : vector<3840x16xf32>
    %integer_pow3A_163 = arith.mulf %slice3A_159, %slice3A_159 : vector<3840x16xf32>
    %add3A_164 = arith.addf %add3A_162, %integer_pow3A_163 : vector<3840x16xf32>
    %add3A_165 = arith.constant 9.99999993E-9 : f32
    %add3A_166 = vector.broadcast %add3A_165 : f32 to vector<3840x16xf32>
    %add3A_167 = arith.addf %add3A_164, %add3A_166 : vector<3840x16xf32>
    %sqrt3A_168 = math.sqrt %add3A_167 : vector<3840x16xf32>
    %get3A_169 = arith.constant 0 : index
    %get3A_170 = arith.constant 0 : index
    %get3A_171 = vector.load %arg24[%get3A_169, %get3A_170] : memref<128x128xf32, #tpu.memory_space<vmem>>, vector<128x128xf32>
    %dot_general3A_172 = arith.constant dense<0.000000e+00> : vector<3840x128xf32>
    %dot_general3A_173 = tpu.matmul %max3A_151, %get3A_171, %dot_general3A_172 {dimension_numbers = #tpu.dot_dimension_numbers<[1], [0], [0], [1], [0, 0, 1, 1], [], []>, transpose_lhs_hint = false} : vector<3840x128xf32>, vector<128x128xf32>, vector<3840x128xf32> -> vector<3840x128xf32>
    %get3A_174 = arith.constant 0 : index
    %get3A_175 = arith.constant 0 : index
    %get3A_176 = vector.load %arg25[%get3A_174, %get3A_175] : memref<16x128xf32, #tpu.memory_space<vmem>>, vector<16x128xf32>
    %dot_general3A_177 = arith.constant dense<0.000000e+00> : vector<3840x128xf32>
    %dot_general3A_178 = tpu.matmul %sqrt3A_168, %get3A_176, %dot_general3A_177 {dimension_numbers = #tpu.dot_dimension_numbers<[1], [0], [0], [1], [0, 0, 1, 1], [], []>, transpose_lhs_hint = false} : vector<3840x16xf32>, vector<16x128xf32>, vector<3840x128xf32> -> vector<3840x128xf32>
    %add3A_179 = arith.addf %dot_general3A_173, %dot_general3A_178 : vector<3840x128xf32>
    %get3A_180 = arith.constant 0 : index
    %get3A_181 = arith.constant 0 : index
    %get3A_182 = vector.load %arg26[%get3A_180, %get3A_181] : memref<1x128xf32, #tpu.memory_space<vmem>>, vector<1x128xf32>
    %add3A_183 = vector.broadcast %get3A_182 : vector<1x128xf32> to vector<3840x128xf32>
    %add3A_184 = arith.addf %add3A_179, %add3A_183 : vector<3840x128xf32>
    %get3A_185 = arith.constant 0 : index
    %get3A_186 = arith.constant 0 : index
    %get3A_187 = vector.load %arg28[%get3A_185, %get3A_186] : memref<128x16xf32, #tpu.memory_space<vmem>>, vector<128x16xf32>
    %dot_general3A_188 = arith.constant dense<0.000000e+00> : vector<3840x16xf32>
    %dot_general3A_189 = tpu.matmul %add3A_184, %get3A_187, %dot_general3A_188 {dimension_numbers = #tpu.dot_dimension_numbers<[1], [0], [0], [1], [0, 0, 1, 1], [], []>, transpose_lhs_hint = false} : vector<3840x128xf32>, vector<128x16xf32>, vector<3840x16xf32> -> vector<3840x16xf32>
    %get3A_190 = arith.constant 0 : index
    %get3A_191 = arith.constant 0 : index
    %get3A_192 = vector.load %arg29[%get3A_190, %get3A_191] : memref<1x16xf32, #tpu.memory_space<vmem>>, vector<1x16xf32>
    %add3A_193 = vector.broadcast %get3A_192 : vector<1x16xf32> to vector<3840x16xf32>
    %add3A_194 = arith.addf %dot_general3A_189, %add3A_193 : vector<3840x16xf32>
    %logistic3A_195 = arith.negf %add3A_194 : vector<3840x16xf32>
    %logistic3A_196 = math.exp %logistic3A_195 : vector<3840x16xf32>
    %logistic3A_197 = arith.constant 1.000000e+00 : f32
    %logistic3A_198 = vector.broadcast %logistic3A_197 : f32 to vector<3840x16xf32>
    %logistic3A_199 = arith.addf %logistic3A_198, %logistic3A_196 : vector<3840x16xf32>
    %logistic3A_200 = arith.divf %logistic3A_198, %logistic3A_199 : vector<3840x16xf32>
    %get3A_201 = arith.constant 0 : index
    %get3A_202 = arith.constant 0 : index
    %get3A_203 = vector.load %arg27[%get3A_201, %get3A_202] : memref<48x48xf32, #tpu.memory_space<vmem>>, vector<48x48xf32>
    %dot_general3A_204 = arith.constant dense<0.000000e+00> : vector<3840x48xf32>
    %dot_general3A_205 = tpu.matmul %dot_general3A_156, %get3A_203, %dot_general3A_204 {dimension_numbers = #tpu.dot_dimension_numbers<[1], [0], [0], [1], [0, 0, 1, 1], [], []>, transpose_lhs_hint = false} : vector<3840x48xf32>, vector<48x48xf32>, vector<3840x48xf32> -> vector<3840x48xf32>
    %concatenate3A_206 = tpu.concatenate %logistic3A_200, %logistic3A_200, %logistic3A_200 in 1 : vector<3840x16xf32>, vector<3840x16xf32>, vector<3840x16xf32> -> vector<3840x48xf32>
    %mul3A_207 = arith.mulf %dot_general3A_205, %concatenate3A_206 : vector<3840x48xf32>
    %reshape3A = vector.shape_cast %add3A_184 : vector<3840x128xf32> to vector<30x128x128xf32>
    %reduce_sum3A = arith.constant dense<0.000000e+00> : vector<128x128xf32>
    %reduce_sum3A_208 = vector.multi_reduction <add>, %reshape3A, %reduce_sum3A [0] : vector<30x128x128xf32> to vector<128x128xf32>
    %mul3A_209 = arith.constant 0.0333333351 : f32
    %mul3A_210 = vector.broadcast %mul3A_209 : f32 to vector<128x128xf32>
    %mul3A_211 = arith.mulf %reduce_sum3A_208, %mul3A_210 : vector<128x128xf32>
    %reshape3A_212 = vector.shape_cast %mul3A_207 : vector<3840x48xf32> to vector<30x128x48xf32>
    %reduce_sum3A_213 = arith.constant dense<0.000000e+00> : vector<128x48xf32>
    %reduce_sum3A_214 = vector.multi_reduction <add>, %reshape3A_212, %reduce_sum3A_213 [0] : vector<30x128x48xf32> to vector<128x48xf32>
    %mul3A_215 = arith.constant 0.0333333351 : f32
    %mul3A_216 = vector.broadcast %mul3A_215 : f32 to vector<128x48xf32>
    %mul3A_217 = arith.mulf %reduce_sum3A_214, %mul3A_216 : vector<128x48xf32>
    %add3A_218 = arith.addf %get3A_1, %mul3A_211 : vector<128x128xf32>
    %get3A_219 = arith.constant 0 : index
    %get3A_220 = arith.constant 0 : index
    %get3A_221 = vector.load %arg30[%get3A_219, %get3A_220] : memref<1x128xf32, #tpu.memory_space<vmem>>, vector<1x128xf32>
    %get3A_222 = arith.constant 0 : index
    %get3A_223 = arith.constant 0 : index
    %get3A_224 = vector.load %arg31[%get3A_222, %get3A_223] : memref<1x128xf32, #tpu.memory_space<vmem>>, vector<1x128xf32>
    %reduce_sum3A_225 = arith.constant dense<0.000000e+00> : vector<128xf32>
    %reduce_sum3A_226 = vector.multi_reduction <add>, %add3A_218, %reduce_sum3A_225 [1] : vector<128x128xf32> to vector<128xf32>
    %broadcast_in_dim3A = vector.shape_cast %reduce_sum3A_226 : vector<128xf32> to vector<128x1xf32>
    %div3A = arith.constant 1.280000e+02 : f32
    %div3A_227 = vector.broadcast %div3A : f32 to vector<128x1xf32>
    %div3A_228 = arith.divf %broadcast_in_dim3A, %div3A_227 : vector<128x1xf32>
    %sub3A = vector.broadcast %div3A_228 : vector<128x1xf32> to vector<128x128xf32>
    %sub3A_229 = arith.subf %add3A_218, %sub3A : vector<128x128xf32>
    %integer_pow3A_230 = arith.mulf %sub3A_229, %sub3A_229 : vector<128x128xf32>
    %reduce_sum3A_231 = arith.constant dense<0.000000e+00> : vector<128xf32>
    %reduce_sum3A_232 = vector.multi_reduction <add>, %integer_pow3A_230, %reduce_sum3A_231 [1] : vector<128x128xf32> to vector<128xf32>
    %broadcast_in_dim3A_233 = vector.shape_cast %reduce_sum3A_232 : vector<128xf32> to vector<128x1xf32>
    %div3A_234 = arith.constant 1.280000e+02 : f32
    %div3A_235 = vector.broadcast %div3A_234 : f32 to vector<128x1xf32>
    %div3A_236 = arith.divf %broadcast_in_dim3A_233, %div3A_235 : vector<128x1xf32>
    %sub3A_237 = vector.broadcast %div3A_228 : vector<128x1xf32> to vector<128x128xf32>
    %sub3A_238 = arith.subf %add3A_218, %sub3A_237 : vector<128x128xf32>
    %add3A_239 = arith.constant 9.99999974E-6 : f32
    %add3A_240 = vector.broadcast %add3A_239 : f32 to vector<128x1xf32>
    %add3A_241 = arith.addf %div3A_236, %add3A_240 : vector<128x1xf32>
    %sqrt3A_242 = math.sqrt %add3A_241 : vector<128x1xf32>
    %div3A_243 = vector.broadcast %sqrt3A_242 : vector<128x1xf32> to vector<128x128xf32>
    %div3A_244 = arith.divf %sub3A_238, %div3A_243 : vector<128x128xf32>
    %mul3A_245 = vector.broadcast %get3A_221 : vector<1x128xf32> to vector<128x128xf32>
    %mul3A_246 = arith.mulf %div3A_244, %mul3A_245 : vector<128x128xf32>
    %add3A_247 = vector.broadcast %get3A_224 : vector<1x128xf32> to vector<128x128xf32>
    %add3A_248 = arith.addf %mul3A_246, %add3A_247 : vector<128x128xf32>
    %add3A_249 = arith.addf %get3A_4, %mul3A_217 : vector<128x48xf32>
    %slice3A_250 = vector.extract_strided_slice %add3A_249 {offsets = [0, 0], sizes = [128, 16], strides = [1, 1]} : vector<128x48xf32> to vector<128x16xf32>
    %slice3A_251 = vector.extract_strided_slice %add3A_249 {offsets = [0, 16], sizes = [128, 16], strides = [1, 1]} : vector<128x48xf32> to vector<128x16xf32>
    %slice3A_252 = vector.extract_strided_slice %add3A_249 {offsets = [0, 32], sizes = [128, 16], strides = [1, 1]} : vector<128x48xf32> to vector<128x16xf32>
    %integer_pow3A_253 = arith.mulf %slice3A_250, %slice3A_250 : vector<128x16xf32>
    %integer_pow3A_254 = arith.mulf %slice3A_251, %slice3A_251 : vector<128x16xf32>
    %add3A_255 = arith.addf %integer_pow3A_253, %integer_pow3A_254 : vector<128x16xf32>
    %integer_pow3A_256 = arith.mulf %slice3A_252, %slice3A_252 : vector<128x16xf32>
    %add3A_257 = arith.addf %add3A_255, %integer_pow3A_256 : vector<128x16xf32>
    %reduce_sum3A_258 = arith.constant dense<0.000000e+00> : vector<128xf32>
    %reduce_sum3A_259 = vector.multi_reduction <add>, %add3A_257, %reduce_sum3A_258 [1] : vector<128x16xf32> to vector<128xf32>
    %broadcast_in_dim3A_260 = vector.shape_cast %reduce_sum3A_259 : vector<128xf32> to vector<128x1xf32>
    %div3A_261 = arith.constant 1.600000e+01 : f32
    %div3A_262 = vector.broadcast %div3A_261 : f32 to vector<128x1xf32>
    %div3A_263 = arith.divf %broadcast_in_dim3A_260, %div3A_262 : vector<128x1xf32>
    %add3A_264 = arith.constant 9.99999993E-9 : f32
    %add3A_265 = vector.broadcast %add3A_264 : f32 to vector<128x1xf32>
    %add3A_266 = arith.addf %div3A_263, %add3A_265 : vector<128x1xf32>
    %sqrt3A_267 = math.sqrt %add3A_266 : vector<128x1xf32>
    %div3A_268 = arith.constant 1.000000e+00 : f32
    %div3A_269 = vector.broadcast %div3A_268 : f32 to vector<128x1xf32>
    %div3A_270 = arith.divf %div3A_269, %sqrt3A_267 : vector<128x1xf32>
    %mul3A_271 = vector.broadcast %div3A_270 : vector<128x1xf32> to vector<128x16xf32>
    %mul3A_272 = arith.mulf %slice3A_250, %mul3A_271 : vector<128x16xf32>
    %mul3A_273 = vector.broadcast %div3A_270 : vector<128x1xf32> to vector<128x16xf32>
    %mul3A_274 = arith.mulf %slice3A_251, %mul3A_273 : vector<128x16xf32>
    %mul3A_275 = vector.broadcast %div3A_270 : vector<128x1xf32> to vector<128x16xf32>
    %mul3A_276 = arith.mulf %slice3A_252, %mul3A_275 : vector<128x16xf32>
    %get3A_277 = arith.constant 0 : index
    %get3A_278 = arith.constant 0 : index
    %get3A_279 = vector.load %arg32[%get3A_277, %get3A_278] : memref<16x16xf32, #tpu.memory_space<vmem>>, vector<16x16xf32>
    %dot_general3A_280 = arith.constant dense<0.000000e+00> : vector<128x16xf32>
    %dot_general3A_281 = tpu.matmul %mul3A_272, %get3A_279, %dot_general3A_280 {dimension_numbers = #tpu.dot_dimension_numbers<[1], [0], [0], [1], [0, 0, 1, 1], [], []>, transpose_lhs_hint = false} : vector<128x16xf32>, vector<16x16xf32>, vector<128x16xf32> -> vector<128x16xf32>
    %get3A_282 = arith.constant 0 : index
    %get3A_283 = arith.constant 0 : index
    %get3A_284 = vector.load %arg32[%get3A_282, %get3A_283] : memref<16x16xf32, #tpu.memory_space<vmem>>, vector<16x16xf32>
    %dot_general3A_285 = arith.constant dense<0.000000e+00> : vector<128x16xf32>
    %dot_general3A_286 = tpu.matmul %mul3A_274, %get3A_284, %dot_general3A_285 {dimension_numbers = #tpu.dot_dimension_numbers<[1], [0], [0], [1], [0, 0, 1, 1], [], []>, transpose_lhs_hint = false} : vector<128x16xf32>, vector<16x16xf32>, vector<128x16xf32> -> vector<128x16xf32>
    %get3A_287 = arith.constant 0 : index
    %get3A_288 = arith.constant 0 : index
    %get3A_289 = vector.load %arg32[%get3A_287, %get3A_288] : memref<16x16xf32, #tpu.memory_space<vmem>>, vector<16x16xf32>
    %dot_general3A_290 = arith.constant dense<0.000000e+00> : vector<128x16xf32>
    %dot_general3A_291 = tpu.matmul %mul3A_276, %get3A_289, %dot_general3A_290 {dimension_numbers = #tpu.dot_dimension_numbers<[1], [0], [0], [1], [0, 0, 1, 1], [], []>, transpose_lhs_hint = false} : vector<128x16xf32>, vector<16x16xf32>, vector<128x16xf32> -> vector<128x16xf32>
    %integer_pow3A_292 = arith.mulf %dot_general3A_281, %dot_general3A_281 : vector<128x16xf32>
    %integer_pow3A_293 = arith.mulf %dot_general3A_286, %dot_general3A_286 : vector<128x16xf32>
    %add3A_294 = arith.addf %integer_pow3A_292, %integer_pow3A_293 : vector<128x16xf32>
    %integer_pow3A_295 = arith.mulf %dot_general3A_291, %dot_general3A_291 : vector<128x16xf32>
    %add3A_296 = arith.addf %add3A_294, %integer_pow3A_295 : vector<128x16xf32>
    %add3A_297 = arith.constant 9.99999993E-9 : f32
    %add3A_298 = vector.broadcast %add3A_297 : f32 to vector<128x16xf32>
    %add3A_299 = arith.addf %add3A_296, %add3A_298 : vector<128x16xf32>
    %sqrt3A_300 = math.sqrt %add3A_299 : vector<128x16xf32>
    %get3A_301 = arith.constant 0 : index
    %get3A_302 = arith.constant 0 : index
    %get3A_303 = vector.load %arg33[%get3A_301, %get3A_302] : memref<144x256xf32, #tpu.memory_space<vmem>>, vector<128x256xf32>
    %dot_general3A_304 = arith.constant dense<0.000000e+00> : vector<128x256xf32>
    %dot_general3A_305 = tpu.matmul %add3A_248, %get3A_303, %dot_general3A_304 {dimension_numbers = #tpu.dot_dimension_numbers<[1], [0], [0], [1], [0, 0, 1, 1], [], []>, transpose_lhs_hint = false} : vector<128x128xf32>, vector<128x256xf32>, vector<128x256xf32> -> vector<128x256xf32>
    %get3A_306 = arith.constant 128 : index
    %get3A_307 = arith.constant 0 : index
    %get3A_308 = vector.load %arg33[%get3A_306, %get3A_307] : memref<144x256xf32, #tpu.memory_space<vmem>>, vector<16x256xf32>
    %dot_general3A_309 = arith.constant dense<0.000000e+00> : vector<128x256xf32>
    %dot_general3A_310 = tpu.matmul %sqrt3A_300, %get3A_308, %dot_general3A_309 {dimension_numbers = #tpu.dot_dimension_numbers<[1], [0], [0], [1], [0, 0, 1, 1], [], []>, transpose_lhs_hint = false} : vector<128x16xf32>, vector<16x256xf32>, vector<128x256xf32> -> vector<128x256xf32>
    %add3A_311 = arith.addf %dot_general3A_305, %dot_general3A_310 : vector<128x256xf32>
    %get3A_312 = arith.constant 0 : index
    %get3A_313 = arith.constant 0 : index
    %get3A_314 = vector.load %arg34[%get3A_312, %get3A_313] : memref<1x256xf32, #tpu.memory_space<vmem>>, vector<1x256xf32>
    %add3A_315 = vector.broadcast %get3A_314 : vector<1x256xf32> to vector<128x256xf32>
    %add3A_316 = arith.addf %add3A_311, %add3A_315 : vector<128x256xf32>
    %get3A_317 = arith.constant 0 : index
    %get3A_318 = arith.constant 0 : index
    %get3A_319 = vector.load %arg36[%get3A_317, %get3A_318] : memref<256x16xf32, #tpu.memory_space<vmem>>, vector<256x16xf32>
    %dot_general3A_320 = arith.constant dense<0.000000e+00> : vector<128x16xf32>
    %dot_general3A_321 = tpu.matmul %add3A_316, %get3A_319, %dot_general3A_320 {dimension_numbers = #tpu.dot_dimension_numbers<[1], [0], [0], [1], [0, 0, 1, 1], [], []>, transpose_lhs_hint = false} : vector<128x256xf32>, vector<256x16xf32>, vector<128x16xf32> -> vector<128x16xf32>
    %get3A_322 = arith.constant 0 : index
    %get3A_323 = arith.constant 0 : index
    %get3A_324 = vector.load %arg37[%get3A_322, %get3A_323] : memref<1x16xf32, #tpu.memory_space<vmem>>, vector<1x16xf32>
    %add3A_325 = vector.broadcast %get3A_324 : vector<1x16xf32> to vector<128x16xf32>
    %add3A_326 = arith.addf %dot_general3A_321, %add3A_325 : vector<128x16xf32>
    %logistic3A_327 = arith.negf %add3A_326 : vector<128x16xf32>
    %logistic3A_328 = math.exp %logistic3A_327 : vector<128x16xf32>
    %logistic3A_329 = arith.constant 1.000000e+00 : f32
    %logistic3A_330 = vector.broadcast %logistic3A_329 : f32 to vector<128x16xf32>
    %logistic3A_331 = arith.addf %logistic3A_330, %logistic3A_328 : vector<128x16xf32>
    %logistic3A_332 = arith.divf %logistic3A_330, %logistic3A_331 : vector<128x16xf32>
    %get3A_333 = arith.constant 0 : index
    %get3A_334 = arith.constant 0 : index
    %get3A_335 = vector.load %arg35[%get3A_333, %get3A_334] : memref<16x16xf32, #tpu.memory_space<vmem>>, vector<16x16xf32>
    %dot_general3A_336 = arith.constant dense<0.000000e+00> : vector<128x16xf32>
    %dot_general3A_337 = tpu.matmul %dot_general3A_281, %get3A_335, %dot_general3A_336 {dimension_numbers = #tpu.dot_dimension_numbers<[1], [0], [0], [1], [0, 0, 1, 1], [], []>, transpose_lhs_hint = false} : vector<128x16xf32>, vector<16x16xf32>, vector<128x16xf32> -> vector<128x16xf32>
    %mul3A_338 = arith.mulf %dot_general3A_337, %logistic3A_332 : vector<128x16xf32>
    %get3A_339 = arith.constant 0 : index
    %get3A_340 = arith.constant 0 : index
    %get3A_341 = vector.load %arg35[%get3A_339, %get3A_340] : memref<16x16xf32, #tpu.memory_space<vmem>>, vector<16x16xf32>
    %dot_general3A_342 = arith.constant dense<0.000000e+00> : vector<128x16xf32>
    %dot_general3A_343 = tpu.matmul %dot_general3A_286, %get3A_341, %dot_general3A_342 {dimension_numbers = #tpu.dot_dimension_numbers<[1], [0], [0], [1], [0, 0, 1, 1], [], []>, transpose_lhs_hint = false} : vector<128x16xf32>, vector<16x16xf32>, vector<128x16xf32> -> vector<128x16xf32>
    %mul3A_344 = arith.mulf %dot_general3A_343, %logistic3A_332 : vector<128x16xf32>
    %get3A_345 = arith.constant 0 : index
    %get3A_346 = arith.constant 0 : index
    %get3A_347 = vector.load %arg35[%get3A_345, %get3A_346] : memref<16x16xf32, #tpu.memory_space<vmem>>, vector<16x16xf32>
    %dot_general3A_348 = arith.constant dense<0.000000e+00> : vector<128x16xf32>
    %dot_general3A_349 = tpu.matmul %dot_general3A_291, %get3A_347, %dot_general3A_348 {dimension_numbers = #tpu.dot_dimension_numbers<[1], [0], [0], [1], [0, 0, 1, 1], [], []>, transpose_lhs_hint = false} : vector<128x16xf32>, vector<16x16xf32>, vector<128x16xf32> -> vector<128x16xf32>
    %mul3A_350 = arith.mulf %dot_general3A_349, %logistic3A_332 : vector<128x16xf32>
    %max3A_351 = arith.constant 0.000000e+00 : f32
    %max3A_352 = vector.broadcast %max3A_351 : f32 to vector<128x256xf32>
    %max3A_353 = arith.maximumf %add3A_316, %max3A_352 : vector<128x256xf32>
    %get3A_354 = arith.constant 0 : index
    %get3A_355 = arith.constant 0 : index
    %get3A_356 = vector.load %arg38[%get3A_354, %get3A_355] : memref<16x16xf32, #tpu.memory_space<vmem>>, vector<16x16xf32>
    %dot_general3A_357 = arith.constant dense<0.000000e+00> : vector<128x16xf32>
    %dot_general3A_358 = tpu.matmul %mul3A_338, %get3A_356, %dot_general3A_357 {dimension_numbers = #tpu.dot_dimension_numbers<[1], [0], [0], [1], [0, 0, 1, 1], [], []>, transpose_lhs_hint = false} : vector<128x16xf32>, vector<16x16xf32>, vector<128x16xf32> -> vector<128x16xf32>
    %get3A_359 = arith.constant 0 : index
    %get3A_360 = arith.constant 0 : index
    %get3A_361 = vector.load %arg38[%get3A_359, %get3A_360] : memref<16x16xf32, #tpu.memory_space<vmem>>, vector<16x16xf32>
    %dot_general3A_362 = arith.constant dense<0.000000e+00> : vector<128x16xf32>
    %dot_general3A_363 = tpu.matmul %mul3A_344, %get3A_361, %dot_general3A_362 {dimension_numbers = #tpu.dot_dimension_numbers<[1], [0], [0], [1], [0, 0, 1, 1], [], []>, transpose_lhs_hint = false} : vector<128x16xf32>, vector<16x16xf32>, vector<128x16xf32> -> vector<128x16xf32>
    %get3A_364 = arith.constant 0 : index
    %get3A_365 = arith.constant 0 : index
    %get3A_366 = vector.load %arg38[%get3A_364, %get3A_365] : memref<16x16xf32, #tpu.memory_space<vmem>>, vector<16x16xf32>
    %dot_general3A_367 = arith.constant dense<0.000000e+00> : vector<128x16xf32>
    %dot_general3A_368 = tpu.matmul %mul3A_350, %get3A_366, %dot_general3A_367 {dimension_numbers = #tpu.dot_dimension_numbers<[1], [0], [0], [1], [0, 0, 1, 1], [], []>, transpose_lhs_hint = false} : vector<128x16xf32>, vector<16x16xf32>, vector<128x16xf32> -> vector<128x16xf32>
    %integer_pow3A_369 = arith.mulf %dot_general3A_358, %dot_general3A_358 : vector<128x16xf32>
    %integer_pow3A_370 = arith.mulf %dot_general3A_363, %dot_general3A_363 : vector<128x16xf32>
    %add3A_371 = arith.addf %integer_pow3A_369, %integer_pow3A_370 : vector<128x16xf32>
    %integer_pow3A_372 = arith.mulf %dot_general3A_368, %dot_general3A_368 : vector<128x16xf32>
    %add3A_373 = arith.addf %add3A_371, %integer_pow3A_372 : vector<128x16xf32>
    %add3A_374 = arith.constant 9.99999993E-9 : f32
    %add3A_375 = vector.broadcast %add3A_374 : f32 to vector<128x16xf32>
    %add3A_376 = arith.addf %add3A_373, %add3A_375 : vector<128x16xf32>
    %sqrt3A_377 = math.sqrt %add3A_376 : vector<128x16xf32>
    %get3A_378 = arith.constant 0 : index
    %get3A_379 = arith.constant 0 : index
    %get3A_380 = vector.load %arg39[%get3A_378, %get3A_379] : memref<272x128xf32, #tpu.memory_space<vmem>>, vector<256x128xf32>
    %dot_general3A_381 = arith.constant dense<0.000000e+00> : vector<128x128xf32>
    %dot_general3A_382 = tpu.matmul %max3A_353, %get3A_380, %dot_general3A_381 {dimension_numbers = #tpu.dot_dimension_numbers<[1], [0], [0], [1], [0, 0, 1, 1], [], []>, transpose_lhs_hint = false} : vector<128x256xf32>, vector<256x128xf32>, vector<128x128xf32> -> vector<128x128xf32>
    %get3A_383 = arith.constant 256 : index
    %get3A_384 = arith.constant 0 : index
    %get3A_385 = vector.load %arg39[%get3A_383, %get3A_384] : memref<272x128xf32, #tpu.memory_space<vmem>>, vector<16x128xf32>
    %dot_general3A_386 = arith.constant dense<0.000000e+00> : vector<128x128xf32>
    %dot_general3A_387 = tpu.matmul %sqrt3A_377, %get3A_385, %dot_general3A_386 {dimension_numbers = #tpu.dot_dimension_numbers<[1], [0], [0], [1], [0, 0, 1, 1], [], []>, transpose_lhs_hint = false} : vector<128x16xf32>, vector<16x128xf32>, vector<128x128xf32> -> vector<128x128xf32>
    %add3A_388 = arith.addf %dot_general3A_382, %dot_general3A_387 : vector<128x128xf32>
    %get3A_389 = arith.constant 0 : index
    %get3A_390 = arith.constant 0 : index
    %get3A_391 = vector.load %arg40[%get3A_389, %get3A_390] : memref<1x128xf32, #tpu.memory_space<vmem>>, vector<1x128xf32>
    %add3A_392 = vector.broadcast %get3A_391 : vector<1x128xf32> to vector<128x128xf32>
    %add3A_393 = arith.addf %add3A_388, %add3A_392 : vector<128x128xf32>
    %get3A_394 = arith.constant 0 : index
    %get3A_395 = arith.constant 0 : index
    %get3A_396 = vector.load %arg42[%get3A_394, %get3A_395] : memref<128x16xf32, #tpu.memory_space<vmem>>, vector<128x16xf32>
    %dot_general3A_397 = arith.constant dense<0.000000e+00> : vector<128x16xf32>
    %dot_general3A_398 = tpu.matmul %add3A_393, %get3A_396, %dot_general3A_397 {dimension_numbers = #tpu.dot_dimension_numbers<[1], [0], [0], [1], [0, 0, 1, 1], [], []>, transpose_lhs_hint = false} : vector<128x128xf32>, vector<128x16xf32>, vector<128x16xf32> -> vector<128x16xf32>
    %get3A_399 = arith.constant 0 : index
    %get3A_400 = arith.constant 0 : index
    %get3A_401 = vector.load %arg43[%get3A_399, %get3A_400] : memref<1x16xf32, #tpu.memory_space<vmem>>, vector<1x16xf32>
    %add3A_402 = vector.broadcast %get3A_401 : vector<1x16xf32> to vector<128x16xf32>
    %add3A_403 = arith.addf %dot_general3A_398, %add3A_402 : vector<128x16xf32>
    %logistic3A_404 = arith.negf %add3A_403 : vector<128x16xf32>
    %logistic3A_405 = math.exp %logistic3A_404 : vector<128x16xf32>
    %logistic3A_406 = arith.constant 1.000000e+00 : f32
    %logistic3A_407 = vector.broadcast %logistic3A_406 : f32 to vector<128x16xf32>
    %logistic3A_408 = arith.addf %logistic3A_407, %logistic3A_405 : vector<128x16xf32>
    %logistic3A_409 = arith.divf %logistic3A_407, %logistic3A_408 : vector<128x16xf32>
    %get3A_410 = arith.constant 0 : index
    %get3A_411 = arith.constant 0 : index
    %get3A_412 = vector.load %arg41[%get3A_410, %get3A_411] : memref<16x16xf32, #tpu.memory_space<vmem>>, vector<16x16xf32>
    %dot_general3A_413 = arith.constant dense<0.000000e+00> : vector<128x16xf32>
    %dot_general3A_414 = tpu.matmul %dot_general3A_358, %get3A_412, %dot_general3A_413 {dimension_numbers = #tpu.dot_dimension_numbers<[1], [0], [0], [1], [0, 0, 1, 1], [], []>, transpose_lhs_hint = false} : vector<128x16xf32>, vector<16x16xf32>, vector<128x16xf32> -> vector<128x16xf32>
    %mul3A_415 = arith.mulf %dot_general3A_414, %logistic3A_409 : vector<128x16xf32>
    %get3A_416 = arith.constant 0 : index
    %get3A_417 = arith.constant 0 : index
    %get3A_418 = vector.load %arg41[%get3A_416, %get3A_417] : memref<16x16xf32, #tpu.memory_space<vmem>>, vector<16x16xf32>
    %dot_general3A_419 = arith.constant dense<0.000000e+00> : vector<128x16xf32>
    %dot_general3A_420 = tpu.matmul %dot_general3A_363, %get3A_418, %dot_general3A_419 {dimension_numbers = #tpu.dot_dimension_numbers<[1], [0], [0], [1], [0, 0, 1, 1], [], []>, transpose_lhs_hint = false} : vector<128x16xf32>, vector<16x16xf32>, vector<128x16xf32> -> vector<128x16xf32>
    %mul3A_421 = arith.mulf %dot_general3A_420, %logistic3A_409 : vector<128x16xf32>
    %get3A_422 = arith.constant 0 : index
    %get3A_423 = arith.constant 0 : index
    %get3A_424 = vector.load %arg41[%get3A_422, %get3A_423] : memref<16x16xf32, #tpu.memory_space<vmem>>, vector<16x16xf32>
    %dot_general3A_425 = arith.constant dense<0.000000e+00> : vector<128x16xf32>
    %dot_general3A_426 = tpu.matmul %dot_general3A_368, %get3A_424, %dot_general3A_425 {dimension_numbers = #tpu.dot_dimension_numbers<[1], [0], [0], [1], [0, 0, 1, 1], [], []>, transpose_lhs_hint = false} : vector<128x16xf32>, vector<16x16xf32>, vector<128x16xf32> -> vector<128x16xf32>
    %mul3A_427 = arith.mulf %dot_general3A_426, %logistic3A_409 : vector<128x16xf32>
    %add3A_428 = arith.addf %add3A_248, %add3A_393 : vector<128x128xf32>
    %get3A_429 = arith.constant 0 : index
    %get3A_430 = arith.constant 0 : index
    %get3A_431 = vector.load %arg44[%get3A_429, %get3A_430] : memref<1x128xf32, #tpu.memory_space<vmem>>, vector<1x128xf32>
    %get3A_432 = arith.constant 0 : index
    %get3A_433 = arith.constant 0 : index
    %get3A_434 = vector.load %arg45[%get3A_432, %get3A_433] : memref<1x128xf32, #tpu.memory_space<vmem>>, vector<1x128xf32>
    %reduce_sum3A_435 = arith.constant dense<0.000000e+00> : vector<128xf32>
    %reduce_sum3A_436 = vector.multi_reduction <add>, %add3A_428, %reduce_sum3A_435 [1] : vector<128x128xf32> to vector<128xf32>
    %broadcast_in_dim3A_437 = vector.shape_cast %reduce_sum3A_436 : vector<128xf32> to vector<128x1xf32>
    %div3A_438 = arith.constant 1.280000e+02 : f32
    %div3A_439 = vector.broadcast %div3A_438 : f32 to vector<128x1xf32>
    %div3A_440 = arith.divf %broadcast_in_dim3A_437, %div3A_439 : vector<128x1xf32>
    %sub3A_441 = vector.broadcast %div3A_440 : vector<128x1xf32> to vector<128x128xf32>
    %sub3A_442 = arith.subf %add3A_428, %sub3A_441 : vector<128x128xf32>
    %integer_pow3A_443 = arith.mulf %sub3A_442, %sub3A_442 : vector<128x128xf32>
    %reduce_sum3A_444 = arith.constant dense<0.000000e+00> : vector<128xf32>
    %reduce_sum3A_445 = vector.multi_reduction <add>, %integer_pow3A_443, %reduce_sum3A_444 [1] : vector<128x128xf32> to vector<128xf32>
    %broadcast_in_dim3A_446 = vector.shape_cast %reduce_sum3A_445 : vector<128xf32> to vector<128x1xf32>
    %div3A_447 = arith.constant 1.280000e+02 : f32
    %div3A_448 = vector.broadcast %div3A_447 : f32 to vector<128x1xf32>
    %div3A_449 = arith.divf %broadcast_in_dim3A_446, %div3A_448 : vector<128x1xf32>
    %sub3A_450 = vector.broadcast %div3A_440 : vector<128x1xf32> to vector<128x128xf32>
    %sub3A_451 = arith.subf %add3A_428, %sub3A_450 : vector<128x128xf32>
    %add3A_452 = arith.constant 9.99999974E-6 : f32
    %add3A_453 = vector.broadcast %add3A_452 : f32 to vector<128x1xf32>
    %add3A_454 = arith.addf %div3A_449, %add3A_453 : vector<128x1xf32>
    %sqrt3A_455 = math.sqrt %add3A_454 : vector<128x1xf32>
    %div3A_456 = vector.broadcast %sqrt3A_455 : vector<128x1xf32> to vector<128x128xf32>
    %div3A_457 = arith.divf %sub3A_451, %div3A_456 : vector<128x128xf32>
    %mul3A_458 = vector.broadcast %get3A_431 : vector<1x128xf32> to vector<128x128xf32>
    %mul3A_459 = arith.mulf %div3A_457, %mul3A_458 : vector<128x128xf32>
    %add3A_460 = vector.broadcast %get3A_434 : vector<1x128xf32> to vector<128x128xf32>
    %add3A_461 = arith.addf %mul3A_459, %add3A_460 : vector<128x128xf32>
    %add3A_462 = arith.addf %mul3A_272, %mul3A_415 : vector<128x16xf32>
    %add3A_463 = arith.addf %mul3A_274, %mul3A_421 : vector<128x16xf32>
    %add3A_464 = arith.addf %mul3A_276, %mul3A_427 : vector<128x16xf32>
    %integer_pow3A_465 = arith.mulf %add3A_462, %add3A_462 : vector<128x16xf32>
    %integer_pow3A_466 = arith.mulf %add3A_463, %add3A_463 : vector<128x16xf32>
    %add3A_467 = arith.addf %integer_pow3A_465, %integer_pow3A_466 : vector<128x16xf32>
    %integer_pow3A_468 = arith.mulf %add3A_464, %add3A_464 : vector<128x16xf32>
    %add3A_469 = arith.addf %add3A_467, %integer_pow3A_468 : vector<128x16xf32>
    %reduce_sum3A_470 = arith.constant dense<0.000000e+00> : vector<128xf32>
    %reduce_sum3A_471 = vector.multi_reduction <add>, %add3A_469, %reduce_sum3A_470 [1] : vector<128x16xf32> to vector<128xf32>
    %broadcast_in_dim3A_472 = vector.shape_cast %reduce_sum3A_471 : vector<128xf32> to vector<128x1xf32>
    %div3A_473 = arith.constant 1.600000e+01 : f32
    %div3A_474 = vector.broadcast %div3A_473 : f32 to vector<128x1xf32>
    %div3A_475 = arith.divf %broadcast_in_dim3A_472, %div3A_474 : vector<128x1xf32>
    %add3A_476 = arith.constant 9.99999993E-9 : f32
    %add3A_477 = vector.broadcast %add3A_476 : f32 to vector<128x1xf32>
    %add3A_478 = arith.addf %div3A_475, %add3A_477 : vector<128x1xf32>
    %sqrt3A_479 = math.sqrt %add3A_478 : vector<128x1xf32>
    %div3A_480 = arith.constant 1.000000e+00 : f32
    %div3A_481 = vector.broadcast %div3A_480 : f32 to vector<128x1xf32>
    %div3A_482 = arith.divf %div3A_481, %sqrt3A_479 : vector<128x1xf32>
    %mul3A_483 = vector.broadcast %div3A_482 : vector<128x1xf32> to vector<128x16xf32>
    %mul3A_484 = arith.mulf %add3A_462, %mul3A_483 : vector<128x16xf32>
    %mul3A_485 = vector.broadcast %div3A_482 : vector<128x1xf32> to vector<128x16xf32>
    %mul3A_486 = arith.mulf %add3A_463, %mul3A_485 : vector<128x16xf32>
    %mul3A_487 = vector.broadcast %div3A_482 : vector<128x1xf32> to vector<128x16xf32>
    %mul3A_488 = arith.mulf %add3A_464, %mul3A_487 : vector<128x16xf32>
    %concatenate3A_489 = tpu.concatenate %add3A_461, %mul3A_484, %mul3A_486, %mul3A_488 in 1 : vector<128x128xf32>, vector<128x16xf32>, vector<128x16xf32>, vector<128x16xf32> -> vector<128x176xf32>
    %swap3A = arith.constant 0 : index
    %swap3A_490 = arith.constant 0 : index
    %swap3A_491 = vector.load %arg46[%swap3A, %swap3A_490] : memref<128x176xf32, #tpu.memory_space<vmem>>, vector<128x176xf32>
    tpu.vector_store %arg46[%swap3A, %swap3A_490], %concatenate3A_489 {strides = array<i32>} : memref<128x176xf32, #tpu.memory_space<vmem>>, vector<128x176xf32>,
    return
  }
  func.func @transform_0(%arg0: i32) -> (i32, i32) {
    %c0_i32 = arith.constant 0 : i32
    %c0_i32_0 = arith.constant 0 : i32
    return %arg0, %c0_i32 : i32, i32
  }
  func.func @transform_1(%arg0: i32) -> (i32, i32) {
    %c0_i32 = arith.constant 0 : i32
    %c0_i32_0 = arith.constant 0 : i32
    return %arg0, %c0_i32 : i32, i32
  }
  func.func @transform_2(%arg0: i32) -> (i32, i32) {
    %c0_i32 = arith.constant 0 : i32
    %c0_i32_0 = arith.constant 0 : i32
    return %arg0, %c0_i32 : i32, i32
  }
  func.func @transform_3(%arg0: i32) -> (i32, i32) {
    %c0_i32 = arith.constant 0 : i32
    %c0_i32_0 = arith.constant 0 : i32
    return %arg0, %c0_i32 : i32, i32
  }
  func.func @transform_4(%arg0: i32) -> (i32, i32) {
    %c0_i32 = arith.constant 0 : i32
    %c0_i32_0 = arith.constant 0 : i32
    %c0_i32_1 = arith.constant 0 : i32
    return %c0_i32, %c0_i32_0 : i32, i32
  }
  func.func @transform_5(%arg0: i32) -> (i32, i32) {
    %c0_i32 = arith.constant 0 : i32
    %c0_i32_0 = arith.constant 0 : i32
    %c0_i32_1 = arith.constant 0 : i32
    return %c0_i32, %c0_i32_0 : i32, i32
  }
  func.func @transform_6(%arg0: i32) -> (i32, i32) {
    %c0_i32 = arith.constant 0 : i32
    %c0_i32_0 = arith.constant 0 : i32
    %c0_i32_1 = arith.constant 0 : i32
    return %c0_i32, %c0_i32_0 : i32, i32
  }
  func.func @transform_7(%arg0: i32) -> (i32, i32) {
    %c0_i32 = arith.constant 0 : i32
    %c0_i32_0 = arith.constant 0 : i32
    %c0_i32_1 = arith.constant 0 : i32
    return %c0_i32, %c0_i32_0 : i32, i32
  }
  func.func @transform_8(%arg0: i32) -> (i32, i32) {
    %c0_i32 = arith.constant 0 : i32
    %c0_i32_0 = arith.constant 0 : i32
    %c0_i32_1 = arith.constant 0 : i32
    return %c0_i32, %c0_i32_0 : i32, i32
  }
  func.func @transform_9(%arg0: i32) -> (i32, i32) {
    %c0_i32 = arith.constant 0 : i32
    %c0_i32_0 = arith.constant 0 : i32
    %c0_i32_1 = arith.constant 0 : i32
    return %c0_i32, %c0_i32_0 : i32, i32
  }
  func.func @transform_10(%arg0: i32) -> (i32, i32) {
    %c0_i32 = arith.constant 0 : i32
    %c0_i32_0 = arith.constant 0 : i32
    %c0_i32_1 = arith.constant 0 : i32
    return %c0_i32, %c0_i32_0 : i32, i32
  }
  func.func @transform_11(%arg0: i32) -> (i32, i32) {
    %c0_i32 = arith.constant 0 : i32
    %c0_i32_0 = arith.constant 0 : i32
    %c0_i32_1 = arith.constant 0 : i32
    return %c0_i32, %c0_i32_0 : i32, i32
  }
  func.func @transform_12(%arg0: i32) -> (i32, i32) {
    %c0_i32 = arith.constant 0 : i32
    %c0_i32_0 = arith.constant 0 : i32
    %c0_i32_1 = arith.constant 0 : i32
    return %c0_i32, %c0_i32_0 : i32, i32
  }
  func.func @transform_13(%arg0: i32) -> (i32, i32) {
    %c0_i32 = arith.constant 0 : i32
    %c0_i32_0 = arith.constant 0 : i32
    %c0_i32_1 = arith.constant 0 : i32
    return %c0_i32, %c0_i32_0 : i32, i32
  }
  func.func @transform_14(%arg0: i32) -> (i32, i32) {
    %c0_i32 = arith.constant 0 : i32
    %c0_i32_0 = arith.constant 0 : i32
    %c0_i32_1 = arith.constant 0 : i32
    return %c0_i32, %c0_i32_0 : i32, i32
  }
  func.func @transform_15(%arg0: i32) -> (i32, i32) {
    %c0_i32 = arith.constant 0 : i32
    %c0_i32_0 = arith.constant 0 : i32
    %c0_i32_1 = arith.constant 0 : i32
    return %c0_i32, %c0_i32_0 : i32, i32
  }
  func.func @transform_16(%arg0: i32) -> (i32, i32) {
    %c0_i32 = arith.constant 0 : i32
    %c0_i32_0 = arith.constant 0 : i32
    %c0_i32_1 = arith.constant 0 : i32
    return %c0_i32, %c0_i32_0 : i32, i32
  }
  func.func @transform_17(%arg0: i32) -> (i32, i32) {
    %c0_i32 = arith.constant 0 : i32
    %c0_i32_0 = arith.constant 0 : i32
    %c0_i32_1 = arith.constant 0 : i32
    return %c0_i32, %c0_i32_0 : i32, i32
  }
  func.func @transform_18(%arg0: i32) -> (i32, i32) {
    %c0_i32 = arith.constant 0 : i32
    %c0_i32_0 = arith.constant 0 : i32
    %c0_i32_1 = arith.constant 0 : i32
    return %c0_i32, %c0_i32_0 : i32, i32
  }
  func.func @transform_19(%arg0: i32) -> (i32, i32) {
    %c0_i32 = arith.constant 0 : i32
    %c0_i32_0 = arith.constant 0 : i32
    %c0_i32_1 = arith.constant 0 : i32
    return %c0_i32, %c0_i32_0 : i32, i32
  }
  func.func @transform_20(%arg0: i32) -> (i32, i32) {
    %c0_i32 = arith.constant 0 : i32
    %c0_i32_0 = arith.constant 0 : i32
    %c0_i32_1 = arith.constant 0 : i32
    return %c0_i32, %c0_i32_0 : i32, i32
  }
  func.func @transform_21(%arg0: i32) -> (i32, i32) {
    %c0_i32 = arith.constant 0 : i32
    %c0_i32_0 = arith.constant 0 : i32
    %c0_i32_1 = arith.constant 0 : i32
    return %c0_i32, %c0_i32_0 : i32, i32
  }
  func.func @transform_22(%arg0: i32) -> (i32, i32) {
    %c0_i32 = arith.constant 0 : i32
    %c0_i32_0 = arith.constant 0 : i32
    %c0_i32_1 = arith.constant 0 : i32
    return %c0_i32, %c0_i32_0 : i32, i32
  }
  func.func @transform_23(%arg0: i32) -> (i32, i32) {
    %c0_i32 = arith.constant 0 : i32
    %c0_i32_0 = arith.constant 0 : i32
    %c0_i32_1 = arith.constant 0 : i32
    return %c0_i32, %c0_i32_0 : i32, i32
  }
  func.func @transform_24(%arg0: i32) -> (i32, i32) {
    %c0_i32 = arith.constant 0 : i32
    %c0_i32_0 = arith.constant 0 : i32
    %c0_i32_1 = arith.constant 0 : i32
    return %c0_i32, %c0_i32_0 : i32, i32
  }
  func.func @transform_25(%arg0: i32) -> (i32, i32) {
    %c0_i32 = arith.constant 0 : i32
    %c0_i32_0 = arith.constant 0 : i32
    %c0_i32_1 = arith.constant 0 : i32
    return %c0_i32, %c0_i32_0 : i32, i32
  }
  func.func @transform_26(%arg0: i32) -> (i32, i32) {
    %c0_i32 = arith.constant 0 : i32
    %c0_i32_0 = arith.constant 0 : i32
    %c0_i32_1 = arith.constant 0 : i32
    return %c0_i32, %c0_i32_0 : i32, i32
  }
  func.func @transform_27(%arg0: i32) -> (i32, i32) {
    %c0_i32 = arith.constant 0 : i32
    %c0_i32_0 = arith.constant 0 : i32
    %c0_i32_1 = arith.constant 0 : i32
    return %c0_i32, %c0_i32_0 : i32, i32
  }
  func.func @transform_28(%arg0: i32) -> (i32, i32) {
    %c0_i32 = arith.constant 0 : i32
    %c0_i32_0 = arith.constant 0 : i32
    %c0_i32_1 = arith.constant 0 : i32
    return %c0_i32, %c0_i32_0 : i32, i32
  }
  func.func @transform_29(%arg0: i32) -> (i32, i32) {
    %c0_i32 = arith.constant 0 : i32
    %c0_i32_0 = arith.constant 0 : i32
    %c0_i32_1 = arith.constant 0 : i32
    return %c0_i32, %c0_i32_0 : i32, i32
  }
  func.func @transform_30(%arg0: i32) -> (i32, i32) {
    %c0_i32 = arith.constant 0 : i32
    %c0_i32_0 = arith.constant 0 : i32
    %c0_i32_1 = arith.constant 0 : i32
    return %c0_i32, %c0_i32_0 : i32, i32
  }
  func.func @transform_31(%arg0: i32) -> (i32, i32) {
    %c0_i32 = arith.constant 0 : i32
    %c0_i32_0 = arith.constant 0 : i32
    %c0_i32_1 = arith.constant 0 : i32
    return %c0_i32, %c0_i32_0 : i32, i32
  }
  func.func @transform_32(%arg0: i32) -> (i32, i32) {
    %c0_i32 = arith.constant 0 : i32
    %c0_i32_0 = arith.constant 0 : i32
    %c0_i32_1 = arith.constant 0 : i32
    return %c0_i32, %c0_i32_0 : i32, i32
  }
  func.func @transform_33(%arg0: i32) -> (i32, i32) {
    %c0_i32 = arith.constant 0 : i32
    %c0_i32_0 = arith.constant 0 : i32
    %c0_i32_1 = arith.constant 0 : i32
    return %c0_i32, %c0_i32_0 : i32, i32
  }
  func.func @transform_34(%arg0: i32) -> (i32, i32) {
    %c0_i32 = arith.constant 0 : i32
    %c0_i32_0 = arith.constant 0 : i32
    %c0_i32_1 = arith.constant 0 : i32
    return %c0_i32, %c0_i32_0 : i32, i32
  }
  func.func @transform_35(%arg0: i32) -> (i32, i32) {
    %c0_i32 = arith.constant 0 : i32
    %c0_i32_0 = arith.constant 0 : i32
    %c0_i32_1 = arith.constant 0 : i32
    return %c0_i32, %c0_i32_0 : i32, i32
  }
  func.func @transform_36(%arg0: i32) -> (i32, i32) {
    %c0_i32 = arith.constant 0 : i32
    %c0_i32_0 = arith.constant 0 : i32
    %c0_i32_1 = arith.constant 0 : i32
    return %c0_i32, %c0_i32_0 : i32, i32
  }
  func.func @transform_37(%arg0: i32) -> (i32, i32) {
    %c0_i32 = arith.constant 0 : i32
    %c0_i32_0 = arith.constant 0 : i32
    %c0_i32_1 = arith.constant 0 : i32
    return %c0_i32, %c0_i32_0 : i32, i32
  }
  func.func @transform_38(%arg0: i32) -> (i32, i32) {
    %c0_i32 = arith.constant 0 : i32
    %c0_i32_0 = arith.constant 0 : i32
    %c0_i32_1 = arith.constant 0 : i32
    return %c0_i32, %c0_i32_0 : i32, i32
  }
  func.func @transform_39(%arg0: i32) -> (i32, i32) {
    %c0_i32 = arith.constant 0 : i32
    %c0_i32_0 = arith.constant 0 : i32
    %c0_i32_1 = arith.constant 0 : i32
    return %c0_i32, %c0_i32_0 : i32, i32
  }
  func.func @transform_40(%arg0: i32) -> (i32, i32) {
    %c0_i32 = arith.constant 0 : i32
    %c0_i32_0 = arith.constant 0 : i32
    %c0_i32_1 = arith.constant 0 : i32
    return %c0_i32, %c0_i32_0 : i32, i32
  }
  func.func @transform_41(%arg0: i32) -> (i32, i32) {
    %c0_i32 = arith.constant 0 : i32
    %c0_i32_0 = arith.constant 0 : i32
    %c0_i32_1 = arith.constant 0 : i32
    return %c0_i32, %c0_i32_0 : i32, i32
  }
  func.func @transform_42(%arg0: i32) -> (i32, i32) {
    %c0_i32 = arith.constant 0 : i32
    %c0_i32_0 = arith.constant 0 : i32
    %c0_i32_1 = arith.constant 0 : i32
    return %c0_i32, %c0_i32_0 : i32, i32
  }
  func.func @transform_43(%arg0: i32) -> (i32, i32) {
    %c0_i32 = arith.constant 0 : i32
    %c0_i32_0 = arith.constant 0 : i32
    %c0_i32_1 = arith.constant 0 : i32
    return %c0_i32, %c0_i32_0 : i32, i32
  }
  func.func @transform_44(%arg0: i32) -> (i32, i32) {
    %c0_i32 = arith.constant 0 : i32
    %c0_i32_0 = arith.constant 0 : i32
    %c0_i32_1 = arith.constant 0 : i32
    return %c0_i32, %c0_i32_0 : i32, i32
  }
  func.func @transform_45(%arg0: i32) -> (i32, i32) {
    %c0_i32 = arith.constant 0 : i32
    %c0_i32_0 = arith.constant 0 : i32
    return %arg0, %c0_i32 : i32, i32
  }
}

</mosaic_0001>

<sc_bundles>
// kernel: kernel.11.cloned.1.call-start
scs
__scs_entry_jumppad:
0x0: {  	(pc) =	sbr.rel $0x88, $3  }
0x1: {  	(tag) =	ssettag $0x0;
	lr =	simm.s32 $0x1  }
0x2: {  	[smem:$0x3F29] =	sst lr;
	_ =	strace $0xD0000000  }
0x3: {  	_ = 	snop  }
0x4: {  	_ = 	snop  }
0x5: {  	_ = 	snop  }
0x6: {  	_ = 	snop  }
0x7: {  	_ = 	snop  }
__scs_overlays_trampoline_lowered:
0x8: {  	[smem:$0x3F38] =	sst s0  }
0x9: {  	[smem:$0x3F39] =	sst s1  }
0xa: {  	[smem:$0x3F3A] =	sst s2  }
0xb: {  	[smem:$0x3F3B] =	sst s3  }
0xc: {  	[smem:$0x3F3C] =	sst s4  }
0xd: {  	[smem:$0x3F3D] =	sst s5  }
0xe: {  	[smem:$0x3F3E] =	sst s6  }
0xf: {  	[smem:$0x3F3F] =	sst s7  }
0x10: {  	[smem:$0x3F40] =	sst s8  }
0x11: {  	[smem:$0x3F41] =	sst s9;
	s0 =	simm.s32 @!p0 $0x0  }
0x12: {  	s1 =	sld [smem:$0x3F27];
	s0 =	simm.s32 @p0 $0x1  }
0x13: {  	[smem:$0x3F42] =	sst s0;
	s0 =	simm.s32 @!p1 $0x0  }
0x14: {  	s2 =	sld [smem:$0x3F26];
	s0 =	simm.s32 @p1 $0x1  }
0x15: {  	[smem:$0x3F43] =	sst s0;
	s0 =	simm.s32 @!p2 $0x0  }
0x16: {  	s3 =	sld [smem:$0x3FDB];
	s0 =	simm.s32 @p2 $0x1  }
0x17: {  	s4 =	simm.s32 $0x1BF5;
	[smem:$0x3F45] =	sst s0  }
0x18: {  	s0 =	sld [smem:$0x3F28];
	_ =	swait.ge [sflag:s4], $0x0  }
0x19: {  	s7 =	sld [smem:$0x3F29]  }
0x1a: {  	s8 =	sadd.s32 $0xFFFFE003, lr  }
0x1b: {  	s9 =	sadd.s32 $0xFFFFFEF7, lr;
	s5 =	simm.s32 $0xFFFFFFFF;
	p2 =	slt.u32 s8, $0xFFFFF086  }
0x1c: {  	p1 =	slt.u32 s9, $0xF7A;
	s5 =	simm.s32 @!p2 $0x0  }
0x1d: {  	s5 =	simm.s32 @p1 $0x1;
	p0 =	seq.s32 s7, s2  }
0x1e: {  	s7 =	smul.u32 @!p0 $0xF7A, s2;
	p2 =	seq.s32 @!p0 s5, $0x0  }
0x1f: {  	s9 =	smul.u32 $0xF7A, s1;
	s8 =	simm.s32 @!p0 $0x1BF5;
	p2 =	por !p2, p0  }
0x20: {  	[sflag:s8] =	ssyncset.s32 @!p0 $0xFFFFF086;
	s6 =	sadd.s32 @!p0 s3, s7;
	s7 =	simm.s32 @!p0 $0x108  }
0x21: {  	s3 =	sadd.s32 s3, s9;
	s6 =	sadd.s32 @!p0 $0x88, s6;
	s7 =	simm.s32 @p2 $0x1082  }
0x22: {  	[simem:s7], [sflag:s8] =	dma.local @!p0 [hbm:s6], $0xF7A  }
0x23: {  	s9 =	sor.u32 $0xD0000000, s2;
	s6 =	simm.s32 $0x108;
	_ =	swait.ge @!p0 [sflag:s8], $0x0  }
0x24: {  	s3 =	sadd.s32 $0x88, s3;
	s6 =	simm.s32 @!p1 $0x1082;
	[sflag:s4] =	ssyncset.s32 $0xFFFFF086  }
0x25: {  	[simem:s6], [sflag:s4] =	dma.local [hbm:s3], $0xF7A  }
0x26: {  	[smem:$0x3F29] =	sst s1;
	(tag) =	ssettag s2;
	_ =	strace s9  }
0x27: {  	s1 =	sld [smem:$0x3F39]  }
0x28: {  	s2 =	sld [smem:$0x3F3A]  }
0x29: {  	s4 =	sld [smem:$0x3F3C]  }
0x2a: {  	p0 =	seq.s32 s5, $0x0;
	s5 =	sld [smem:$0x3F3D]  }
0x2b: {  	s6 =	sld [smem:$0x3F3E]  }
0x2c: {  	s7 =	sld [smem:$0x3F3F]  }
0x2d: {  	s3 =	simm.s32 $0x108;
	s8 =	sld [smem:$0x3F40]  }
0x2e: {  	s3 =	simm.s32 @!p0 $0x1082;
	s9 =	sld [smem:$0x3F41]  }
0x2f: {  	lr =	sadd.s32 s0, s3;
	s0 =	sld [smem:$0x3F38]  }
0x30: {  	s3 =	sld [smem:$0x3F3B]  }
0x31: {  	[smem:$0x3F44] =	sst s10  }
0x32: {  	s10 =	sld [smem:$0x3F42];
	_ =	sdelay $0x3  }
0x33: {  	p0 =	seq.s32 s10, $0x1;
	s10 =	sld [smem:$0x3F44];
	_ =	sdelay $0x3  }
0x34: {  	[smem:$0x3F44] =	sst s10  }
0x35: {  	s10 =	sld [smem:$0x3F43];
	_ =	sdelay $0x3  }
0x36: {  	p1 =	seq.s32 s10, $0x1;
	s10 =	sld [smem:$0x3F44];
	_ =	sdelay $0x3  }
0x37: {  	[smem:$0x3F44] =	sst s10  }
0x38: {  	s10 =	sld [smem:$0x3F45]  }
0x39: {  	_ = 	snop;
	(pc) =	sbr.ind lr, $3  }
0x3a: {  	_ = 	snop  }
0x3b: {  	_ = 	snop  }
0x3c: {  	p2 =	seq.s32 s10, $0x1;
	s10 =	sld [smem:$0x3F44]  }
0x3d: {  	_ =	shalt  }
0x3e: {  	_ =	shalt  }
0x3f: {  	_ =	shalt  }
0x40: {  	_ =	shalt  }
0x41: {  	_ =	shalt  }
0x42: {  	_ =	shalt  }
0x43: {  	_ =	shalt  }
0x44: {  	_ =	shalt  }
0x45: {  	_ =	shalt  }
0x46: {  	_ =	shalt  }
0x47: {  	_ =	shalt  }
0x48: {  	_ =	shalt  }
0x49: {  	_ =	shalt  }
0x4a: {  	_ =	shalt  }
0x4b: {  	_ =	shalt  }
0x4c: {  	_ =	shalt  }
0x4d: {  	_ =	shalt  }
0x4e: {  	_ =	shalt  }
0x4f: {  	_ =	shalt  }
0x50: {  	_ =	shalt  }
0x51: {  	_ =	shalt  }
0x52: {  	_ =	shalt  }
0x53: {  	_ =	shalt  }
0x54: {  	_ =	shalt  }
0x55: {  	_ =	shalt  }
0x56: {  	_ =	shalt  }
0x57: {  	_ =	shalt  }
0x58: {  	_ =	shalt  }
0x59: {  	_ =	shalt  }
0x5a: {  	_ =	shalt  }
0x5b: {  	_ =	shalt  }
0x5c: {  	_ =	shalt  }
0x5d: {  	_ =	shalt  }
0x5e: {  	_ =	shalt  }
0x5f: {  	_ =	shalt  }
0x60: {  	_ =	shalt  }
0x61: {  	_ =	shalt  }
0x62: {  	_ =	shalt  }
0x63: {  	_ =	shalt  }
0x64: {  	_ =	shalt  }
0x65: {  	_ =	shalt  }
0x66: {  	_ =	shalt  }
0x67: {  	_ =	shalt  }
0x68: {  	_ =	shalt  }
0x69: {  	_ =	shalt  }
0x6a: {  	_ =	shalt  }
0x6b: {  	_ =	shalt  }
0x6c: {  	_ =	shalt  }
0x6d: {  	_ =	shalt  }
0x6e: {  	_ =	shalt  }
0x6f: {  	_ =	shalt  }
0x70: {  	_ =	shalt  }
0x71: {  	_ =	shalt  }
0x72: {  	_ =	shalt  }
0x73: {  	_ =	shalt  }
0x74: {  	_ =	shalt  }
0x75: {  	_ =	shalt  }
0x76: {  	_ =	shalt  }
0x77: {  	_ =	shalt  }
0x78: {  	_ =	shalt  }
0x79: {  	_ =	shalt  }
0x7a: {  	_ =	shalt  }
0x7b: {  	_ =	shalt  }
0x7c: {  	_ =	shalt  }
0x7d: {  	_ =	shalt  }
0x7e: {  	_ =	shalt  }
0x7f: {  	_ =	shalt  }
0x80: {  	_ =	shalt  }
0x81: {  	_ =	shalt  }
0x82: {  	_ =	shalt  }
0x83: {  	_ =	shalt  }
0x84: {  	_ =	shalt  }
0x85: {  	_ =	shalt  }
0x86: {  	_ =	shalt  }
0x87: {  	_ =	shalt  }
.Lfunc_end0:
.L_simem_size_0:
called_computation_lowered:
.L_overlay_start_0:
0x88: {  	s2 =	sld [smem:$0x3FD9]  }
0x89: {  	s3 =	sld [smem:$0x3FFE];
	_ =	sdelay $0x1  }
0x8a: {  	s1 =	srdreg.scid  }
0x8b: {  	s0 =	sand.u32 $0x1, s1  }
0x8c: {  	s14 =	sshll.u32 s0, $0xA;
	s2 =	sadd.s32 s3, s2  }
0x8d: {  	s2 =	sadd.s32 s2, s14  }
0x8e: {  	[smem:$0x3F50] =	sst s2  }
0x8f: {  	_ = 	snop  }
0x90: {  	s2 =	sld [smem:$0x3FD0];
	_ =	sdelay $0x2  }
0x91: {  	s15 =	simm.s32 $0xA;
	s4 =	simm.s32 $0x10  }
0x92: {  	[smem:s4], [sflag:s15] =	dma.local [hbm:s2], $0x1  }
0x93: {  	_ =	swait.eq [sflag:s15], $0x1  }
0x94: {  	[sflag:s15] =	ssyncset.done $0x0  }
0x95: {  	[sflag:s15] =	ssyncadd.s32 $0xFFFFFFFF  }
0x96: {  	s16 =	sld [smem:$0x11];
	(tm) =	ssettm $0x1  }
0x97: {  	s17 =	sld [smem:$0x3FFB];
	_ =	sdelay $0x3  }
0x98: {  	_ =	strace s17  }
0x99: {  	s3 =	sld [smem:$0x3FFC];
	_ =	sdelay $0x3  }
0x9a: {  	_ =	strace s3  }
0x9b: {  	s3 =	sld [smem:$0x3FFD];
	_ =	sdelay $0x3  }
0x9c: {  	_ =	strace s3  }
0x9d: {  	_ =	strace $0x8FFFFFFF  }
0x9e: {  	s18 =	sld [smem:$0x3FDB];
	_ =	sdelay $0x1  }
0x9f: {  	s19 =	simm.s32 $_scs_section_size  }
0xa0: {  	s5 =	simm.s32 $_size__tile_overlayer_lowered;
	s6 =	simm.s32 $_tile_overlayer_lowered  }
0xa1: {  	s22 =	simm.s32 $0x1BFF;
	s21 =	sshll.u32 s6, $0x1;
	s3 =	sadd.s32 s19, s18  }
0xa2: {  	s7 =	simm.s32 $0x0;
	s20 =	sshll.u32 s5, $0x1;
	s5 =	sadd.s32 s21, s3  }
0xa3: {  	[timem:s7], [sflag:s22] =	dma.local [hbm:s5], s20  }
0xa4: {  	_ =	swait.ge [sflag:s22], s20  }
0xa5: {  	s4 =	ssub.s32 $0x0, s20;
	[sflag:s22] =	ssyncset.done $0x0  }
0xa6: {  	[sflag:s22] =	ssyncadd.s32 s4;
	_ =	sdelay $0x1  }
0xa7: {  	s23 =	simm.s32 $0x1B8B  }
0xa8: {  	_ =	swait.ge [sflag:s23], $0x1  }
0xa9: {  	[sflag:s23] =	ssyncset.done $0x0  }
0xaa: {  	s25 =	simm.s32 $0x1B8E;
	s24 =	sld [smem:$0x3FFE];
	[sflag:s23] =	ssyncadd.s32 $0xFFFFFFFF  }
0xab: {  	s26 =	simm.s32 $execute0_lowered;
	[smem:$0x3FD2] =	sst s25  }
0xac: {  	s5 =	sshll.u32 s26, $0x1;
	_ =	strace $0x80000046;
	[dreg:$0x1] =	wrdreg $0xFFFFFFFF  }
0xad: {  	s28 =	simm.s32 $_size_execute0_lowered;
	s3 =	sadd.s32 s3, s5;
	[dreg:$0x0] =	wrdreg $0x0  }
0xae: {  	s5 =	sshll.u32 s28, $0x1;
	[dreg:$0x2] =	wrdreg s3  }
0xaf: {  	[dreg:$0x3] =	wrdreg s5  }
0xb0: {  	[dreg:$0x4] =	wrdreg $0xC0  }
0xb1: {  	_ =	task [dreg:s7], $0x5FFFF  }
0xb2: {  	[dreg:$0x1] =	wrdreg $0xFFFFFFFF  }
0xb3: {  	[dreg:$0x0] =	wrdreg $0x60  }
0xb4: {  	[dreg:$0x2] =	wrdreg s24  }
0xb5: {  	[dreg:$0x3] =	wrdreg s16  }
0xb6: {  	[dreg:$0x4] =	wrdreg $0x9  }
0xb7: {  	_ =	task.clear_ibuf [dreg:s7], $0x5FFFF;
	_ =	strace $0x90000046  }
0xb8: {  	s29 =	simm.s32 $0x9;
	_ =	strace $0x80000048  }
0xb9: {  	_ =	swait.ge [sflag:s29], $0x1  }
0xba: {  	[sflag:s29] =	ssyncadd.s32 $0xFFFFFFFF  }
0xbb: {  	_ =	strace $0x90000048  }
0xbc: {  	_ =	sfence  }
0xbd: {  	s30 =	sld [smem:$0x0];
	_ =	sdelay $0x2  }
0xbe: {  	s31 =	sshll.u32 s1, $0xD;
	s1 =	sshrl.u32 s1, $0x2  }
0xbf: {  	s3 =	sand.u32 $0x4000, s31;
	s1 =	sadd.s32 s1, s30  }
0xc0: {  	s0 =	sor.u32 s3, s0;
	s1 =	sshll.u32 s1, $0x11  }
0xc1: {  	s0 =	sor.u32 s1, s0  }
0xc2: {  	s0 =	sadd.s32 $0x8F2B, s0  }
0xc3: {  	[sflag:s0] =	ssyncadd.remote.s32 $0x1  }
0xc4: {  	_ =	sfence.sel $0xFFFF  }
0xc5: {  	[dreg:$0x0] =	wrdreg $0xFFFFFFFF;
	(pc) =	sbr.abs _section_cstart, $3  }
0xc6: {  	[dreg:$0x1] =	wrdreg $0xFFFFFFFF  }
0xc7: {  	_ =	task.clear_ibuf [dreg:s7], $0x2FFFF;
	_ =	strace $0x9FFFFFFF  }
0xc8: {  	(tm) =	ssettm $0x7FFFFFFF  }
0xc9: {  	_ =	shalt  }
tec
execute0_lowered:
.L_overlay_start_1:
0x0: {  	(tag) =	ssettag $0x1  }
0x1: {  	s4 =	rddreg [dreg:$0x0]  }
0x2: {  	s5 =	rddreg [dreg:$0x1]  }
0x3: {  	s0 =	rddreg [dreg:$0x2]  }
0x4: {  	s1 =	stileid.u32;
	s3 =	srdreg.scid  }
0x5: {  	s2 =	simm.s32 $0x0;
	s11 =	simm.s32 $0x0;
	s6 =	sand.u32 $0x1, s3  }
0x6: {  	s30 =	sshll.u32 s1, $0x1;
	[smem:$0x7FF] =	sst s2;
	s7 =	smul.u32 $0x5A000, s1  }
0x7: {  	s3 =	sor.u32 s6, s30;
	s8 =	ssub.s32 $0x2, s6;
	s6 =	smul.u32 $0x2D000, s6  }
0x8: {  	_ =	strace $0x80000047;
	s9 =	smul.u32 $0x1E00, s3;
	s10 =	sshrl.u32 s8, $0x1  }
0x9: {  	s3 =	sadd.s32 $0x54400, s4;
	s7 =	sadd.s32 s7, s4;
	s8 =	ssub.s32 s8, s10  }
0xa: {  	s6 =	sadd.s32 s6, s7;
	s7 =	simm.s32 $0x2;
	s10 =	simm.s32 $0x1  }
0xb: {  	s31 =	sshrl.u32 s9, $0x3;
	s6 =	sadd.s32 $0x84400, s6;
	s9 =	simm.s32 $0x1E00  }
0xc: {  	s4 =	sadd.s32 s5, s31;
	s5 =	smax.u32 s8, $0x1;
	s8 =	simm.s32 $0x80  }
.LBB2_1:
0xd: {  	[tilespmem:s2], [sflag:$0x2] =	stream.linear.gather [hbm4b:s4+s2], $0x1E00, $0x38;
	[tilespmem:$0x7E00] =	vst v63  }
0xe: {  	_ =	swait.ge [sflag:s7], $0x1E00  }
0xf: {  	[sflag:s7] =	ssyncset.done $0x0  }
0x10: {  	s12 =	simm.s32 $0x0;
	[sflag:s7] =	ssyncadd.s32 $0xFFFFE200  }
0x11: {  	[tilespmem:s9], [sflag:$0x1] =	stream.indirect.gather [hbm4b:s3+s8], $0xC0, s12, s8, $0xb8;
	[tilespmem:$0x7E00] =	vst v63  }
0x12: {  	_ =	swait.ge [sflag:s10], $0x6000  }
0x13: {  	[sflag:s10] =	ssyncset.done $0x0  }
0x14: {  	[sflag:s10] =	ssyncadd.s32 $0xFFFFA000  }
0x15: {  	[hbm4b:s6+s2] =	stream.linear.scatter [tilespmem:s9], [sflag:$0x2], $0x6000, $0x38;
	[tilespmem:$0x7E00] =	vst v63  }
0x16: {  	s13 =	simm.s32 $0x200;
	_ =	swait.ge [sflag:s7], $0x6000  }
0x17: {  	s14 =	simm.s32 $0x400;
	s12 =	sadd.s32 $0xC00, s6;
	[sflag:s7] =	ssyncset.done $0x0  }
.LBB2_2:
0x18: {  	s15 =	sshra.s32 s13, $0x2  }
0x19: {  	[sflag:s7] =	ssyncadd.s32 $0xFFFFA000;
	s13 =	smov.u32 s14;
	s16 =	sadd.s32 $0x200, s14  }
0x1a: {  	[tilespmem:s9], [sflag:$0x1] =	stream.indirect.gather [hbm4b:s3+s8], $0xC0, s15, s8, $0xb8;
	[tilespmem:$0x7E00] =	vst v63  }
0x1b: {  	p0 =	sne.s32 s14, $0x7600;
	_ =	swait.ge [sflag:s10], $0x6000  }
.Ltmp0:
0x1c: {  	[sflag:s10] =	ssyncset.done $0x0;
	(pc) =	sbr.rel @p0 .LBB2_2-.Ltmp0, $4  }
0x1d: {  	[sflag:s10] =	ssyncadd.s32 $0xFFFFA000  }
0x1e: {  	[hbm4b:s12+s2] =	stream.linear.scatter [tilespmem:s9], [sflag:$0x2], $0x6000, $0x38;
	[tilespmem:$0x7E00] =	vst v63  }
0x1f: {  	_ =	swait.ge [sflag:s7], $0x6000  }
0x20: {  	s14 =	smov.u32 s16;
	s12 =	sadd.s32 $0xC00, s12;
	[sflag:s7] =	ssyncset.done $0x0  }
0x21: {  	s13 =	sshra.s32 s13, $0x2;
	[sflag:s7] =	ssyncadd.s32 $0xFFFFA000  }
0x22: {  	[tilespmem:s9], [sflag:$0x1] =	stream.indirect.gather [hbm4b:s3+s8], $0xC0, s13, s8, $0xb8;
	[tilespmem:$0x7E00] =	vst v63  }
0x23: {  	s11 =	sadd.s32 $0x1, s11;
	_ =	swait.ge [sflag:s10], $0x6000  }
0x24: {  	p0 =	sne.s32 s11, s5;
	[sflag:s10] =	ssyncset.done $0x0  }
.Ltmp1:
0x25: {  	[sflag:s10] =	ssyncadd.s32 $0xFFFFA000;
	(pc) =	sbr.rel @p0 .LBB2_1-.Ltmp1, $4  }
0x26: {  	[hbm4b:s12+s2] =	stream.linear.scatter [tilespmem:s9], [sflag:$0x2], $0x6000, $0x38;
	[tilespmem:$0x7E00] =	vst v63  }
0x27: {  	_ =	swait.ge [sflag:s7], $0x6000  }
0x28: {  	[sflag:s7] =	ssyncset.done $0x0  }
0x29: {  	[sflag:s7] =	ssyncadd.s32 $0xFFFFA000  }
0x2a: {  	_ =	sfence.sel $0x180000  }
0x2b: {  	[bflag:$0x0] =	sbarrier.arrive $0xFFFF  }
0x2c: {  	p0 =	sne.s32 s1, $0x0;
	_ =	strace $0x90000047  }
0x2d: {  	s0 =	sadd.s32 @!p0 $0x100000, s0;
	[bflag:$0x2] =	sbarrier.arrive $0xFFFF  }
0x2e: {  	[sflag:s0] =	ssyncadd.tile.s32 @!p0 $0x1;
	_ =	shalt  }
.Lfunc_end2:
_tile_overlayer_lowered:
.L_overlay_start_2:
0x2f: {  	(tag) =	ssettag $0x2  }
0x30: {  	s0 =	rddreg [dreg:$0x0];
	s2 =	stileid.u32  }
0x31: {  	s1 =	rddreg [dreg:$0x1];
	p0 =	sne.s32 s2, $0x0  }
0x32: {  	s3 =	rddreg [dreg:$0x2];
	[bflag:$0x3] =	sbarrier.arrive $0xFFFF;
	s2 =	simm.s32 @!p0 $0x1C02  }
0x33: {  	[timem:s3], [sflag:s2] =	dma.local @!p0 [hbm:s0], s1  }
0x34: {  	s0 =	simm.s32 @!p0 $0x2  }
0x35: {  	_ =	swait.ge @!p0 [sflag:s0], s1  }
0x36: {  	s1 =	ssub.s32 @!p0 $0x0, s1;
	[sflag:s0] =	ssyncset.done @!p0 $0x0  }
0x37: {  	[sflag:s0] =	ssyncadd.s32 @!p0 s1  }
0x38: {  	[bflag:$0x3] =	sbarrier.arrive $0xFFFF  }
0x39: {  	_ =	shalt  }

// kernel: kernel.14.cloned.1.call-start
scs
__scs_entry_jumppad:
0x0: {  	(pc) =	sbr.rel $0x88, $3  }
0x1: {  	(tag) =	ssettag $0x0;
	lr =	simm.s32 $0x1  }
0x2: {  	[smem:$0x3F29] =	sst lr;
	_ =	strace $0xD0000000  }
0x3: {  	_ = 	snop  }
0x4: {  	_ = 	snop  }
0x5: {  	_ = 	snop  }
0x6: {  	_ = 	snop  }
0x7: {  	_ = 	snop  }
__scs_overlays_trampoline_lowered:
0x8: {  	[smem:$0x3F38] =	sst s0  }
0x9: {  	[smem:$0x3F39] =	sst s1  }
0xa: {  	[smem:$0x3F3A] =	sst s2  }
0xb: {  	[smem:$0x3F3B] =	sst s3  }
0xc: {  	[smem:$0x3F3C] =	sst s4  }
0xd: {  	[smem:$0x3F3D] =	sst s5  }
0xe: {  	[smem:$0x3F3E] =	sst s6  }
0xf: {  	[smem:$0x3F3F] =	sst s7  }
0x10: {  	[smem:$0x3F40] =	sst s8  }
0x11: {  	[smem:$0x3F41] =	sst s9;
	s0 =	simm.s32 @!p0 $0x0  }
0x12: {  	s1 =	sld [smem:$0x3F27];
	s0 =	simm.s32 @p0 $0x1  }
0x13: {  	[smem:$0x3F42] =	sst s0;
	s0 =	simm.s32 @!p1 $0x0  }
0x14: {  	s2 =	sld [smem:$0x3F26];
	s0 =	simm.s32 @p1 $0x1  }
0x15: {  	[smem:$0x3F43] =	sst s0;
	s0 =	simm.s32 @!p2 $0x0  }
0x16: {  	s3 =	sld [smem:$0x3FDB];
	s0 =	simm.s32 @p2 $0x1  }
0x17: {  	s4 =	simm.s32 $0x1BF5;
	[smem:$0x3F45] =	sst s0  }
0x18: {  	s0 =	sld [smem:$0x3F28];
	_ =	swait.ge [sflag:s4], $0x0  }
0x19: {  	s7 =	sld [smem:$0x3F29]  }
0x1a: {  	s8 =	sadd.s32 $0xFFFFE003, lr  }
0x1b: {  	s9 =	sadd.s32 $0xFFFFFEF7, lr;
	s5 =	simm.s32 $0xFFFFFFFF;
	p2 =	slt.u32 s8, $0xFFFFF086  }
0x1c: {  	p1 =	slt.u32 s9, $0xF7A;
	s5 =	simm.s32 @!p2 $0x0  }
0x1d: {  	s5 =	simm.s32 @p1 $0x1;
	p0 =	seq.s32 s7, s2  }
0x1e: {  	s7 =	smul.u32 @!p0 $0xF7A, s2;
	p2 =	seq.s32 @!p0 s5, $0x0  }
0x1f: {  	s9 =	smul.u32 $0xF7A, s1;
	s8 =	simm.s32 @!p0 $0x1BF5;
	p2 =	por !p2, p0  }
0x20: {  	[sflag:s8] =	ssyncset.s32 @!p0 $0xFFFFF086;
	s6 =	sadd.s32 @!p0 s3, s7;
	s7 =	simm.s32 @!p0 $0x108  }
0x21: {  	s3 =	sadd.s32 s3, s9;
	s6 =	sadd.s32 @!p0 $0x88, s6;
	s7 =	simm.s32 @p2 $0x1082  }
0x22: {  	[simem:s7], [sflag:s8] =	dma.local @!p0 [hbm:s6], $0xF7A  }
0x23: {  	s9 =	sor.u32 $0xD0000000, s2;
	s6 =	simm.s32 $0x108;
	_ =	swait.ge @!p0 [sflag:s8], $0x0  }
0x24: {  	s3 =	sadd.s32 $0x88, s3;
	s6 =	simm.s32 @!p1 $0x1082;
	[sflag:s4] =	ssyncset.s32 $0xFFFFF086  }
0x25: {  	[simem:s6], [sflag:s4] =	dma.local [hbm:s3], $0xF7A  }
0x26: {  	[smem:$0x3F29] =	sst s1;
	(tag) =	ssettag s2;
	_ =	strace s9  }
0x27: {  	s1 =	sld [smem:$0x3F39]  }
0x28: {  	s2 =	sld [smem:$0x3F3A]  }
0x29: {  	s4 =	sld [smem:$0x3F3C]  }
0x2a: {  	p0 =	seq.s32 s5, $0x0;
	s5 =	sld [smem:$0x3F3D]  }
0x2b: {  	s6 =	sld [smem:$0x3F3E]  }
0x2c: {  	s7 =	sld [smem:$0x3F3F]  }
0x2d: {  	s3 =	simm.s32 $0x108;
	s8 =	sld [smem:$0x3F40]  }
0x2e: {  	s3 =	simm.s32 @!p0 $0x1082;
	s9 =	sld [smem:$0x3F41]  }
0x2f: {  	lr =	sadd.s32 s0, s3;
	s0 =	sld [smem:$0x3F38]  }
0x30: {  	s3 =	sld [smem:$0x3F3B]  }
0x31: {  	[smem:$0x3F44] =	sst s10  }
0x32: {  	s10 =	sld [smem:$0x3F42];
	_ =	sdelay $0x3  }
0x33: {  	p0 =	seq.s32 s10, $0x1;
	s10 =	sld [smem:$0x3F44];
	_ =	sdelay $0x3  }
0x34: {  	[smem:$0x3F44] =	sst s10  }
0x35: {  	s10 =	sld [smem:$0x3F43];
	_ =	sdelay $0x3  }
0x36: {  	p1 =	seq.s32 s10, $0x1;
	s10 =	sld [smem:$0x3F44];
	_ =	sdelay $0x3  }
0x37: {  	[smem:$0x3F44] =	sst s10  }
0x38: {  	s10 =	sld [smem:$0x3F45]  }
0x39: {  	_ = 	snop;
	(pc) =	sbr.ind lr, $3  }
0x3a: {  	_ = 	snop  }
0x3b: {  	_ = 	snop  }
0x3c: {  	p2 =	seq.s32 s10, $0x1;
	s10 =	sld [smem:$0x3F44]  }
0x3d: {  	_ =	shalt  }
0x3e: {  	_ =	shalt  }
0x3f: {  	_ =	shalt  }
0x40: {  	_ =	shalt  }
0x41: {  	_ =	shalt  }
0x42: {  	_ =	shalt  }
0x43: {  	_ =	shalt  }
0x44: {  	_ =	shalt  }
0x45: {  	_ =	shalt  }
0x46: {  	_ =	shalt  }
0x47: {  	_ =	shalt  }
0x48: {  	_ =	shalt  }
0x49: {  	_ =	shalt  }
0x4a: {  	_ =	shalt  }
0x4b: {  	_ =	shalt  }
0x4c: {  	_ =	shalt  }
0x4d: {  	_ =	shalt  }
0x4e: {  	_ =	shalt  }
0x4f: {  	_ =	shalt  }
0x50: {  	_ =	shalt  }
0x51: {  	_ =	shalt  }
0x52: {  	_ =	shalt  }
0x53: {  	_ =	shalt  }
0x54: {  	_ =	shalt  }
0x55: {  	_ =	shalt  }
0x56: {  	_ =	shalt  }
0x57: {  	_ =	shalt  }
0x58: {  	_ =	shalt  }
0x59: {  	_ =	shalt  }
0x5a: {  	_ =	shalt  }
0x5b: {  	_ =	shalt  }
0x5c: {  	_ =	shalt  }
0x5d: {  	_ =	shalt  }
0x5e: {  	_ =	shalt  }
0x5f: {  	_ =	shalt  }
0x60: {  	_ =	shalt  }
0x61: {  	_ =	shalt  }
0x62: {  	_ =	shalt  }
0x63: {  	_ =	shalt  }
0x64: {  	_ =	shalt  }
0x65: {  	_ =	shalt  }
0x66: {  	_ =	shalt  }
0x67: {  	_ =	shalt  }
0x68: {  	_ =	shalt  }
0x69: {  	_ =	shalt  }
0x6a: {  	_ =	shalt  }
0x6b: {  	_ =	shalt  }
0x6c: {  	_ =	shalt  }
0x6d: {  	_ =	shalt  }
0x6e: {  	_ =	shalt  }
0x6f: {  	_ =	shalt  }
0x70: {  	_ =	shalt  }
0x71: {  	_ =	shalt  }
0x72: {  	_ =	shalt  }
0x73: {  	_ =	shalt  }
0x74: {  	_ =	shalt  }
0x75: {  	_ =	shalt  }
0x76: {  	_ =	shalt  }
0x77: {  	_ =	shalt  }
0x78: {  	_ =	shalt  }
0x79: {  	_ =	shalt  }
0x7a: {  	_ =	shalt  }
0x7b: {  	_ =	shalt  }
0x7c: {  	_ =	shalt  }
0x7d: {  	_ =	shalt  }
0x7e: {  	_ =	shalt  }
0x7f: {  	_ =	shalt  }
0x80: {  	_ =	shalt  }
0x81: {  	_ =	shalt  }
0x82: {  	_ =	shalt  }
0x83: {  	_ =	shalt  }
0x84: {  	_ =	shalt  }
0x85: {  	_ =	shalt  }
0x86: {  	_ =	shalt  }
0x87: {  	_ =	shalt  }
.Lfunc_end0:
.L_simem_size_0:
called_computation.1_lowered:
.L_overlay_start_0:
0x88: {  	s2 =	sld [smem:$0x3FD9]  }
0x89: {  	s3 =	sld [smem:$0x3FFE];
	_ =	sdelay $0x1  }
0x8a: {  	s1 =	srdreg.scid  }
0x8b: {  	s0 =	sand.u32 $0x1, s1  }
0x8c: {  	s14 =	sshll.u32 s0, $0xA;
	s2 =	sadd.s32 s3, s2  }
0x8d: {  	s2 =	sadd.s32 s2, s14  }
0x8e: {  	[smem:$0x3F50] =	sst s2  }
0x8f: {  	_ = 	snop  }
0x90: {  	s2 =	sld [smem:$0x3FD0];
	_ =	sdelay $0x2  }
0x91: {  	s15 =	simm.s32 $0xA;
	s4 =	simm.s32 $0x10  }
0x92: {  	[smem:s4], [sflag:s15] =	dma.local [hbm:s2], $0x1  }
0x93: {  	_ =	swait.eq [sflag:s15], $0x1  }
0x94: {  	[sflag:s15] =	ssyncset.done $0x0  }
0x95: {  	[sflag:s15] =	ssyncadd.s32 $0xFFFFFFFF  }
0x96: {  	s16 =	sld [smem:$0x11];
	(tm) =	ssettm $0x1  }
0x97: {  	s17 =	sld [smem:$0x3FFB];
	_ =	sdelay $0x3  }
0x98: {  	_ =	strace s17  }
0x99: {  	s3 =	sld [smem:$0x3FFC];
	_ =	sdelay $0x3  }
0x9a: {  	_ =	strace s3  }
0x9b: {  	s3 =	sld [smem:$0x3FFD];
	_ =	sdelay $0x3  }
0x9c: {  	_ =	strace s3  }
0x9d: {  	_ =	strace $0x8FFFFFFF  }
0x9e: {  	s18 =	sld [smem:$0x3FDB];
	_ =	sdelay $0x1  }
0x9f: {  	s19 =	simm.s32 $_scs_section_size  }
0xa0: {  	s5 =	simm.s32 $_size__tile_overlayer_lowered;
	s6 =	simm.s32 $_tile_overlayer_lowered  }
0xa1: {  	s22 =	simm.s32 $0x1BFF;
	s21 =	sshll.u32 s6, $0x1;
	s3 =	sadd.s32 s19, s18  }
0xa2: {  	s7 =	simm.s32 $0x0;
	s20 =	sshll.u32 s5, $0x1;
	s5 =	sadd.s32 s21, s3  }
0xa3: {  	[timem:s7], [sflag:s22] =	dma.local [hbm:s5], s20  }
0xa4: {  	_ =	swait.ge [sflag:s22], s20  }
0xa5: {  	s4 =	ssub.s32 $0x0, s20;
	[sflag:s22] =	ssyncset.done $0x0  }
0xa6: {  	[sflag:s22] =	ssyncadd.s32 s4;
	_ =	sdelay $0x1  }
0xa7: {  	s23 =	simm.s32 $0x1B8B  }
0xa8: {  	_ =	swait.ge [sflag:s23], $0x1  }
0xa9: {  	[sflag:s23] =	ssyncset.done $0x0  }
0xaa: {  	s25 =	simm.s32 $0x1B8E;
	s24 =	sld [smem:$0x3FFE];
	[sflag:s23] =	ssyncadd.s32 $0xFFFFFFFF  }
0xab: {  	s26 =	simm.s32 $execute0_lowered;
	[smem:$0x3FD2] =	sst s25  }
0xac: {  	s5 =	sshll.u32 s26, $0x1;
	_ =	strace $0x80000049;
	[dreg:$0x1] =	wrdreg $0xFFFFFFFF  }
0xad: {  	s28 =	simm.s32 $_size_execute0_lowered;
	s3 =	sadd.s32 s3, s5;
	[dreg:$0x0] =	wrdreg $0x0  }
0xae: {  	s5 =	sshll.u32 s28, $0x1;
	[dreg:$0x2] =	wrdreg s3  }
0xaf: {  	[dreg:$0x3] =	wrdreg s5  }
0xb0: {  	[dreg:$0x4] =	wrdreg $0xC0  }
0xb1: {  	_ =	task [dreg:s7], $0x5FFFF  }
0xb2: {  	[dreg:$0x1] =	wrdreg $0xFFFFFFFF  }
0xb3: {  	[dreg:$0x0] =	wrdreg $0x60  }
0xb4: {  	[dreg:$0x2] =	wrdreg s24  }
0xb5: {  	[dreg:$0x3] =	wrdreg s16  }
0xb6: {  	[dreg:$0x4] =	wrdreg $0x9  }
0xb7: {  	_ =	task.clear_ibuf [dreg:s7], $0x5FFFF;
	_ =	strace $0x90000049  }
0xb8: {  	s29 =	simm.s32 $0x9;
	_ =	strace $0x8000004B  }
0xb9: {  	_ =	swait.ge [sflag:s29], $0x1  }
0xba: {  	[sflag:s29] =	ssyncadd.s32 $0xFFFFFFFF  }
0xbb: {  	_ =	strace $0x9000004B  }
0xbc: {  	_ =	sfence  }
0xbd: {  	s30 =	sld [smem:$0x0];
	_ =	sdelay $0x2  }
0xbe: {  	s31 =	sshll.u32 s1, $0xD;
	s1 =	sshrl.u32 s1, $0x2  }
0xbf: {  	s3 =	sand.u32 $0x4000, s31;
	s1 =	sadd.s32 s1, s30  }
0xc0: {  	s0 =	sor.u32 s3, s0;
	s1 =	sshll.u32 s1, $0x11  }
0xc1: {  	s0 =	sor.u32 s1, s0  }
0xc2: {  	s0 =	sadd.s32 $0x8F2B, s0  }
0xc3: {  	[sflag:s0] =	ssyncadd.remote.s32 $0x1  }
0xc4: {  	_ =	sfence.sel $0xFFFF  }
0xc5: {  	[dreg:$0x0] =	wrdreg $0xFFFFFFFF;
	(pc) =	sbr.abs _section_cstart, $3  }
0xc6: {  	[dreg:$0x1] =	wrdreg $0xFFFFFFFF  }
0xc7: {  	_ =	task.clear_ibuf [dreg:s7], $0x2FFFF;
	_ =	strace $0x9FFFFFFF  }
0xc8: {  	(tm) =	ssettm $0x7FFFFFFF  }
0xc9: {  	_ =	shalt  }
tec
execute0_lowered:
.L_overlay_start_1:
0x0: {  	(tag) =	ssettag $0x1  }
0x1: {  	s4 =	rddreg [dreg:$0x0]  }
0x2: {  	s5 =	rddreg [dreg:$0x1]  }
0x3: {  	s0 =	rddreg [dreg:$0x2]  }
0x4: {  	s1 =	stileid.u32;
	s3 =	srdreg.scid  }
0x5: {  	s2 =	simm.s32 $0x0;
	s11 =	simm.s32 $0x0;
	s6 =	sand.u32 $0x1, s3  }
0x6: {  	s30 =	sshll.u32 s1, $0x1;
	[smem:$0x7FF] =	sst s2;
	s7 =	smul.u32 $0x52800, s1  }
0x7: {  	s3 =	sor.u32 s6, s30;
	s8 =	ssub.s32 $0x2, s6;
	s6 =	smul.u32 $0x29400, s6  }
0x8: {  	_ =	strace $0x8000004A;
	s9 =	smul.u32 $0x1E00, s3;
	s10 =	sshrl.u32 s8, $0x1  }
0x9: {  	s3 =	sadd.s32 $0x414400, s4;
	s7 =	sadd.s32 s7, s4;
	s8 =	ssub.s32 s8, s10  }
0xa: {  	s6 =	sadd.s32 s6, s7;
	s7 =	simm.s32 $0x2;
	s10 =	simm.s32 $0x1  }
0xb: {  	s31 =	sshrl.u32 s9, $0x3;
	s6 =	sadd.s32 $0x440400, s6;
	s9 =	simm.s32 $0x1E00  }
0xc: {  	s4 =	sadd.s32 s5, s31;
	s5 =	smax.u32 s8, $0x1;
	s8 =	simm.s32 $0x80  }
.LBB2_1:
0xd: {  	[tilespmem:s2], [sflag:$0x2] =	stream.linear.gather [hbm4b:s4+s2], $0x1E00, $0x38;
	[tilespmem:$0x7600] =	vst v63  }
0xe: {  	_ =	swait.ge [sflag:s7], $0x1E00  }
0xf: {  	[sflag:s7] =	ssyncset.done $0x0  }
0x10: {  	s12 =	simm.s32 $0x0;
	[sflag:s7] =	ssyncadd.s32 $0xFFFFE200  }
0x11: {  	[tilespmem:s9], [sflag:$0x1] =	stream.indirect.gather [hbm4b:s3+s8], $0xB0, s12, s8, $0xb8;
	[tilespmem:$0x7600] =	vst v63  }
0x12: {  	_ =	swait.ge [sflag:s10], $0x5800  }
0x13: {  	[sflag:s10] =	ssyncset.done $0x0  }
0x14: {  	[sflag:s10] =	ssyncadd.s32 $0xFFFFA800  }
0x15: {  	[hbm4b:s6+s2] =	stream.linear.scatter [tilespmem:s9], [sflag:$0x2], $0x5800, $0x38;
	[tilespmem:$0x7600] =	vst v63  }
0x16: {  	s13 =	simm.s32 $0x200;
	_ =	swait.ge [sflag:s7], $0x5800  }
0x17: {  	s14 =	simm.s32 $0x400;
	s12 =	sadd.s32 $0xB00, s6;
	[sflag:s7] =	ssyncset.done $0x0  }
.LBB2_2:
0x18: {  	s15 =	sshra.s32 s13, $0x2  }
0x19: {  	[sflag:s7] =	ssyncadd.s32 $0xFFFFA800;
	s13 =	smov.u32 s14;
	s16 =	sadd.s32 $0x200, s14  }
0x1a: {  	[tilespmem:s9], [sflag:$0x1] =	stream.indirect.gather [hbm4b:s3+s8], $0xB0, s15, s8, $0xb8;
	[tilespmem:$0x7600] =	vst v63  }
0x1b: {  	p0 =	sne.s32 s14, $0x7600;
	_ =	swait.ge [sflag:s10], $0x5800  }
.Ltmp0:
0x1c: {  	[sflag:s10] =	ssyncset.done $0x0;
	(pc) =	sbr.rel @p0 .LBB2_2-.Ltmp0, $4  }
0x1d: {  	[sflag:s10] =	ssyncadd.s32 $0xFFFFA800  }
0x1e: {  	[hbm4b:s12+s2] =	stream.linear.scatter [tilespmem:s9], [sflag:$0x2], $0x5800, $0x38;
	[tilespmem:$0x7600] =	vst v63  }
0x1f: {  	_ =	swait.ge [sflag:s7], $0x5800  }
0x20: {  	s14 =	smov.u32 s16;
	s12 =	sadd.s32 $0xB00, s12;
	[sflag:s7] =	ssyncset.done $0x0  }
0x21: {  	s13 =	sshra.s32 s13, $0x2;
	[sflag:s7] =	ssyncadd.s32 $0xFFFFA800  }
0x22: {  	[tilespmem:s9], [sflag:$0x1] =	stream.indirect.gather [hbm4b:s3+s8], $0xB0, s13, s8, $0xb8;
	[tilespmem:$0x7600] =	vst v63  }
0x23: {  	s11 =	sadd.s32 $0x1, s11;
	_ =	swait.ge [sflag:s10], $0x5800  }
0x24: {  	p0 =	sne.s32 s11, s5;
	[sflag:s10] =	ssyncset.done $0x0  }
.Ltmp1:
0x25: {  	[sflag:s10] =	ssyncadd.s32 $0xFFFFA800;
	(pc) =	sbr.rel @p0 .LBB2_1-.Ltmp1, $4  }
0x26: {  	[hbm4b:s12+s2] =	stream.linear.scatter [tilespmem:s9], [sflag:$0x2], $0x5800, $0x38;
	[tilespmem:$0x7600] =	vst v63  }
0x27: {  	_ =	swait.ge [sflag:s7], $0x5800  }
0x28: {  	[sflag:s7] =	ssyncset.done $0x0  }
0x29: {  	[sflag:s7] =	ssyncadd.s32 $0xFFFFA800  }
0x2a: {  	_ =	sfence.sel $0x180000  }
0x2b: {  	[bflag:$0x0] =	sbarrier.arrive $0xFFFF  }
0x2c: {  	p0 =	sne.s32 s1, $0x0;
	_ =	strace $0x9000004A  }
0x2d: {  	s0 =	sadd.s32 @!p0 $0x100000, s0;
	[bflag:$0x2] =	sbarrier.arrive $0xFFFF  }
0x2e: {  	[sflag:s0] =	ssyncadd.tile.s32 @!p0 $0x1;
	_ =	shalt  }
.Lfunc_end2:
_tile_overlayer_lowered:
.L_overlay_start_2:
0x2f: {  	(tag) =	ssettag $0x2  }
0x30: {  	s0 =	rddreg [dreg:$0x0];
	s2 =	stileid.u32  }
0x31: {  	s1 =	rddreg [dreg:$0x1];
	p0 =	sne.s32 s2, $0x0  }
0x32: {  	s3 =	rddreg [dreg:$0x2];
	[bflag:$0x3] =	sbarrier.arrive $0xFFFF;
	s2 =	simm.s32 @!p0 $0x1C02  }
0x33: {  	[timem:s3], [sflag:s2] =	dma.local @!p0 [hbm:s0], s1  }
0x34: {  	s0 =	simm.s32 @!p0 $0x2  }
0x35: {  	_ =	swait.ge @!p0 [sflag:s0], s1  }
0x36: {  	s1 =	ssub.s32 @!p0 $0x0, s1;
	[sflag:s0] =	ssyncset.done @!p0 $0x0  }
0x37: {  	[sflag:s0] =	ssyncadd.s32 @!p0 s1  }
0x38: {  	[bflag:$0x3] =	sbarrier.arrive $0xFFFF  }
0x39: {  	_ =	shalt  }

// kernel: kernel.17.cloned.1.call-start
scs
__scs_entry_jumppad:
0x0: {  	(pc) =	sbr.rel $0x88, $3  }
0x1: {  	(tag) =	ssettag $0x0;
	lr =	simm.s32 $0x1  }
0x2: {  	[smem:$0x3F29] =	sst lr;
	_ =	strace $0xD0000000  }
0x3: {  	_ = 	snop  }
0x4: {  	_ = 	snop  }
0x5: {  	_ = 	snop  }
0x6: {  	_ = 	snop  }
0x7: {  	_ = 	snop  }
__scs_overlays_trampoline_lowered:
0x8: {  	[smem:$0x3F38] =	sst s0  }
0x9: {  	[smem:$0x3F39] =	sst s1  }
0xa: {  	[smem:$0x3F3A] =	sst s2  }
0xb: {  	[smem:$0x3F3B] =	sst s3  }
0xc: {  	[smem:$0x3F3C] =	sst s4  }
0xd: {  	[smem:$0x3F3D] =	sst s5  }
0xe: {  	[smem:$0x3F3E] =	sst s6  }
0xf: {  	[smem:$0x3F3F] =	sst s7  }
0x10: {  	[smem:$0x3F40] =	sst s8  }
0x11: {  	[smem:$0x3F41] =	sst s9;
	s0 =	simm.s32 @!p0 $0x0  }
0x12: {  	s1 =	sld [smem:$0x3F27];
	s0 =	simm.s32 @p0 $0x1  }
0x13: {  	[smem:$0x3F42] =	sst s0;
	s0 =	simm.s32 @!p1 $0x0  }
0x14: {  	s2 =	sld [smem:$0x3F26];
	s0 =	simm.s32 @p1 $0x1  }
0x15: {  	[smem:$0x3F43] =	sst s0;
	s0 =	simm.s32 @!p2 $0x0  }
0x16: {  	s3 =	sld [smem:$0x3FDB];
	s0 =	simm.s32 @p2 $0x1  }
0x17: {  	s4 =	simm.s32 $0x1BF5;
	[smem:$0x3F45] =	sst s0  }
0x18: {  	s0 =	sld [smem:$0x3F28];
	_ =	swait.ge [sflag:s4], $0x0  }
0x19: {  	s7 =	sld [smem:$0x3F29]  }
0x1a: {  	s8 =	sadd.s32 $0xFFFFE003, lr  }
0x1b: {  	s9 =	sadd.s32 $0xFFFFFEF7, lr;
	s5 =	simm.s32 $0xFFFFFFFF;
	p2 =	slt.u32 s8, $0xFFFFF086  }
0x1c: {  	p1 =	slt.u32 s9, $0xF7A;
	s5 =	simm.s32 @!p2 $0x0  }
0x1d: {  	s5 =	simm.s32 @p1 $0x1;
	p0 =	seq.s32 s7, s2  }
0x1e: {  	s7 =	smul.u32 @!p0 $0xF7A, s2;
	p2 =	seq.s32 @!p0 s5, $0x0  }
0x1f: {  	s9 =	smul.u32 $0xF7A, s1;
	s8 =	simm.s32 @!p0 $0x1BF5;
	p2 =	por !p2, p0  }
0x20: {  	[sflag:s8] =	ssyncset.s32 @!p0 $0xFFFFF086;
	s6 =	sadd.s32 @!p0 s3, s7;
	s7 =	simm.s32 @!p0 $0x108  }
0x21: {  	s3 =	sadd.s32 s3, s9;
	s6 =	sadd.s32 @!p0 $0x88, s6;
	s7 =	simm.s32 @p2 $0x1082  }
0x22: {  	[simem:s7], [sflag:s8] =	dma.local @!p0 [hbm:s6], $0xF7A  }
0x23: {  	s9 =	sor.u32 $0xD0000000, s2;
	s6 =	simm.s32 $0x108;
	_ =	swait.ge @!p0 [sflag:s8], $0x0  }
0x24: {  	s3 =	sadd.s32 $0x88, s3;
	s6 =	simm.s32 @!p1 $0x1082;
	[sflag:s4] =	ssyncset.s32 $0xFFFFF086  }
0x25: {  	[simem:s6], [sflag:s4] =	dma.local [hbm:s3], $0xF7A  }
0x26: {  	[smem:$0x3F29] =	sst s1;
	(tag) =	ssettag s2;
	_ =	strace s9  }
0x27: {  	s1 =	sld [smem:$0x3F39]  }
0x28: {  	s2 =	sld [smem:$0x3F3A]  }
0x29: {  	s4 =	sld [smem:$0x3F3C]  }
0x2a: {  	p0 =	seq.s32 s5, $0x0;
	s5 =	sld [smem:$0x3F3D]  }
0x2b: {  	s6 =	sld [smem:$0x3F3E]  }
0x2c: {  	s7 =	sld [smem:$0x3F3F]  }
0x2d: {  	s3 =	simm.s32 $0x108;
	s8 =	sld [smem:$0x3F40]  }
0x2e: {  	s3 =	simm.s32 @!p0 $0x1082;
	s9 =	sld [smem:$0x3F41]  }
0x2f: {  	lr =	sadd.s32 s0, s3;
	s0 =	sld [smem:$0x3F38]  }
0x30: {  	s3 =	sld [smem:$0x3F3B]  }
0x31: {  	[smem:$0x3F44] =	sst s10  }
0x32: {  	s10 =	sld [smem:$0x3F42];
	_ =	sdelay $0x3  }
0x33: {  	p0 =	seq.s32 s10, $0x1;
	s10 =	sld [smem:$0x3F44];
	_ =	sdelay $0x3  }
0x34: {  	[smem:$0x3F44] =	sst s10  }
0x35: {  	s10 =	sld [smem:$0x3F43];
	_ =	sdelay $0x3  }
0x36: {  	p1 =	seq.s32 s10, $0x1;
	s10 =	sld [smem:$0x3F44];
	_ =	sdelay $0x3  }
0x37: {  	[smem:$0x3F44] =	sst s10  }
0x38: {  	s10 =	sld [smem:$0x3F45]  }
0x39: {  	_ = 	snop;
	(pc) =	sbr.ind lr, $3  }
0x3a: {  	_ = 	snop  }
0x3b: {  	_ = 	snop  }
0x3c: {  	p2 =	seq.s32 s10, $0x1;
	s10 =	sld [smem:$0x3F44]  }
0x3d: {  	_ =	shalt  }
0x3e: {  	_ =	shalt  }
0x3f: {  	_ =	shalt  }
0x40: {  	_ =	shalt  }
0x41: {  	_ =	shalt  }
0x42: {  	_ =	shalt  }
0x43: {  	_ =	shalt  }
0x44: {  	_ =	shalt  }
0x45: {  	_ =	shalt  }
0x46: {  	_ =	shalt  }
0x47: {  	_ =	shalt  }
0x48: {  	_ =	shalt  }
0x49: {  	_ =	shalt  }
0x4a: {  	_ =	shalt  }
0x4b: {  	_ =	shalt  }
0x4c: {  	_ =	shalt  }
0x4d: {  	_ =	shalt  }
0x4e: {  	_ =	shalt  }
0x4f: {  	_ =	shalt  }
0x50: {  	_ =	shalt  }
0x51: {  	_ =	shalt  }
0x52: {  	_ =	shalt  }
0x53: {  	_ =	shalt  }
0x54: {  	_ =	shalt  }
0x55: {  	_ =	shalt  }
0x56: {  	_ =	shalt  }
0x57: {  	_ =	shalt  }
0x58: {  	_ =	shalt  }
0x59: {  	_ =	shalt  }
0x5a: {  	_ =	shalt  }
0x5b: {  	_ =	shalt  }
0x5c: {  	_ =	shalt  }
0x5d: {  	_ =	shalt  }
0x5e: {  	_ =	shalt  }
0x5f: {  	_ =	shalt  }
0x60: {  	_ =	shalt  }
0x61: {  	_ =	shalt  }
0x62: {  	_ =	shalt  }
0x63: {  	_ =	shalt  }
0x64: {  	_ =	shalt  }
0x65: {  	_ =	shalt  }
0x66: {  	_ =	shalt  }
0x67: {  	_ =	shalt  }
0x68: {  	_ =	shalt  }
0x69: {  	_ =	shalt  }
0x6a: {  	_ =	shalt  }
0x6b: {  	_ =	shalt  }
0x6c: {  	_ =	shalt  }
0x6d: {  	_ =	shalt  }
0x6e: {  	_ =	shalt  }
0x6f: {  	_ =	shalt  }
0x70: {  	_ =	shalt  }
0x71: {  	_ =	shalt  }
0x72: {  	_ =	shalt  }
0x73: {  	_ =	shalt  }
0x74: {  	_ =	shalt  }
0x75: {  	_ =	shalt  }
0x76: {  	_ =	shalt  }
0x77: {  	_ =	shalt  }
0x78: {  	_ =	shalt  }
0x79: {  	_ =	shalt  }
0x7a: {  	_ =	shalt  }
0x7b: {  	_ =	shalt  }
0x7c: {  	_ =	shalt  }
0x7d: {  	_ =	shalt  }
0x7e: {  	_ =	shalt  }
0x7f: {  	_ =	shalt  }
0x80: {  	_ =	shalt  }
0x81: {  	_ =	shalt  }
0x82: {  	_ =	shalt  }
0x83: {  	_ =	shalt  }
0x84: {  	_ =	shalt  }
0x85: {  	_ =	shalt  }
0x86: {  	_ =	shalt  }
0x87: {  	_ =	shalt  }
.Lfunc_end0:
.L_simem_size_0:
called_computation.2_lowered:
.L_overlay_start_0:
0x88: {  	s2 =	sld [smem:$0x3FD9]  }
0x89: {  	s3 =	sld [smem:$0x3FFE];
	_ =	sdelay $0x1  }
0x8a: {  	s1 =	srdreg.scid  }
0x8b: {  	s0 =	sand.u32 $0x1, s1  }
0x8c: {  	s14 =	sshll.u32 s0, $0xA;
	s2 =	sadd.s32 s3, s2  }
0x8d: {  	s2 =	sadd.s32 s2, s14  }
0x8e: {  	[smem:$0x3F50] =	sst s2  }
0x8f: {  	_ = 	snop  }
0x90: {  	s2 =	sld [smem:$0x3FD0];
	_ =	sdelay $0x2  }
0x91: {  	s15 =	simm.s32 $0xA;
	s4 =	simm.s32 $0x10  }
0x92: {  	[smem:s4], [sflag:s15] =	dma.local [hbm:s2], $0x1  }
0x93: {  	_ =	swait.eq [sflag:s15], $0x1  }
0x94: {  	[sflag:s15] =	ssyncset.done $0x0  }
0x95: {  	[sflag:s15] =	ssyncadd.s32 $0xFFFFFFFF  }
0x96: {  	s16 =	sld [smem:$0x11];
	(tm) =	ssettm $0x1  }
0x97: {  	s17 =	sld [smem:$0x3FFB];
	_ =	sdelay $0x3  }
0x98: {  	_ =	strace s17  }
0x99: {  	s3 =	sld [smem:$0x3FFC];
	_ =	sdelay $0x3  }
0x9a: {  	_ =	strace s3  }
0x9b: {  	s3 =	sld [smem:$0x3FFD];
	_ =	sdelay $0x3  }
0x9c: {  	_ =	strace s3  }
0x9d: {  	_ =	strace $0x8FFFFFFF  }
0x9e: {  	s18 =	sld [smem:$0x3FDB];
	_ =	sdelay $0x1  }
0x9f: {  	s19 =	simm.s32 $_scs_section_size  }
0xa0: {  	s5 =	simm.s32 $_size__tile_overlayer_lowered;
	s6 =	simm.s32 $_tile_overlayer_lowered  }
0xa1: {  	s22 =	simm.s32 $0x1BFF;
	s21 =	sshll.u32 s6, $0x1;
	s3 =	sadd.s32 s19, s18  }
0xa2: {  	s7 =	simm.s32 $0x0;
	s20 =	sshll.u32 s5, $0x1;
	s5 =	sadd.s32 s21, s3  }
0xa3: {  	[timem:s7], [sflag:s22] =	dma.local [hbm:s5], s20  }
0xa4: {  	_ =	swait.ge [sflag:s22], s20  }
0xa5: {  	s4 =	ssub.s32 $0x0, s20;
	[sflag:s22] =	ssyncset.done $0x0  }
0xa6: {  	[sflag:s22] =	ssyncadd.s32 s4;
	_ =	sdelay $0x1  }
0xa7: {  	s23 =	simm.s32 $0x1B8B  }
0xa8: {  	_ =	swait.ge [sflag:s23], $0x1  }
0xa9: {  	[sflag:s23] =	ssyncset.done $0x0  }
0xaa: {  	s25 =	simm.s32 $0x1B8E;
	s24 =	sld [smem:$0x3FFE];
	[sflag:s23] =	ssyncadd.s32 $0xFFFFFFFF  }
0xab: {  	s26 =	simm.s32 $execute0_lowered;
	[smem:$0x3FD2] =	sst s25  }
0xac: {  	s5 =	sshll.u32 s26, $0x1;
	_ =	strace $0x8000004C;
	[dreg:$0x1] =	wrdreg $0xFFFFFFFF  }
0xad: {  	s28 =	simm.s32 $_size_execute0_lowered;
	s3 =	sadd.s32 s3, s5;
	[dreg:$0x0] =	wrdreg $0x0  }
0xae: {  	s5 =	sshll.u32 s28, $0x1;
	[dreg:$0x2] =	wrdreg s3  }
0xaf: {  	[dreg:$0x3] =	wrdreg s5  }
0xb0: {  	[dreg:$0x4] =	wrdreg $0xC0  }
0xb1: {  	_ =	task [dreg:s7], $0x5FFFF  }
0xb2: {  	[dreg:$0x1] =	wrdreg $0xFFFFFFFF  }
0xb3: {  	[dreg:$0x0] =	wrdreg $0x60  }
0xb4: {  	[dreg:$0x2] =	wrdreg s24  }
0xb5: {  	[dreg:$0x3] =	wrdreg s16  }
0xb6: {  	[dreg:$0x4] =	wrdreg $0x9  }
0xb7: {  	_ =	task.clear_ibuf [dreg:s7], $0x5FFFF;
	_ =	strace $0x9000004C  }
0xb8: {  	s29 =	simm.s32 $0x9;
	_ =	strace $0x8000004E  }
0xb9: {  	_ =	swait.ge [sflag:s29], $0x1  }
0xba: {  	[sflag:s29] =	ssyncadd.s32 $0xFFFFFFFF  }
0xbb: {  	_ =	strace $0x9000004E  }
0xbc: {  	_ =	sfence  }
0xbd: {  	s30 =	sld [smem:$0x0];
	_ =	sdelay $0x2  }
0xbe: {  	s31 =	sshll.u32 s1, $0xD;
	s1 =	sshrl.u32 s1, $0x2  }
0xbf: {  	s3 =	sand.u32 $0x4000, s31;
	s1 =	sadd.s32 s1, s30  }
0xc0: {  	s0 =	sor.u32 s3, s0;
	s1 =	sshll.u32 s1, $0x11  }
0xc1: {  	s0 =	sor.u32 s1, s0  }
0xc2: {  	s0 =	sadd.s32 $0x8F2B, s0  }
0xc3: {  	[sflag:s0] =	ssyncadd.remote.s32 $0x1  }
0xc4: {  	_ =	sfence.sel $0xFFFF  }
0xc5: {  	[dreg:$0x0] =	wrdreg $0xFFFFFFFF;
	(pc) =	sbr.abs _section_cstart, $3  }
0xc6: {  	[dreg:$0x1] =	wrdreg $0xFFFFFFFF  }
0xc7: {  	_ =	task.clear_ibuf [dreg:s7], $0x2FFFF;
	_ =	strace $0x9FFFFFFF  }
0xc8: {  	(tm) =	ssettm $0x7FFFFFFF  }
0xc9: {  	_ =	shalt  }
tec
execute0_lowered:
.L_overlay_start_1:
0x0: {  	(tag) =	ssettag $0x1  }
0x1: {  	s4 =	rddreg [dreg:$0x0]  }
0x2: {  	s5 =	rddreg [dreg:$0x1]  }
0x3: {  	s0 =	rddreg [dreg:$0x2]  }
0x4: {  	s1 =	stileid.u32;
	s3 =	srdreg.scid  }
0x5: {  	s2 =	simm.s32 $0x0;
	s11 =	simm.s32 $0x0;
	s6 =	sand.u32 $0x1, s3  }
0x6: {  	s30 =	sshll.u32 s1, $0x1;
	[smem:$0x7FF] =	sst s2;
	s7 =	smul.u32 $0x52800, s1  }
0x7: {  	s3 =	sor.u32 s6, s30;
	s8 =	ssub.s32 $0x2, s6;
	s6 =	smul.u32 $0x29400, s6  }
0x8: {  	_ =	strace $0x8000004D;
	s9 =	smul.u32 $0x1E00, s3;
	s10 =	sshrl.u32 s8, $0x1  }
0x9: {  	s3 =	sadd.s32 $0x414400, s4;
	s7 =	sadd.s32 s7, s4;
	s8 =	ssub.s32 s8, s10  }
0xa: {  	s6 =	sadd.s32 s6, s7;
	s7 =	simm.s32 $0x2;
	s10 =	simm.s32 $0x1  }
0xb: {  	s31 =	sshrl.u32 s9, $0x3;
	s6 =	sadd.s32 $0x440400, s6;
	s9 =	simm.s32 $0x1E00  }
0xc: {  	s4 =	sadd.s32 s5, s31;
	s5 =	smax.u32 s8, $0x1;
	s8 =	simm.s32 $0x80  }
.LBB2_1:
0xd: {  	[tilespmem:s2], [sflag:$0x2] =	stream.linear.gather [hbm4b:s4+s2], $0x1E00, $0x38;
	[tilespmem:$0x7600] =	vst v63  }
0xe: {  	_ =	swait.ge [sflag:s7], $0x1E00  }
0xf: {  	[sflag:s7] =	ssyncset.done $0x0  }
0x10: {  	s12 =	simm.s32 $0x0;
	[sflag:s7] =	ssyncadd.s32 $0xFFFFE200  }
0x11: {  	[tilespmem:s9], [sflag:$0x1] =	stream.indirect.gather [hbm4b:s3+s8], $0xB0, s12, s8, $0xb8;
	[tilespmem:$0x7600] =	vst v63  }
0x12: {  	_ =	swait.ge [sflag:s10], $0x5800  }
0x13: {  	[sflag:s10] =	ssyncset.done $0x0  }
0x14: {  	[sflag:s10] =	ssyncadd.s32 $0xFFFFA800  }
0x15: {  	[hbm4b:s6+s2] =	stream.linear.scatter [tilespmem:s9], [sflag:$0x2], $0x5800, $0x38;
	[tilespmem:$0x7600] =	vst v63  }
0x16: {  	s13 =	simm.s32 $0x200;
	_ =	swait.ge [sflag:s7], $0x5800  }
0x17: {  	s14 =	simm.s32 $0x400;
	s12 =	sadd.s32 $0xB00, s6;
	[sflag:s7] =	ssyncset.done $0x0  }
.LBB2_2:
0x18: {  	s15 =	sshra.s32 s13, $0x2  }
0x19: {  	[sflag:s7] =	ssyncadd.s32 $0xFFFFA800;
	s13 =	smov.u32 s14;
	s16 =	sadd.s32 $0x200, s14  }
0x1a: {  	[tilespmem:s9], [sflag:$0x1] =	stream.indirect.gather [hbm4b:s3+s8], $0xB0, s15, s8, $0xb8;
	[tilespmem:$0x7600] =	vst v63  }
0x1b: {  	p0 =	sne.s32 s14, $0x7600;
	_ =	swait.ge [sflag:s10], $0x5800  }
.Ltmp0:
0x1c: {  	[sflag:s10] =	ssyncset.done $0x0;
	(pc) =	sbr.rel @p0 .LBB2_2-.Ltmp0, $4  }
0x1d: {  	[sflag:s10] =	ssyncadd.s32 $0xFFFFA800  }
0x1e: {  	[hbm4b:s12+s2] =	stream.linear.scatter [tilespmem:s9], [sflag:$0x2], $0x5800, $0x38;
	[tilespmem:$0x7600] =	vst v63  }
0x1f: {  	_ =	swait.ge [sflag:s7], $0x5800  }
0x20: {  	s14 =	smov.u32 s16;
	s12 =	sadd.s32 $0xB00, s12;
	[sflag:s7] =	ssyncset.done $0x0  }
0x21: {  	s13 =	sshra.s32 s13, $0x2;
	[sflag:s7] =	ssyncadd.s32 $0xFFFFA800  }
0x22: {  	[tilespmem:s9], [sflag:$0x1] =	stream.indirect.gather [hbm4b:s3+s8], $0xB0, s13, s8, $0xb8;
	[tilespmem:$0x7600] =	vst v63  }
0x23: {  	s11 =	sadd.s32 $0x1, s11;
	_ =	swait.ge [sflag:s10], $0x5800  }
0x24: {  	p0 =	sne.s32 s11, s5;
	[sflag:s10] =	ssyncset.done $0x0  }
.Ltmp1:
0x25: {  	[sflag:s10] =	ssyncadd.s32 $0xFFFFA800;
	(pc) =	sbr.rel @p0 .LBB2_1-.Ltmp1, $4  }
0x26: {  	[hbm4b:s12+s2] =	stream.linear.scatter [tilespmem:s9], [sflag:$0x2], $0x5800, $0x38;
	[tilespmem:$0x7600] =	vst v63  }
0x27: {  	_ =	swait.ge [sflag:s7], $0x5800  }
0x28: {  	[sflag:s7] =	ssyncset.done $0x0  }
0x29: {  	[sflag:s7] =	ssyncadd.s32 $0xFFFFA800  }
0x2a: {  	_ =	sfence.sel $0x180000  }
0x2b: {  	[bflag:$0x0] =	sbarrier.arrive $0xFFFF  }
0x2c: {  	p0 =	sne.s32 s1, $0x0;
	_ =	strace $0x9000004D  }
0x2d: {  	s0 =	sadd.s32 @!p0 $0x100000, s0;
	[bflag:$0x2] =	sbarrier.arrive $0xFFFF  }
0x2e: {  	[sflag:s0] =	ssyncadd.tile.s32 @!p0 $0x1;
	_ =	shalt  }
.Lfunc_end2:
_tile_overlayer_lowered:
.L_overlay_start_2:
0x2f: {  	(tag) =	ssettag $0x2  }
0x30: {  	s0 =	rddreg [dreg:$0x0];
	s2 =	stileid.u32  }
0x31: {  	s1 =	rddreg [dreg:$0x1];
	p0 =	sne.s32 s2, $0x0  }
0x32: {  	s3 =	rddreg [dreg:$0x2];
	[bflag:$0x3] =	sbarrier.arrive $0xFFFF;
	s2 =	simm.s32 @!p0 $0x1C02  }
0x33: {  	[timem:s3], [sflag:s2] =	dma.local @!p0 [hbm:s0], s1  }
0x34: {  	s0 =	simm.s32 @!p0 $0x2  }
0x35: {  	_ =	swait.ge @!p0 [sflag:s0], s1  }
0x36: {  	s1 =	ssub.s32 @!p0 $0x0, s1;
	[sflag:s0] =	ssyncset.done @!p0 $0x0  }
0x37: {  	[sflag:s0] =	ssyncadd.s32 @!p0 s1  }
0x38: {  	[bflag:$0x3] =	sbarrier.arrive $0xFFFF  }
0x39: {  	_ =	shalt  }

</sc_bundles>
